<compile_context>
chip_gen: v7x
topology: tpu7x:2x2x1
jax: 0.10.2.dev20260603
libtpu: 0.0.44.dev20260713+nightly
codegen_flags: <defaults>
</compile_context>

<pallas_src>
import jax
import jax.numpy as jnp
from jax import lax
from jax.experimental import pallas as pl
from jax.experimental.pallas import tpu as pltpu
from jax.experimental.pallas import tpu_sc as plsc

N = 10000
E = 320000
D = 128

NC = 2
NS = 16
FG = 8
ECHUNK = E // NC
W_E = 1600
N_WINDOWS = ECHUNK // W_E
NPAD = N + 1


def _mm_h_body(x_ref, fcw_ref, fcb_ref, h_ref):
    h_ref[...] = jax.nn.relu(
        jnp.dot(x_ref[...], fcw_ref[...].T, preferred_element_type=jnp.float32)
        + fcb_ref[...]
    )


def _compute_h(x, fc_W, fc_b):
    bn = 1000
    return pl.pallas_call(
        _mm_h_body,
        grid=(N // bn,),
        out_shape=jax.ShapeDtypeStruct((N, D), jnp.float32),
        in_specs=[
            pl.BlockSpec((bn, D), lambda i: (i, 0)),
            pl.BlockSpec((D, D), lambda i: (0, 0)),
            pl.BlockSpec((D,), lambda i: (0,)),
        ],
        out_specs=pl.BlockSpec((bn, D), lambda i: (i, 0)),
    )(x, fc_W, fc_b)


def _segmax_body(h_hbm, src_hbm, trg_hbm, out_hbm,
                 trgA, trgB, srcA, srcB, gidxA, gidxB, valsA, valsB,
                 agg, semA, semB, semIA, semIB):
    c = lax.axis_index("c")
    s = lax.axis_index("s")
    chunk_base = c * ECHUNK

    zeros16 = jnp.zeros((16,), jnp.float32)

    def zero_col(j, _):
        agg[pl.ds(j * 16, 16)] = zeros16
        return _
    lax.fori_loop(0, FG * NPAD // 16 + 1, zero_col, 0)

    iota = lax.iota(jnp.int32, 16)
    lane8 = jnp.bitwise_and(iota, 7)
    pair_base = (iota >= 8).astype(jnp.int32)
    swap_pat = jnp.bitwise_xor(iota, 1)
    lo_mask = iota < 8
    hi_mask = iota >= 8

    def issue_idx(w, src_buf, trg_buf, semi):
        woff = chunk_base + w * W_E
        pltpu.async_copy(src_hbm.at[pl.ds(woff, W_E)],
                         src_buf.at[pl.ds(0, W_E)], semi)
        pltpu.async_copy(trg_hbm.at[pl.ds(woff, W_E)], trg_buf, semi)

    def wait_idx(w, src_buf, trg_buf, semi):
        woff = chunk_base + w * W_E
        pltpu.make_async_copy(src_hbm.at[pl.ds(woff, W_E)],
                              src_buf.at[pl.ds(0, W_E)], semi).wait()
        pltpu.make_async_copy(trg_hbm.at[pl.ds(woff, W_E)],
                              trg_buf, semi).wait()

    def fire_gather(trg_buf, gidx_buf, vals_buf, sem):
        def build(k, _):
            o = k * 16
            gidx_buf[pl.ds(o, 16)] = trg_buf[pl.ds(o, 16)] * NS + s
            return _
        lax.fori_loop(0, W_E // 16, build, 0)
        pltpu.async_copy(h_hbm.at[gidx_buf], vals_buf, sem)

    def rmw_pair(src_buf, vals_buf, g, v, mask):
        pat = pair_base + 2 * v
        sel = plsc.load_gather(src_buf, [g * 16 + pat], mask=mask)
        aidx = lane8 * NPAD + sel
        vals = plsc.load_gather(vals_buf, [g * 16 + pat, lane8], mask=mask)
        cur = plsc.load_gather(agg, [aidx], mask=mask)
        plsc.store_scatter(agg, [aidx], jnp.maximum(cur, vals), mask=mask)

    def detect(src_buf, g):
        src_v = src_buf[pl.ds(g * 16, 16)]
        _cnt, last = plsc.scan_count(src_v)
        return jnp.all(last)

    def rmw_window(src_buf, vals_buf):
        def group2(t, carry):
            g0 = t * 2
            g1 = g0 + 1
            sv0 = src_buf[pl.ds(g0 * 16, 16)]
            sv1 = src_buf[pl.ds(g1 * 16, 16)]
            _c0, last0 = plsc.scan_count(sv0)
            _c1, last1 = plsc.scan_count(sv1)
            nodup = jnp.logical_and(jnp.all(last0), jnp.all(last1))
            aidxs, valss = [], []
            for g, sv in ((g0, sv0), (g1, sv1)):
                erow = g * 16 + iota
                for f in range(8):
                    aidxs.append(f * NPAD + sv)
                    valss.append(plsc.load_gather(vals_buf,
                                                  [erow, jnp.full((16,), f,
                                                         jnp.int32)]))
            for half in range(2):
                curs = []
                for f in range(8):
                    curs.append(plsc.load_gather(agg, [aidxs[half * 8 + f]]))
                for f in range(8):
                    plsc.store_scatter(
                        agg, [aidxs[half * 8 + f]],
                        jnp.maximum(curs[f], valss[half * 8 + f]))

            @pl.when(jnp.logical_not(nodup))
            def _fixup():
                for g in (g0, g1):
                    for v in range(8):
                        rmw_pair(src_buf, vals_buf, g, v, lo_mask)
                    for v in range(8):
                        rmw_pair(src_buf, vals_buf, g, v, hi_mask)
            return carry
        lax.fori_loop(0, W_E // 32, group2, 0)

    srcs = (srcA, srcB)
    trgs = (trgA, trgB)
    gidxs = (gidxA, gidxB)
    valss = (valsA, valsB)
    sems = (semA, semB)
    semis = (semIA, semIB)

    issue_idx(0, srcA, trgA, semIA)
    wait_idx(0, srcA, trgA, semIA)
    fire_gather(trgA, gidxA, valsA, semA)
    issue_idx(1, srcB, trgB, semIB)

    def outer(i, _):
        for b in range(2):
            w = i * 2 + b
            nxt = 1 - b

            @pl.when(w + 1 < N_WINDOWS)
            def _fire():
                wait_idx(w + 1, srcs[nxt], trgs[nxt], semis[nxt])
                fire_gather(trgs[nxt], gidxs[nxt], valss[nxt], sems[nxt])
            pltpu.make_async_copy(h_hbm.at[gidxs[b]], valss[b], sems[b]).wait()
            rmw_window(srcs[b], valss[b])

            @pl.when(w + 2 < N_WINDOWS)
            def _issue():
                issue_idx(w + 2, srcs[b], trgs[b], semis[b])
        return _
    lax.fori_loop(0, N_WINDOWS // 2, outer, 0)

    pltpu.sync_copy(agg.at[pl.ds(0, FG * NPAD)], out_hbm.at[c, s])


def _segmax(h_r, src, trg):
    mesh = plsc.VectorSubcoreMesh(core_axis_name="c", subcore_axis_name="s")
    kfn = pl.kernel(
        _segmax_body,
        out_type=jax.ShapeDtypeStruct((NC, NS, FG * NPAD), jnp.float32),
        mesh=mesh,
        compiler_params=pltpu.CompilerParams(use_tc_tiling_on_sc=False,
                                             needs_layout_passes=False),
        scratch_types=[
            pltpu.VMEM((W_E,), jnp.int32),
            pltpu.VMEM((W_E,), jnp.int32),
            pltpu.VMEM((W_E + 16,), jnp.int32),
            pltpu.VMEM((W_E + 16,), jnp.int32),
            pltpu.VMEM((W_E,), jnp.int32),
            pltpu.VMEM((W_E,), jnp.int32),
            pltpu.VMEM((W_E, FG), jnp.float32),
            pltpu.VMEM((W_E, FG), jnp.float32),
            pltpu.VMEM((FG * NPAD + 16,), jnp.float32),
            pltpu.SemaphoreType.DMA,
            pltpu.SemaphoreType.DMA,
            pltpu.SemaphoreType.DMA,
            pltpu.SemaphoreType.DMA,
        ],
    )
    return kfn(h_r, src, trg)


def _final_body(x_ref, a_ref, w_ref, out_ref):
    m = jnp.maximum(a_ref[0], a_ref[1])
    out_ref[...] = (
        jnp.dot(x_ref[...], w_ref[:D, :], preferred_element_type=jnp.float32)
        + lax.dot_general(m, w_ref[D:, :], (((0,), (0,)), ((), ())),
                          preferred_element_type=jnp.float32)
    )


def _final(x, aggT, W):
    return pl.pallas_call(
        _final_body,
        out_shape=jax.ShapeDtypeStruct((N, D), jnp.float32),
    )(x, aggT, W)


@jax.jit
def _run(x, idx, fc_W, fc_b, W):
    h = _compute_h(x, fc_W, fc_b)
    h_r = h.reshape(N * NS, FG)
    aggT = _segmax(h_r, idx[0], idx[1])
    aggT = aggT.reshape(NC, NS, FG, NPAD)[..., :N].reshape(NC, D, N)
    return _final(x, aggT, W)


def kernel(input_matrix, adjacency_coo_matrix, fc_W, fc_b, W):
    return _run(input_matrix, adjacency_coo_matrix, fc_W, fc_b, W)

# --- scband reference (transcript-rebuilt; emitter-appended) ---
"""Pipeline reference for scband-max-pool-aggregator-60387240181928 (READ-ONLY COPY).

The authoritative reference and input builder live on the scoring server;
editing this copy changes nothing except your own understanding.
"""

import jax, jax.numpy as jnp
import numpy as np

N = 10000
E = 320000
D_IN = 128
D_H = 128
D_OUT = 128

def setup_inputs(seed: int = 0) -> dict:
    key = jax.random.key(seed)
    k1, k2, k3, k4, k5 = jax.random.split(key, 5)
    x = jax.random.normal(k1, (N, D_IN), dtype=jnp.float32)
    edge_index = jax.random.randint(k2, (2, E), 0, N, dtype=jnp.int32)
    # fc_net: nn.Linear(input_feature_dim, hidden_feature_dim)
    fc_W = jax.random.normal(k3, (D_H, D_IN), dtype=jnp.float32) * (1.0 / np.sqrt(D_IN))
    fc_b = jax.random.normal(k4, (D_H,), dtype=jnp.float32) * 0.01
    # weights_matrix: (input + hidden, output), xavier-uniform-like
    limit = np.sqrt(6.0 / ((D_IN + D_H) + D_OUT))
    W = jax.random.uniform(k5, (D_IN + D_H, D_OUT), dtype=jnp.float32, minval=-limit, maxval=limit)
    return {"input_matrix": x, "adjacency_coo_matrix": edge_index, "fc_W": fc_W, "fc_b": fc_b, "W": W}

def reference(input_matrix, adjacency_coo_matrix, fc_W, fc_b, W):
    edge_src_idxs = adjacency_coo_matrix[0]
    edge_trg_idxs = adjacency_coo_matrix[1]
    # gather neighbor features
    neighbors = jnp.take(input_matrix, edge_trg_idxs, axis=0)
    # MLP + ReLU on each edge's neighbor feature
    neighbors_repr = jax.nn.relu(neighbors @ fc_W.T + fc_b)
    # scatter-max aggregation over source node ids
    agg = jax.ops.segment_max(neighbors_repr, edge_src_idxs, num_segments=input_matrix.shape[0])
    # segments with no edges get -inf from segment_max; torch_scatter uses 0 there
    agg = jnp.where(jnp.isneginf(agg), 0.0, agg)
    concat = jnp.concatenate([input_matrix, agg], axis=1)
    return concat @ W

if __name__ == "__main__":
    import jax
    _d = setup_inputs()
    print(jax.jit(kernel)(*tuple(_d.values())))

</pallas_src>

<mosaic_0001>
#map = affine_map<(d0, d1) -> (0, 0)>
#map1 = affine_map<(d0, d1) -> (0)>
#map2 = affine_map<(d0, d1) -> (0, 0, 0)>
module attributes {stable_mosaic.version = 14 : i64} {
  func.func @_segmax_body(%arg0: i32, %arg1: i32, %arg2: memref<160000x8xf32, #tpu.memory_space<hbm>>, %arg3: memref<320000xi32, #tpu.memory_space<hbm>>, %arg4: memref<320000xi32, #tpu.memory_space<hbm>>, %arg5: memref<2x16x80008xf32, #tpu.memory_space<hbm>>, %arg6: memref<1600xi32, #tpu.memory_space<vmem>>, %arg7: memref<1600xi32, #tpu.memory_space<vmem>>, %arg8: memref<1616xi32, #tpu.memory_space<vmem>>, %arg9: memref<1616xi32, #tpu.memory_space<vmem>>, %arg10: memref<1600xi32, #tpu.memory_space<vmem>>, %arg11: memref<1600xi32, #tpu.memory_space<vmem>>, %arg12: memref<1600x8xf32, #tpu.memory_space<vmem>>, %arg13: memref<1600x8xf32, #tpu.memory_space<vmem>>, %arg14: memref<80024xf32, #tpu.memory_space<vmem>>, %arg15: memref<!tpu.dma_semaphore, #tpu.memory_space<semaphore_mem>>, %arg16: memref<!tpu.dma_semaphore, #tpu.memory_space<semaphore_mem>>, %arg17: memref<!tpu.dma_semaphore, #tpu.memory_space<semaphore_mem>>, %arg18: memref<!tpu.dma_semaphore, #tpu.memory_space<semaphore_mem>>) attributes {dimension_semantics = [#tpu.dimension_semantics<core_parallel>, #tpu.dimension_semantics<subcore_parallel>], iteration_bounds = array<i64: 2, 16>, scalar_prefetch = 0 : i64, scratch_operands = 13 : i64, tpu.core_type = #tpu.core_type<sc_vector_subcore>, window_params = [{transform_indices = #map}, {transform_indices = #map1}, {transform_indices = #map1}, {transform_indices = #map2}]} {
    %mul3A = arith.constant 160000 : i32
    %mul3A_0 = arith.muli %arg0, %mul3A : i32
    %broadcast_in_dim3A = arith.constant 0.000000e+00 : f32
    %broadcast_in_dim3A_1 = vector.broadcast %broadcast_in_dim3A : f32 to vector<16xf32>
    %scan3A = arith.constant 0 : i32
    %scan3A_2 = arith.constant 0 : i32
    %scan3A_3 = arith.constant 5001 : i32
    %scan3A_4 = arith.addi %scan3A_2, %scan3A_3 : i32
    %scan3A_5 = arith.constant 1 : i32
    scf.for %scan3A_60 = %scan3A_2 to %scan3A_4 step %scan3A_5  : i32 {
      %mul3A_61 = arith.constant 16 : i32
      %mul3A_62 = arith.muli %scan3A_60, %mul3A_61 : i32
      %swap3A = arith.index_cast %mul3A_62 : i32 to index
      %swap3A_63 = tpu.vector_load %arg14[%swap3A] {strides = array<i32>} : memref<80024xf32, #tpu.memory_space<vmem>>, vector<16xf32>,
      tpu.vector_store %arg14[%swap3A], %broadcast_in_dim3A_1 {strides = array<i32>} : memref<80024xf32, #tpu.memory_space<vmem>>, vector<16xf32>,
    }
    %scan3A_6 = arith.constant 5001 : i32
    %iota3A = tpu.iota {dimensions = array<i32: 0>} : vector<16xi32>
    %and3A = arith.constant 7 : i32
    %and3A_7 = vector.broadcast %and3A : i32 to vector<16xi32>
    %and3A_8 = arith.andi %iota3A, %and3A_7 : vector<16xi32>
    %ge3A = arith.constant 8 : i32
    %ge3A_9 = vector.broadcast %ge3A : i32 to vector<16xi32>
    %ge3A_10 = arith.cmpi sge, %iota3A, %ge3A_9 : vector<16xi32>
    %convert_element_type3A = arith.extui %ge3A_10 : vector<16xi1> to vector<16xi32>
    %xor3A = arith.constant 1 : i32
    %xor3A_11 = vector.broadcast %xor3A : i32 to vector<16xi32>
    %xor3A_12 = arith.xori %iota3A, %xor3A_11 : vector<16xi32>
    %lt3A = arith.constant 8 : i32
    %lt3A_13 = vector.broadcast %lt3A : i32 to vector<16xi32>
    %lt3A_14 = arith.cmpi slt, %iota3A, %lt3A_13 : vector<16xi32>
    %ge3A_15 = arith.constant 8 : i32
    %ge3A_16 = vector.broadcast %ge3A_15 : i32 to vector<16xi32>
    %ge3A_17 = arith.cmpi sge, %iota3A, %ge3A_16 : vector<16xi32>
    %add3A = arith.constant 0 : i32
    %add3A_18 = arith.addi %mul3A_0, %add3A : i32
    %dma_start3A = arith.constant 0 : i32
    %dma_start3A_19 = tpu.memref_slice %arg8[%dma_start3A] : memref<1616xi32, #tpu.memory_space<vmem>> -> memref<1600xi32, #tpu.memory_space<vmem>>
    %dma_start3A_20 = tpu.memref_slice %arg3[%add3A_18] : memref<320000xi32, #tpu.memory_space<hbm>> -> memref<1600xi32, #tpu.memory_space<hbm>>
    %dma_start3A_21 = arith.constant 0 : i32
    %dma_start3A_22 = tpu.memref_slice %arg8[%dma_start3A_21] : memref<1616xi32, #tpu.memory_space<vmem>> -> memref<1600xi32, #tpu.memory_space<vmem>>
    %dma_start3A_23 = tpu.memref_slice %arg3[%add3A_18] : memref<320000xi32, #tpu.memory_space<hbm>> -> memref<1600xi32, #tpu.memory_space<hbm>>
    tpu.enqueue_dma source(%dma_start3A_23 : memref<1600xi32, #tpu.memory_space<hbm>>) target(%dma_start3A_22 : memref<1600xi32, #tpu.memory_space<vmem>>) target_semaphore(%arg17 : memref<!tpu.dma_semaphore, #tpu.memory_space<semaphore_mem>>)
    %dma_start3A_24 = tpu.memref_slice %arg4[%add3A_18] : memref<320000xi32, #tpu.memory_space<hbm>> -> memref<1600xi32, #tpu.memory_space<hbm>>
    %dma_start3A_25 = tpu.memref_slice %arg4[%add3A_18] : memref<320000xi32, #tpu.memory_space<hbm>> -> memref<1600xi32, #tpu.memory_space<hbm>>
    tpu.enqueue_dma source(%dma_start3A_25 : memref<1600xi32, #tpu.memory_space<hbm>>) target(%arg6 : memref<1600xi32, #tpu.memory_space<vmem>>) target_semaphore(%arg17 : memref<!tpu.dma_semaphore, #tpu.memory_space<semaphore_mem>>)
    %add3A_26 = arith.constant 0 : i32
    %add3A_27 = arith.addi %mul3A_0, %add3A_26 : i32
    %dma_wait3A = arith.constant 0 : i32
    %dma_wait3A_28 = tpu.memref_slice %arg8[%dma_wait3A] : memref<1616xi32, #tpu.memory_space<vmem>> -> memref<1600xi32, #tpu.memory_space<vmem>>
    %dma_wait3A_29 = tpu.memref_slice %arg3[%add3A_27] : memref<320000xi32, #tpu.memory_space<hbm>> -> memref<1600xi32, #tpu.memory_space<hbm>>
    %dma_wait3A_30 = arith.constant 0 : i32
    %dma_wait3A_31 = tpu.memref_slice %arg8[%dma_wait3A_30] : memref<1616xi32, #tpu.memory_space<vmem>> -> memref<1600xi32, #tpu.memory_space<vmem>>
    %dma_wait3A_32 = tpu.memref_slice %arg3[%add3A_27] : memref<320000xi32, #tpu.memory_space<hbm>> -> memref<1600xi32, #tpu.memory_space<hbm>>
    tpu.wait_dma2 semaphore(%arg17 : memref<!tpu.dma_semaphore, #tpu.memory_space<semaphore_mem>>) src(%dma_wait3A_32 : memref<1600xi32, #tpu.memory_space<hbm>>) dst(%dma_wait3A_31 : memref<1600xi32, #tpu.memory_space<vmem>>)
    %dma_wait3A_33 = tpu.memref_slice %arg4[%add3A_27] : memref<320000xi32, #tpu.memory_space<hbm>> -> memref<1600xi32, #tpu.memory_space<hbm>>
    %dma_wait3A_34 = tpu.memref_slice %arg4[%add3A_27] : memref<320000xi32, #tpu.memory_space<hbm>> -> memref<1600xi32, #tpu.memory_space<hbm>>
    tpu.wait_dma2 semaphore(%arg17 : memref<!tpu.dma_semaphore, #tpu.memory_space<semaphore_mem>>) src(%dma_wait3A_34 : memref<1600xi32, #tpu.memory_space<hbm>>) dst(%arg6 : memref<1600xi32, #tpu.memory_space<vmem>>)
    %scan3A_35 = arith.constant 0 : i32
    %scan3A_36 = arith.constant 0 : i32
    %scan3A_37 = arith.constant 100 : i32
    %scan3A_38 = arith.addi %scan3A_36, %scan3A_37 : i32
    %scan3A_39 = arith.constant 1 : i32
    scf.for %scan3A_60 = %scan3A_36 to %scan3A_38 step %scan3A_39  : i32 {
      %mul3A_61 = arith.constant 16 : i32
      %mul3A_62 = arith.muli %scan3A_60, %mul3A_61 : i32
      %get3A = arith.index_cast %mul3A_62 : i32 to index
      %get3A_63 = tpu.vector_load %arg6[%get3A] {strides = array<i32>} : memref<1600xi32, #tpu.memory_space<vmem>>, vector<16xi32>,
      %mul3A_64 = arith.constant 16 : i32
      %mul3A_65 = vector.broadcast %mul3A_64 : i32 to vector<16xi32>
      %mul3A_66 = arith.muli %get3A_63, %mul3A_65 : vector<16xi32>
      %add3A_67 = vector.broadcast %arg1 : i32 to vector<16xi32>
      %add3A_68 = arith.addi %mul3A_66, %add3A_67 : vector<16xi32>
      %swap3A = arith.index_cast %mul3A_62 : i32 to index
      %swap3A_69 = tpu.vector_load %arg10[%swap3A] {strides = array<i32>} : memref<1600xi32, #tpu.memory_space<vmem>>, vector<16xi32>,
      tpu.vector_store %arg10[%swap3A], %add3A_68 {strides = array<i32>} : memref<1600xi32, #tpu.memory_space<vmem>>, vector<16xi32>,
    }
    %scan3A_40 = arith.constant 100 : i32
    %dma_start3A_41 = arith.constant 0 : i32
    %dma_start3A_42 = arith.constant 0 : i32
    %dma_start3A_43 = tpu.memref_slice %arg2[%dma_start3A_41, %dma_start3A_42] : memref<160000x8xf32, #tpu.memory_space<hbm>> -> memref<160000x8xf32, #tpu.memory_space<hbm>>
    tpu.enqueue_indirect_dma source(%dma_start3A_43 : memref<160000x8xf32, #tpu.memory_space<hbm>>) target(%arg12 : memref<1600x8xf32, #tpu.memory_space<vmem>>) offsets(%arg10 : memref<1600xi32, #tpu.memory_space<vmem>>) semaphore(%arg15 : memref<!tpu.dma_semaphore, #tpu.memory_space<semaphore_mem>>)
    %add3A_44 = arith.constant 1600 : i32
    %add3A_45 = arith.addi %mul3A_0, %add3A_44 : i32
    %dma_start3A_46 = arith.constant 0 : i32
    %dma_start3A_47 = tpu.memref_slice %arg9[%dma_start3A_46] : memref<1616xi32, #tpu.memory_space<vmem>> -> memref<1600xi32, #tpu.memory_space<vmem>>
    %dma_start3A_48 = tpu.memref_slice %arg3[%add3A_45] : memref<320000xi32, #tpu.memory_space<hbm>> -> memref<1600xi32, #tpu.memory_space<hbm>>
    %dma_start3A_49 = arith.constant 0 : i32
    %dma_start3A_50 = tpu.memref_slice %arg9[%dma_start3A_49] : memref<1616xi32, #tpu.memory_space<vmem>> -> memref<1600xi32, #tpu.memory_space<vmem>>
    %dma_start3A_51 = tpu.memref_slice %arg3[%add3A_45] : memref<320000xi32, #tpu.memory_space<hbm>> -> memref<1600xi32, #tpu.memory_space<hbm>>
    tpu.enqueue_dma source(%dma_start3A_51 : memref<1600xi32, #tpu.memory_space<hbm>>) target(%dma_start3A_50 : memref<1600xi32, #tpu.memory_space<vmem>>) target_semaphore(%arg18 : memref<!tpu.dma_semaphore, #tpu.memory_space<semaphore_mem>>)
    %dma_start3A_52 = tpu.memref_slice %arg4[%add3A_45] : memref<320000xi32, #tpu.memory_space<hbm>> -> memref<1600xi32, #tpu.memory_space<hbm>>
    %dma_start3A_53 = tpu.memref_slice %arg4[%add3A_45] : memref<320000xi32, #tpu.memory_space<hbm>> -> memref<1600xi32, #tpu.memory_space<hbm>>
    tpu.enqueue_dma source(%dma_start3A_53 : memref<1600xi32, #tpu.memory_space<hbm>>) target(%arg7 : memref<1600xi32, #tpu.memory_space<vmem>>) target_semaphore(%arg18 : memref<!tpu.dma_semaphore, #tpu.memory_space<semaphore_mem>>)
    %scan3A_54 = arith.constant 0 : i32
    %scan3A_55 = arith.constant 0 : i32
    %scan3A_56 = arith.constant 50 : i32
    %scan3A_57 = arith.addi %scan3A_55, %scan3A_56 : i32
    %scan3A_58 = arith.constant 1 : i32
    scf.for %scan3A_60 = %scan3A_55 to %scan3A_57 step %scan3A_58  : i32 {
      %mul3A_61 = arith.constant 2 : i32
      %mul3A_62 = arith.muli %scan3A_60, %mul3A_61 : i32
      %add3A_63 = arith.constant 0 : i32
      %add3A_64 = arith.addi %mul3A_62, %add3A_63 : i32
      %add3A_65 = arith.constant 1 : i32
      %add3A_66 = arith.addi %add3A_64, %add3A_65 : i32
      %lt3A_67 = arith.constant 100 : i32
      %lt3A_68 = arith.cmpi slt, %add3A_66, %lt3A_67 : i32
      %convert_element_type3A_69 = arith.extui %lt3A_68 : i1 to i32
      %cond3A = arith.constant 0 : i32
      %cond3A_70 = arith.cmpi ne, %convert_element_type3A_69, %cond3A : i32
      scf.if %cond3A_70 {
        %add3A_114 = arith.constant 1 : i32
        %add3A_115 = arith.addi %add3A_64, %add3A_114 : i32
        %mul3A_116 = arith.constant 1600 : i32
        %mul3A_117 = arith.muli %add3A_115, %mul3A_116 : i32
        %add3A_118 = arith.addi %mul3A_0, %mul3A_117 : i32
        %dma_wait3A_119 = arith.constant 0 : i32
        %dma_wait3A_120 = tpu.memref_slice %arg9[%dma_wait3A_119] : memref<1616xi32, #tpu.memory_space<vmem>> -> memref<1600xi32, #tpu.memory_space<vmem>>
        %dma_wait3A_121 = tpu.memref_slice %arg3[%add3A_118] : memref<320000xi32, #tpu.memory_space<hbm>> -> memref<1600xi32, #tpu.memory_space<hbm>>
        %dma_wait3A_122 = arith.constant 0 : i32
        %dma_wait3A_123 = tpu.memref_slice %arg9[%dma_wait3A_122] : memref<1616xi32, #tpu.memory_space<vmem>> -> memref<1600xi32, #tpu.memory_space<vmem>>
        %dma_wait3A_124 = tpu.memref_slice %arg3[%add3A_118] : memref<320000xi32, #tpu.memory_space<hbm>> -> memref<1600xi32, #tpu.memory_space<hbm>>
        tpu.wait_dma2 semaphore(%arg18 : memref<!tpu.dma_semaphore, #tpu.memory_space<semaphore_mem>>) src(%dma_wait3A_124 : memref<1600xi32, #tpu.memory_space<hbm>>) dst(%dma_wait3A_123 : memref<1600xi32, #tpu.memory_space<vmem>>)
        %dma_wait3A_125 = tpu.memref_slice %arg4[%add3A_118] : memref<320000xi32, #tpu.memory_space<hbm>> -> memref<1600xi32, #tpu.memory_space<hbm>>
        %dma_wait3A_126 = tpu.memref_slice %arg4[%add3A_118] : memref<320000xi32, #tpu.memory_space<hbm>> -> memref<1600xi32, #tpu.memory_space<hbm>>
        tpu.wait_dma2 semaphore(%arg18 : memref<!tpu.dma_semaphore, #tpu.memory_space<semaphore_mem>>) src(%dma_wait3A_126 : memref<1600xi32, #tpu.memory_space<hbm>>) dst(%arg7 : memref<1600xi32, #tpu.memory_space<vmem>>)
        %scan3A_127 = arith.constant 0 : i32
        %scan3A_128 = arith.constant 0 : i32
        %scan3A_129 = arith.constant 100 : i32
        %scan3A_130 = arith.addi %scan3A_128, %scan3A_129 : i32
        %scan3A_131 = arith.constant 1 : i32
        scf.for %scan3A_136 = %scan3A_128 to %scan3A_130 step %scan3A_131  : i32 {
          %mul3A_137 = arith.constant 16 : i32
          %mul3A_138 = arith.muli %scan3A_136, %mul3A_137 : i32
          %get3A = arith.index_cast %mul3A_138 : i32 to index
          %get3A_139 = tpu.vector_load %arg7[%get3A] {strides = array<i32>} : memref<1600xi32, #tpu.memory_space<vmem>>, vector<16xi32>,
          %mul3A_140 = arith.constant 16 : i32
          %mul3A_141 = vector.broadcast %mul3A_140 : i32 to vector<16xi32>
          %mul3A_142 = arith.muli %get3A_139, %mul3A_141 : vector<16xi32>
          %add3A_143 = vector.broadcast %arg1 : i32 to vector<16xi32>
          %add3A_144 = arith.addi %mul3A_142, %add3A_143 : vector<16xi32>
          %swap3A = arith.index_cast %mul3A_138 : i32 to index
          %swap3A_145 = tpu.vector_load %arg11[%swap3A] {strides = array<i32>} : memref<1600xi32, #tpu.memory_space<vmem>>, vector<16xi32>,
          tpu.vector_store %arg11[%swap3A], %add3A_144 {strides = array<i32>} : memref<1600xi32, #tpu.memory_space<vmem>>, vector<16xi32>,
        }
        %scan3A_132 = arith.constant 100 : i32
        %dma_start3A_133 = arith.constant 0 : i32
        %dma_start3A_134 = arith.constant 0 : i32
        %dma_start3A_135 = tpu.memref_slice %arg2[%dma_start3A_133, %dma_start3A_134] : memref<160000x8xf32, #tpu.memory_space<hbm>> -> memref<160000x8xf32, #tpu.memory_space<hbm>>
        tpu.enqueue_indirect_dma source(%dma_start3A_135 : memref<160000x8xf32, #tpu.memory_space<hbm>>) target(%arg13 : memref<1600x8xf32, #tpu.memory_space<vmem>>) offsets(%arg11 : memref<1600xi32, #tpu.memory_space<vmem>>) semaphore(%arg16 : memref<!tpu.dma_semaphore, #tpu.memory_space<semaphore_mem>>)
      } else {
      }
      %dma_wait3A_71 = arith.constant 0 : i32
      %dma_wait3A_72 = arith.constant 0 : i32
      %dma_wait3A_73 = tpu.memref_slice %arg2[%dma_wait3A_71, %dma_wait3A_72] : memref<160000x8xf32, #tpu.memory_space<hbm>> -> memref<160000x8xf32, #tpu.memory_space<hbm>>
      tpu.wait_indirect_dma semaphore(%arg15 : memref<!tpu.dma_semaphore, #tpu.memory_space<semaphore_mem>>) src(%dma_wait3A_73 : memref<160000x8xf32, #tpu.memory_space<hbm>>) dst(%arg12 : memref<1600x8xf32, #tpu.memory_space<vmem>>)
      %scan3A_74 = arith.constant 0 : i32
      %scan3A_75 = arith.constant 0 : i32
      %scan3A_76 = arith.constant 50 : i32
      %scan3A_77 = arith.addi %scan3A_75, %scan3A_76 : i32
      %scan3A_78 = arith.constant 1 : i32
      scf.for %scan3A_114 = %scan3A_75 to %scan3A_77 step %scan3A_78  : i32 {
        %mul3A_115 = arith.constant 2 : i32
        %mul3A_116 = arith.muli %scan3A_114, %mul3A_115 : i32
        %add3A_117 = arith.constant 1 : i32
        %add3A_118 = arith.addi %mul3A_116, %add3A_117 : i32
        %mul3A_119 = arith.constant 16 : i32
        %mul3A_120 = arith.muli %mul3A_116, %mul3A_119 : i32
        %get3A = arith.index_cast %mul3A_120 : i32 to index
        %get3A_121 = tpu.vector_load %arg8[%get3A] {strides = array<i32>} : memref<1616xi32, #tpu.memory_space<vmem>>, vector<16xi32>,
        %mul3A_122 = arith.constant 16 : i32
        %mul3A_123 = arith.muli %add3A_118, %mul3A_122 : i32
        %get3A_124 = arith.index_cast %mul3A_123 : i32 to index
        %get3A_125 = tpu.vector_load %arg8[%get3A_124] {strides = array<i32>} : memref<1616xi32, #tpu.memory_space<vmem>>, vector<16xi32>,
        %broadcast_in_dim3A_126 = arith.constant true
        %broadcast_in_dim3A_127 = vector.broadcast %broadcast_in_dim3A_126 : i1 to vector<16xi1>
        %unique3A, %unique3A_128 = tpu.scan_count mask(%broadcast_in_dim3A_127 : vector<16xi1>) value(%get3A_121 : vector<16xi32>) : vector<16xi1>, vector<16xi32>
        %broadcast_in_dim3A_129 = arith.constant true
        %broadcast_in_dim3A_130 = vector.broadcast %broadcast_in_dim3A_129 : i1 to vector<16xi1>
        %unique3A_131, %unique3A_132 = tpu.scan_count mask(%broadcast_in_dim3A_130 : vector<16xi1>) value(%get3A_125 : vector<16xi32>) : vector<16xi1>, vector<16xi32>
        %reduce_and3A = arith.constant 1.000000e+00 : f32
        %reduce_and3A_133 = arith.constant 0.000000e+00 : f32
        %reduce_and3A_134 = vector.broadcast %reduce_and3A : f32 to vector<16xf32>
        %reduce_and3A_135 = vector.broadcast %reduce_and3A_133 : f32 to vector<16xf32>
        %reduce_and3A_136 = arith.select %unique3A, %reduce_and3A_134, %reduce_and3A_135 : vector<16xi1>, vector<16xf32>
        %reduce_and3A_137 = arith.constant true
        %reduce_and3A_138 = vector.broadcast %reduce_and3A_137 : i1 to vector<16xi1>
        %reduce_and3A_139 = tpu.scan <min>, %reduce_and3A_136 masked %reduce_and3A_138 : vector<16xf32>, vector<16xi1> -> vector<16xf32>
        %reduce_and3A_140 = vector.extract %reduce_and3A_139[15] : f32 from vector<16xf32>
        %reduce_and3A_141 = arith.constant 0.000000e+00 : f32
        %reduce_and3A_142 = arith.cmpf ogt, %reduce_and3A_140, %reduce_and3A_141 : f32
        %reduce_and3A_143 = arith.constant 1.000000e+00 : f32
        %reduce_and3A_144 = arith.constant 0.000000e+00 : f32
        %reduce_and3A_145 = vector.broadcast %reduce_and3A_143 : f32 to vector<16xf32>
        %reduce_and3A_146 = vector.broadcast %reduce_and3A_144 : f32 to vector<16xf32>
        %reduce_and3A_147 = arith.select %unique3A_131, %reduce_and3A_145, %reduce_and3A_146 : vector<16xi1>, vector<16xf32>
        %reduce_and3A_148 = arith.constant true
        %reduce_and3A_149 = vector.broadcast %reduce_and3A_148 : i1 to vector<16xi1>
        %reduce_and3A_150 = tpu.scan <min>, %reduce_and3A_147 masked %reduce_and3A_149 : vector<16xf32>, vector<16xi1> -> vector<16xf32>
        %reduce_and3A_151 = vector.extract %reduce_and3A_150[15] : f32 from vector<16xf32>
        %reduce_and3A_152 = arith.constant 0.000000e+00 : f32
        %reduce_and3A_153 = arith.cmpf ogt, %reduce_and3A_151, %reduce_and3A_152 : f32
        %and3A_154 = arith.andi %reduce_and3A_142, %reduce_and3A_153 : i1
        %mul3A_155 = arith.constant 16 : i32
        %mul3A_156 = arith.muli %mul3A_116, %mul3A_155 : i32
        %add3A_157 = vector.broadcast %mul3A_156 : i32 to vector<16xi32>
        %add3A_158 = arith.addi %add3A_157, %iota3A : vector<16xi32>
        %add3A_159 = arith.constant 0 : i32
        %add3A_160 = vector.broadcast %add3A_159 : i32 to vector<16xi32>
        %add3A_161 = arith.addi %add3A_160, %get3A_121 : vector<16xi32>
        %broadcast_in_dim3A_162 = arith.constant 0 : i32
        %broadcast_in_dim3A_163 = vector.broadcast %broadcast_in_dim3A_162 : i32 to vector<16xi32>
        %gather3A = tpu.vector_load_idx %arg12[%add3A_158, %broadcast_in_dim3A_163] : memref<1600x8xf32, #tpu.memory_space<vmem>>[vector<16xi32>, vector<16xi32>], vector<16xf32>,
        %add3A_164 = arith.constant 10001 : i32
        %add3A_165 = vector.broadcast %add3A_164 : i32 to vector<16xi32>
        %add3A_166 = arith.addi %add3A_165, %get3A_121 : vector<16xi32>
        %broadcast_in_dim3A_167 = arith.constant 1 : i32
        %broadcast_in_dim3A_168 = vector.broadcast %broadcast_in_dim3A_167 : i32 to vector<16xi32>
        %gather3A_169 = tpu.vector_load_idx %arg12[%add3A_158, %broadcast_in_dim3A_168] : memref<1600x8xf32, #tpu.memory_space<vmem>>[vector<16xi32>, vector<16xi32>], vector<16xf32>,
        %add3A_170 = arith.constant 20002 : i32
        %add3A_171 = vector.broadcast %add3A_170 : i32 to vector<16xi32>
        %add3A_172 = arith.addi %add3A_171, %get3A_121 : vector<16xi32>
        %broadcast_in_dim3A_173 = arith.constant 2 : i32
        %broadcast_in_dim3A_174 = vector.broadcast %broadcast_in_dim3A_173 : i32 to vector<16xi32>
        %gather3A_175 = tpu.vector_load_idx %arg12[%add3A_158, %broadcast_in_dim3A_174] : memref<1600x8xf32, #tpu.memory_space<vmem>>[vector<16xi32>, vector<16xi32>], vector<16xf32>,
        %add3A_176 = arith.constant 30003 : i32
        %add3A_177 = vector.broadcast %add3A_176 : i32 to vector<16xi32>
        %add3A_178 = arith.addi %add3A_177, %get3A_121 : vector<16xi32>
        %broadcast_in_dim3A_179 = arith.constant 3 : i32
        %broadcast_in_dim3A_180 = vector.broadcast %broadcast_in_dim3A_179 : i32 to vector<16xi32>
        %gather3A_181 = tpu.vector_load_idx %arg12[%add3A_158, %broadcast_in_dim3A_180] : memref<1600x8xf32, #tpu.memory_space<vmem>>[vector<16xi32>, vector<16xi32>], vector<16xf32>,
        %add3A_182 = arith.constant 40004 : i32
        %add3A_183 = vector.broadcast %add3A_182 : i32 to vector<16xi32>
        %add3A_184 = arith.addi %add3A_183, %get3A_121 : vector<16xi32>
        %broadcast_in_dim3A_185 = arith.constant 4 : i32
        %broadcast_in_dim3A_186 = vector.broadcast %broadcast_in_dim3A_185 : i32 to vector<16xi32>
        %gather3A_187 = tpu.vector_load_idx %arg12[%add3A_158, %broadcast_in_dim3A_186] : memref<1600x8xf32, #tpu.memory_space<vmem>>[vector<16xi32>, vector<16xi32>], vector<16xf32>,
        %add3A_188 = arith.constant 50005 : i32
        %add3A_189 = vector.broadcast %add3A_188 : i32 to vector<16xi32>
        %add3A_190 = arith.addi %add3A_189, %get3A_121 : vector<16xi32>
        %broadcast_in_dim3A_191 = arith.constant 5 : i32
        %broadcast_in_dim3A_192 = vector.broadcast %broadcast_in_dim3A_191 : i32 to vector<16xi32>
        %gather3A_193 = tpu.vector_load_idx %arg12[%add3A_158, %broadcast_in_dim3A_192] : memref<1600x8xf32, #tpu.memory_space<vmem>>[vector<16xi32>, vector<16xi32>], vector<16xf32>,
        %add3A_194 = arith.constant 60006 : i32
        %add3A_195 = vector.broadcast %add3A_194 : i32 to vector<16xi32>
        %add3A_196 = arith.addi %add3A_195, %get3A_121 : vector<16xi32>
        %broadcast_in_dim3A_197 = arith.constant 6 : i32
        %broadcast_in_dim3A_198 = vector.broadcast %broadcast_in_dim3A_197 : i32 to vector<16xi32>
        %gather3A_199 = tpu.vector_load_idx %arg12[%add3A_158, %broadcast_in_dim3A_198] : memref<1600x8xf32, #tpu.memory_space<vmem>>[vector<16xi32>, vector<16xi32>], vector<16xf32>,
        %add3A_200 = arith.constant 70007 : i32
        %add3A_201 = vector.broadcast %add3A_200 : i32 to vector<16xi32>
        %add3A_202 = arith.addi %add3A_201, %get3A_121 : vector<16xi32>
        %broadcast_in_dim3A_203 = arith.constant 7 : i32
        %broadcast_in_dim3A_204 = vector.broadcast %broadcast_in_dim3A_203 : i32 to vector<16xi32>
        %gather3A_205 = tpu.vector_load_idx %arg12[%add3A_158, %broadcast_in_dim3A_204] : memref<1600x8xf32, #tpu.memory_space<vmem>>[vector<16xi32>, vector<16xi32>], vector<16xf32>,
        %mul3A_206 = arith.constant 16 : i32
        %mul3A_207 = arith.muli %add3A_118, %mul3A_206 : i32
        %add3A_208 = vector.broadcast %mul3A_207 : i32 to vector<16xi32>
        %add3A_209 = arith.addi %add3A_208, %iota3A : vector<16xi32>
        %add3A_210 = arith.constant 0 : i32
        %add3A_211 = vector.broadcast %add3A_210 : i32 to vector<16xi32>
        %add3A_212 = arith.addi %add3A_211, %get3A_125 : vector<16xi32>
        %broadcast_in_dim3A_213 = arith.constant 0 : i32
        %broadcast_in_dim3A_214 = vector.broadcast %broadcast_in_dim3A_213 : i32 to vector<16xi32>
        %gather3A_215 = tpu.vector_load_idx %arg12[%add3A_209, %broadcast_in_dim3A_214] : memref<1600x8xf32, #tpu.memory_space<vmem>>[vector<16xi32>, vector<16xi32>], vector<16xf32>,
        %add3A_216 = arith.constant 10001 : i32
        %add3A_217 = vector.broadcast %add3A_216 : i32 to vector<16xi32>
        %add3A_218 = arith.addi %add3A_217, %get3A_125 : vector<16xi32>
        %broadcast_in_dim3A_219 = arith.constant 1 : i32
        %broadcast_in_dim3A_220 = vector.broadcast %broadcast_in_dim3A_219 : i32 to vector<16xi32>
        %gather3A_221 = tpu.vector_load_idx %arg12[%add3A_209, %broadcast_in_dim3A_220] : memref<1600x8xf32, #tpu.memory_space<vmem>>[vector<16xi32>, vector<16xi32>], vector<16xf32>,
        %add3A_222 = arith.constant 20002 : i32
        %add3A_223 = vector.broadcast %add3A_222 : i32 to vector<16xi32>
        %add3A_224 = arith.addi %add3A_223, %get3A_125 : vector<16xi32>
        %broadcast_in_dim3A_225 = arith.constant 2 : i32
        %broadcast_in_dim3A_226 = vector.broadcast %broadcast_in_dim3A_225 : i32 to vector<16xi32>
        %gather3A_227 = tpu.vector_load_idx %arg12[%add3A_209, %broadcast_in_dim3A_226] : memref<1600x8xf32, #tpu.memory_space<vmem>>[vector<16xi32>, vector<16xi32>], vector<16xf32>,
        %add3A_228 = arith.constant 30003 : i32
        %add3A_229 = vector.broadcast %add3A_228 : i32 to vector<16xi32>
        %add3A_230 = arith.addi %add3A_229, %get3A_125 : vector<16xi32>
        %broadcast_in_dim3A_231 = arith.constant 3 : i32
        %broadcast_in_dim3A_232 = vector.broadcast %broadcast_in_dim3A_231 : i32 to vector<16xi32>
        %gather3A_233 = tpu.vector_load_idx %arg12[%add3A_209, %broadcast_in_dim3A_232] : memref<1600x8xf32, #tpu.memory_space<vmem>>[vector<16xi32>, vector<16xi32>], vector<16xf32>,
        %add3A_234 = arith.constant 40004 : i32
        %add3A_235 = vector.broadcast %add3A_234 : i32 to vector<16xi32>
        %add3A_236 = arith.addi %add3A_235, %get3A_125 : vector<16xi32>
        %broadcast_in_dim3A_237 = arith.constant 4 : i32
        %broadcast_in_dim3A_238 = vector.broadcast %broadcast_in_dim3A_237 : i32 to vector<16xi32>
        %gather3A_239 = tpu.vector_load_idx %arg12[%add3A_209, %broadcast_in_dim3A_238] : memref<1600x8xf32, #tpu.memory_space<vmem>>[vector<16xi32>, vector<16xi32>], vector<16xf32>,
        %add3A_240 = arith.constant 50005 : i32
        %add3A_241 = vector.broadcast %add3A_240 : i32 to vector<16xi32>
        %add3A_242 = arith.addi %add3A_241, %get3A_125 : vector<16xi32>
        %broadcast_in_dim3A_243 = arith.constant 5 : i32
        %broadcast_in_dim3A_244 = vector.broadcast %broadcast_in_dim3A_243 : i32 to vector<16xi32>
        %gather3A_245 = tpu.vector_load_idx %arg12[%add3A_209, %broadcast_in_dim3A_244] : memref<1600x8xf32, #tpu.memory_space<vmem>>[vector<16xi32>, vector<16xi32>], vector<16xf32>,
        %add3A_246 = arith.constant 60006 : i32
        %add3A_247 = vector.broadcast %add3A_246 : i32 to vector<16xi32>
        %add3A_248 = arith.addi %add3A_247, %get3A_125 : vector<16xi32>
        %broadcast_in_dim3A_249 = arith.constant 6 : i32
        %broadcast_in_dim3A_250 = vector.broadcast %broadcast_in_dim3A_249 : i32 to vector<16xi32>
        %gather3A_251 = tpu.vector_load_idx %arg12[%add3A_209, %broadcast_in_dim3A_250] : memref<1600x8xf32, #tpu.memory_space<vmem>>[vector<16xi32>, vector<16xi32>], vector<16xf32>,
        %add3A_252 = arith.constant 70007 : i32
        %add3A_253 = vector.broadcast %add3A_252 : i32 to vector<16xi32>
        %add3A_254 = arith.addi %add3A_253, %get3A_125 : vector<16xi32>
        %broadcast_in_dim3A_255 = arith.constant 7 : i32
        %broadcast_in_dim3A_256 = vector.broadcast %broadcast_in_dim3A_255 : i32 to vector<16xi32>
        %gather3A_257 = tpu.vector_load_idx %arg12[%add3A_209, %broadcast_in_dim3A_256] : memref<1600x8xf32, #tpu.memory_space<vmem>>[vector<16xi32>, vector<16xi32>], vector<16xf32>,
        %gather3A_258 = tpu.vector_load_idx %arg14[%add3A_161] : memref<80024xf32, #tpu.memory_space<vmem>>[vector<16xi32>], vector<16xf32>,
        %gather3A_259 = tpu.vector_load_idx %arg14[%add3A_166] : memref<80024xf32, #tpu.memory_space<vmem>>[vector<16xi32>], vector<16xf32>,
        %gather3A_260 = tpu.vector_load_idx %arg14[%add3A_172] : memref<80024xf32, #tpu.memory_space<vmem>>[vector<16xi32>], vector<16xf32>,
        %gather3A_261 = tpu.vector_load_idx %arg14[%add3A_178] : memref<80024xf32, #tpu.memory_space<vmem>>[vector<16xi32>], vector<16xf32>,
        %gather3A_262 = tpu.vector_load_idx %arg14[%add3A_184] : memref<80024xf32, #tpu.memory_space<vmem>>[vector<16xi32>], vector<16xf32>,
        %gather3A_263 = tpu.vector_load_idx %arg14[%add3A_190] : memref<80024xf32, #tpu.memory_space<vmem>>[vector<16xi32>], vector<16xf32>,
        %gather3A_264 = tpu.vector_load_idx %arg14[%add3A_196] : memref<80024xf32, #tpu.memory_space<vmem>>[vector<16xi32>], vector<16xf32>,
        %gather3A_265 = tpu.vector_load_idx %arg14[%add3A_202] : memref<80024xf32, #tpu.memory_space<vmem>>[vector<16xi32>], vector<16xf32>,
        %max3A = arith.maximumf %gather3A_258, %gather3A : vector<16xf32>
        tpu.vector_store_idx %arg14[%add3A_161], %max3A : memref<80024xf32, #tpu.memory_space<vmem>>[vector<16xi32>], vector<16xf32>,
        %max3A_266 = arith.maximumf %gather3A_259, %gather3A_169 : vector<16xf32>
        tpu.vector_store_idx %arg14[%add3A_166], %max3A_266 : memref<80024xf32, #tpu.memory_space<vmem>>[vector<16xi32>], vector<16xf32>,
        %max3A_267 = arith.maximumf %gather3A_260, %gather3A_175 : vector<16xf32>
        tpu.vector_store_idx %arg14[%add3A_172], %max3A_267 : memref<80024xf32, #tpu.memory_space<vmem>>[vector<16xi32>], vector<16xf32>,
        %max3A_268 = arith.maximumf %gather3A_261, %gather3A_181 : vector<16xf32>
        tpu.vector_store_idx %arg14[%add3A_178], %max3A_268 : memref<80024xf32, #tpu.memory_space<vmem>>[vector<16xi32>], vector<16xf32>,
        %max3A_269 = arith.maximumf %gather3A_262, %gather3A_187 : vector<16xf32>
        tpu.vector_store_idx %arg14[%add3A_184], %max3A_269 : memref<80024xf32, #tpu.memory_space<vmem>>[vector<16xi32>], vector<16xf32>,
        %max3A_270 = arith.maximumf %gather3A_263, %gather3A_193 : vector<16xf32>
        tpu.vector_store_idx %arg14[%add3A_190], %max3A_270 : memref<80024xf32, #tpu.memory_space<vmem>>[vector<16xi32>], vector<16xf32>,
        %max3A_271 = arith.maximumf %gather3A_264, %gather3A_199 : vector<16xf32>
        tpu.vector_store_idx %arg14[%add3A_196], %max3A_271 : memref<80024xf32, #tpu.memory_space<vmem>>[vector<16xi32>], vector<16xf32>,
        %max3A_272 = arith.maximumf %gather3A_265, %gather3A_205 : vector<16xf32>
        tpu.vector_store_idx %arg14[%add3A_202], %max3A_272 : memref<80024xf32, #tpu.memory_space<vmem>>[vector<16xi32>], vector<16xf32>,
        %gather3A_273 = tpu.vector_load_idx %arg14[%add3A_212] : memref<80024xf32, #tpu.memory_space<vmem>>[vector<16xi32>], vector<16xf32>,
        %gather3A_274 = tpu.vector_load_idx %arg14[%add3A_218] : memref<80024xf32, #tpu.memory_space<vmem>>[vector<16xi32>], vector<16xf32>,
        %gather3A_275 = tpu.vector_load_idx %arg14[%add3A_224] : memref<80024xf32, #tpu.memory_space<vmem>>[vector<16xi32>], vector<16xf32>,
        %gather3A_276 = tpu.vector_load_idx %arg14[%add3A_230] : memref<80024xf32, #tpu.memory_space<vmem>>[vector<16xi32>], vector<16xf32>,
        %gather3A_277 = tpu.vector_load_idx %arg14[%add3A_236] : memref<80024xf32, #tpu.memory_space<vmem>>[vector<16xi32>], vector<16xf32>,
        %gather3A_278 = tpu.vector_load_idx %arg14[%add3A_242] : memref<80024xf32, #tpu.memory_space<vmem>>[vector<16xi32>], vector<16xf32>,
        %gather3A_279 = tpu.vector_load_idx %arg14[%add3A_248] : memref<80024xf32, #tpu.memory_space<vmem>>[vector<16xi32>], vector<16xf32>,
        %gather3A_280 = tpu.vector_load_idx %arg14[%add3A_254] : memref<80024xf32, #tpu.memory_space<vmem>>[vector<16xi32>], vector<16xf32>,
        %max3A_281 = arith.maximumf %gather3A_273, %gather3A_215 : vector<16xf32>
        tpu.vector_store_idx %arg14[%add3A_212], %max3A_281 : memref<80024xf32, #tpu.memory_space<vmem>>[vector<16xi32>], vector<16xf32>,
        %max3A_282 = arith.maximumf %gather3A_274, %gather3A_221 : vector<16xf32>
        tpu.vector_store_idx %arg14[%add3A_218], %max3A_282 : memref<80024xf32, #tpu.memory_space<vmem>>[vector<16xi32>], vector<16xf32>,
        %max3A_283 = arith.maximumf %gather3A_275, %gather3A_227 : vector<16xf32>
        tpu.vector_store_idx %arg14[%add3A_224], %max3A_283 : memref<80024xf32, #tpu.memory_space<vmem>>[vector<16xi32>], vector<16xf32>,
        %max3A_284 = arith.maximumf %gather3A_276, %gather3A_233 : vector<16xf32>
        tpu.vector_store_idx %arg14[%add3A_230], %max3A_284 : memref<80024xf32, #tpu.memory_space<vmem>>[vector<16xi32>], vector<16xf32>,
        %max3A_285 = arith.maximumf %gather3A_277, %gather3A_239 : vector<16xf32>
        tpu.vector_store_idx %arg14[%add3A_236], %max3A_285 : memref<80024xf32, #tpu.memory_space<vmem>>[vector<16xi32>], vector<16xf32>,
        %max3A_286 = arith.maximumf %gather3A_278, %gather3A_245 : vector<16xf32>
        tpu.vector_store_idx %arg14[%add3A_242], %max3A_286 : memref<80024xf32, #tpu.memory_space<vmem>>[vector<16xi32>], vector<16xf32>,
        %max3A_287 = arith.maximumf %gather3A_279, %gather3A_251 : vector<16xf32>
        tpu.vector_store_idx %arg14[%add3A_248], %max3A_287 : memref<80024xf32, #tpu.memory_space<vmem>>[vector<16xi32>], vector<16xf32>,
        %max3A_288 = arith.maximumf %gather3A_280, %gather3A_257 : vector<16xf32>
        tpu.vector_store_idx %arg14[%add3A_254], %max3A_288 : memref<80024xf32, #tpu.memory_space<vmem>>[vector<16xi32>], vector<16xf32>,
        %not3A = arith.constant true
        %not3A_289 = arith.xori %and3A_154, %not3A : i1
        %convert_element_type3A_290 = arith.extui %not3A_289 : i1 to i32
        %cond3A_291 = arith.constant 0 : i32
        %cond3A_292 = arith.cmpi ne, %convert_element_type3A_290, %cond3A_291 : i32
        scf.if %cond3A_292 {
          %add3A_293 = arith.constant 0 : i32
          %add3A_294 = vector.broadcast %add3A_293 : i32 to vector<16xi32>
          %add3A_295 = arith.addi %convert_element_type3A, %add3A_294 : vector<16xi32>
          %mul3A_296 = arith.constant 16 : i32
          %mul3A_297 = arith.muli %mul3A_116, %mul3A_296 : i32
          %add3A_298 = vector.broadcast %mul3A_297 : i32 to vector<16xi32>
          %add3A_299 = arith.addi %add3A_298, %add3A_295 : vector<16xi32>
          %gather3A_300 = tpu.vector_load_idx %arg8[%add3A_299] masked %lt3A_14 : memref<1616xi32, #tpu.memory_space<vmem>>[vector<16xi32>], vector<16xi32>, vector<16xi1>
          %mul3A_301 = arith.constant 10001 : i32
          %mul3A_302 = vector.broadcast %mul3A_301 : i32 to vector<16xi32>
          %mul3A_303 = arith.muli %and3A_8, %mul3A_302 : vector<16xi32>
          %add3A_304 = arith.addi %mul3A_303, %gather3A_300 : vector<16xi32>
          %mul3A_305 = arith.constant 16 : i32
          %mul3A_306 = arith.muli %mul3A_116, %mul3A_305 : i32
          %add3A_307 = vector.broadcast %mul3A_306 : i32 to vector<16xi32>
          %add3A_308 = arith.addi %add3A_307, %add3A_295 : vector<16xi32>
          %gather3A_309 = tpu.vector_load_idx %arg12[%add3A_308, %and3A_8] masked %lt3A_14 : memref<1600x8xf32, #tpu.memory_space<vmem>>[vector<16xi32>, vector<16xi32>], vector<16xf32>, vector<16xi1>
          %gather3A_310 = tpu.vector_load_idx %arg14[%add3A_304] masked %lt3A_14 : memref<80024xf32, #tpu.memory_space<vmem>>[vector<16xi32>], vector<16xf32>, vector<16xi1>
          %max3A_311 = arith.maximumf %gather3A_310, %gather3A_309 : vector<16xf32>
          tpu.vector_store_idx %arg14[%add3A_304], %max3A_311 masked %lt3A_14 : memref<80024xf32, #tpu.memory_space<vmem>>[vector<16xi32>], vector<16xf32>, vector<16xi1>
          %add3A_312 = arith.constant 2 : i32
          %add3A_313 = vector.broadcast %add3A_312 : i32 to vector<16xi32>
          %add3A_314 = arith.addi %convert_element_type3A, %add3A_313 : vector<16xi32>
          %mul3A_315 = arith.constant 16 : i32
          %mul3A_316 = arith.muli %mul3A_116, %mul3A_315 : i32
          %add3A_317 = vector.broadcast %mul3A_316 : i32 to vector<16xi32>
          %add3A_318 = arith.addi %add3A_317, %add3A_314 : vector<16xi32>
          %gather3A_319 = tpu.vector_load_idx %arg8[%add3A_318] masked %lt3A_14 : memref<1616xi32, #tpu.memory_space<vmem>>[vector<16xi32>], vector<16xi32>, vector<16xi1>
          %mul3A_320 = arith.constant 10001 : i32
          %mul3A_321 = vector.broadcast %mul3A_320 : i32 to vector<16xi32>
          %mul3A_322 = arith.muli %and3A_8, %mul3A_321 : vector<16xi32>
          %add3A_323 = arith.addi %mul3A_322, %gather3A_319 : vector<16xi32>
          %mul3A_324 = arith.constant 16 : i32
          %mul3A_325 = arith.muli %mul3A_116, %mul3A_324 : i32
          %add3A_326 = vector.broadcast %mul3A_325 : i32 to vector<16xi32>
          %add3A_327 = arith.addi %add3A_326, %add3A_314 : vector<16xi32>
          %gather3A_328 = tpu.vector_load_idx %arg12[%add3A_327, %and3A_8] masked %lt3A_14 : memref<1600x8xf32, #tpu.memory_space<vmem>>[vector<16xi32>, vector<16xi32>], vector<16xf32>, vector<16xi1>
          %gather3A_329 = tpu.vector_load_idx %arg14[%add3A_323] masked %lt3A_14 : memref<80024xf32, #tpu.memory_space<vmem>>[vector<16xi32>], vector<16xf32>, vector<16xi1>
          %max3A_330 = arith.maximumf %gather3A_329, %gather3A_328 : vector<16xf32>
          tpu.vector_store_idx %arg14[%add3A_323], %max3A_330 masked %lt3A_14 : memref<80024xf32, #tpu.memory_space<vmem>>[vector<16xi32>], vector<16xf32>, vector<16xi1>
          %add3A_331 = arith.constant 4 : i32
          %add3A_332 = vector.broadcast %add3A_331 : i32 to vector<16xi32>
          %add3A_333 = arith.addi %convert_element_type3A, %add3A_332 : vector<16xi32>
          %mul3A_334 = arith.constant 16 : i32
          %mul3A_335 = arith.muli %mul3A_116, %mul3A_334 : i32
          %add3A_336 = vector.broadcast %mul3A_335 : i32 to vector<16xi32>
          %add3A_337 = arith.addi %add3A_336, %add3A_333 : vector<16xi32>
          %gather3A_338 = tpu.vector_load_idx %arg8[%add3A_337] masked %lt3A_14 : memref<1616xi32, #tpu.memory_space<vmem>>[vector<16xi32>], vector<16xi32>, vector<16xi1>
          %mul3A_339 = arith.constant 10001 : i32
          %mul3A_340 = vector.broadcast %mul3A_339 : i32 to vector<16xi32>
          %mul3A_341 = arith.muli %and3A_8, %mul3A_340 : vector<16xi32>
          %add3A_342 = arith.addi %mul3A_341, %gather3A_338 : vector<16xi32>
          %mul3A_343 = arith.constant 16 : i32
          %mul3A_344 = arith.muli %mul3A_116, %mul3A_343 : i32
          %add3A_345 = vector.broadcast %mul3A_344 : i32 to vector<16xi32>
          %add3A_346 = arith.addi %add3A_345, %add3A_333 : vector<16xi32>
          %gather3A_347 = tpu.vector_load_idx %arg12[%add3A_346, %and3A_8] masked %lt3A_14 : memref<1600x8xf32, #tpu.memory_space<vmem>>[vector<16xi32>, vector<16xi32>], vector<16xf32>, vector<16xi1>
          %gather3A_348 = tpu.vector_load_idx %arg14[%add3A_342] masked %lt3A_14 : memref<80024xf32, #tpu.memory_space<vmem>>[vector<16xi32>], vector<16xf32>, vector<16xi1>
          %max3A_349 = arith.maximumf %gather3A_348, %gather3A_347 : vector<16xf32>
          tpu.vector_store_idx %arg14[%add3A_342], %max3A_349 masked %lt3A_14 : memref<80024xf32, #tpu.memory_space<vmem>>[vector<16xi32>], vector<16xf32>, vector<16xi1>
          %add3A_350 = arith.constant 6 : i32
          %add3A_351 = vector.broadcast %add3A_350 : i32 to vector<16xi32>
          %add3A_352 = arith.addi %convert_element_type3A, %add3A_351 : vector<16xi32>
          %mul3A_353 = arith.constant 16 : i32
          %mul3A_354 = arith.muli %mul3A_116, %mul3A_353 : i32
          %add3A_355 = vector.broadcast %mul3A_354 : i32 to vector<16xi32>
          %add3A_356 = arith.addi %add3A_355, %add3A_352 : vector<16xi32>
          %gather3A_357 = tpu.vector_load_idx %arg8[%add3A_356] masked %lt3A_14 : memref<1616xi32, #tpu.memory_space<vmem>>[vector<16xi32>], vector<16xi32>, vector<16xi1>
          %mul3A_358 = arith.constant 10001 : i32
          %mul3A_359 = vector.broadcast %mul3A_358 : i32 to vector<16xi32>
          %mul3A_360 = arith.muli %and3A_8, %mul3A_359 : vector<16xi32>
          %add3A_361 = arith.addi %mul3A_360, %gather3A_357 : vector<16xi32>
          %mul3A_362 = arith.constant 16 : i32
          %mul3A_363 = arith.muli %mul3A_116, %mul3A_362 : i32
          %add3A_364 = vector.broadcast %mul3A_363 : i32 to vector<16xi32>
          %add3A_365 = arith.addi %add3A_364, %add3A_352 : vector<16xi32>
          %gather3A_366 = tpu.vector_load_idx %arg12[%add3A_365, %and3A_8] masked %lt3A_14 : memref<1600x8xf32, #tpu.memory_space<vmem>>[vector<16xi32>, vector<16xi32>], vector<16xf32>, vector<16xi1>
          %gather3A_367 = tpu.vector_load_idx %arg14[%add3A_361] masked %lt3A_14 : memref<80024xf32, #tpu.memory_space<vmem>>[vector<16xi32>], vector<16xf32>, vector<16xi1>
          %max3A_368 = arith.maximumf %gather3A_367, %gather3A_366 : vector<16xf32>
          tpu.vector_store_idx %arg14[%add3A_361], %max3A_368 masked %lt3A_14 : memref<80024xf32, #tpu.memory_space<vmem>>[vector<16xi32>], vector<16xf32>, vector<16xi1>
          %add3A_369 = arith.constant 8 : i32
          %add3A_370 = vector.broadcast %add3A_369 : i32 to vector<16xi32>
          %add3A_371 = arith.addi %convert_element_type3A, %add3A_370 : vector<16xi32>
          %mul3A_372 = arith.constant 16 : i32
          %mul3A_373 = arith.muli %mul3A_116, %mul3A_372 : i32
          %add3A_374 = vector.broadcast %mul3A_373 : i32 to vector<16xi32>
          %add3A_375 = arith.addi %add3A_374, %add3A_371 : vector<16xi32>
          %gather3A_376 = tpu.vector_load_idx %arg8[%add3A_375] masked %lt3A_14 : memref<1616xi32, #tpu.memory_space<vmem>>[vector<16xi32>], vector<16xi32>, vector<16xi1>
          %mul3A_377 = arith.constant 10001 : i32
          %mul3A_378 = vector.broadcast %mul3A_377 : i32 to vector<16xi32>
          %mul3A_379 = arith.muli %and3A_8, %mul3A_378 : vector<16xi32>
          %add3A_380 = arith.addi %mul3A_379, %gather3A_376 : vector<16xi32>
          %mul3A_381 = arith.constant 16 : i32
          %mul3A_382 = arith.muli %mul3A_116, %mul3A_381 : i32
          %add3A_383 = vector.broadcast %mul3A_382 : i32 to vector<16xi32>
          %add3A_384 = arith.addi %add3A_383, %add3A_371 : vector<16xi32>
          %gather3A_385 = tpu.vector_load_idx %arg12[%add3A_384, %and3A_8] masked %lt3A_14 : memref<1600x8xf32, #tpu.memory_space<vmem>>[vector<16xi32>, vector<16xi32>], vector<16xf32>, vector<16xi1>
          %gather3A_386 = tpu.vector_load_idx %arg14[%add3A_380] masked %lt3A_14 : memref<80024xf32, #tpu.memory_space<vmem>>[vector<16xi32>], vector<16xf32>, vector<16xi1>
          %max3A_387 = arith.maximumf %gather3A_386, %gather3A_385 : vector<16xf32>
          tpu.vector_store_idx %arg14[%add3A_380], %max3A_387 masked %lt3A_14 : memref<80024xf32, #tpu.memory_space<vmem>>[vector<16xi32>], vector<16xf32>, vector<16xi1>
          %add3A_388 = arith.constant 10 : i32
          %add3A_389 = vector.broadcast %add3A_388 : i32 to vector<16xi32>
          %add3A_390 = arith.addi %convert_element_type3A, %add3A_389 : vector<16xi32>
          %mul3A_391 = arith.constant 16 : i32
          %mul3A_392 = arith.muli %mul3A_116, %mul3A_391 : i32
          %add3A_393 = vector.broadcast %mul3A_392 : i32 to vector<16xi32>
          %add3A_394 = arith.addi %add3A_393, %add3A_390 : vector<16xi32>
          %gather3A_395 = tpu.vector_load_idx %arg8[%add3A_394] masked %lt3A_14 : memref<1616xi32, #tpu.memory_space<vmem>>[vector<16xi32>], vector<16xi32>, vector<16xi1>
          %mul3A_396 = arith.constant 10001 : i32
          %mul3A_397 = vector.broadcast %mul3A_396 : i32 to vector<16xi32>
          %mul3A_398 = arith.muli %and3A_8, %mul3A_397 : vector<16xi32>
          %add3A_399 = arith.addi %mul3A_398, %gather3A_395 : vector<16xi32>
          %mul3A_400 = arith.constant 16 : i32
          %mul3A_401 = arith.muli %mul3A_116, %mul3A_400 : i32
          %add3A_402 = vector.broadcast %mul3A_401 : i32 to vector<16xi32>
          %add3A_403 = arith.addi %add3A_402, %add3A_390 : vector<16xi32>
          %gather3A_404 = tpu.vector_load_idx %arg12[%add3A_403, %and3A_8] masked %lt3A_14 : memref<1600x8xf32, #tpu.memory_space<vmem>>[vector<16xi32>, vector<16xi32>], vector<16xf32>, vector<16xi1>
          %gather3A_405 = tpu.vector_load_idx %arg14[%add3A_399] masked %lt3A_14 : memref<80024xf32, #tpu.memory_space<vmem>>[vector<16xi32>], vector<16xf32>, vector<16xi1>
          %max3A_406 = arith.maximumf %gather3A_405, %gather3A_404 : vector<16xf32>
          tpu.vector_store_idx %arg14[%add3A_399], %max3A_406 masked %lt3A_14 : memref<80024xf32, #tpu.memory_space<vmem>>[vector<16xi32>], vector<16xf32>, vector<16xi1>
          %add3A_407 = arith.constant 12 : i32
          %add3A_408 = vector.broadcast %add3A_407 : i32 to vector<16xi32>
          %add3A_409 = arith.addi %convert_element_type3A, %add3A_408 : vector<16xi32>
          %mul3A_410 = arith.constant 16 : i32
          %mul3A_411 = arith.muli %mul3A_116, %mul3A_410 : i32
          %add3A_412 = vector.broadcast %mul3A_411 : i32 to vector<16xi32>
          %add3A_413 = arith.addi %add3A_412, %add3A_409 : vector<16xi32>
          %gather3A_414 = tpu.vector_load_idx %arg8[%add3A_413] masked %lt3A_14 : memref<1616xi32, #tpu.memory_space<vmem>>[vector<16xi32>], vector<16xi32>, vector<16xi1>
          %mul3A_415 = arith.constant 10001 : i32
          %mul3A_416 = vector.broadcast %mul3A_415 : i32 to vector<16xi32>
          %mul3A_417 = arith.muli %and3A_8, %mul3A_416 : vector<16xi32>
          %add3A_418 = arith.addi %mul3A_417, %gather3A_414 : vector<16xi32>
          %mul3A_419 = arith.constant 16 : i32
          %mul3A_420 = arith.muli %mul3A_116, %mul3A_419 : i32
          %add3A_421 = vector.broadcast %mul3A_420 : i32 to vector<16xi32>
          %add3A_422 = arith.addi %add3A_421, %add3A_409 : vector<16xi32>
          %gather3A_423 = tpu.vector_load_idx %arg12[%add3A_422, %and3A_8] masked %lt3A_14 : memref<1600x8xf32, #tpu.memory_space<vmem>>[vector<16xi32>, vector<16xi32>], vector<16xf32>, vector<16xi1>
          %gather3A_424 = tpu.vector_load_idx %arg14[%add3A_418] masked %lt3A_14 : memref<80024xf32, #tpu.memory_space<vmem>>[vector<16xi32>], vector<16xf32>, vector<16xi1>
          %max3A_425 = arith.maximumf %gather3A_424, %gather3A_423 : vector<16xf32>
          tpu.vector_store_idx %arg14[%add3A_418], %max3A_425 masked %lt3A_14 : memref<80024xf32, #tpu.memory_space<vmem>>[vector<16xi32>], vector<16xf32>, vector<16xi1>
          %add3A_426 = arith.constant 14 : i32
          %add3A_427 = vector.broadcast %add3A_426 : i32 to vector<16xi32>
          %add3A_428 = arith.addi %convert_element_type3A, %add3A_427 : vector<16xi32>
          %mul3A_429 = arith.constant 16 : i32
          %mul3A_430 = arith.muli %mul3A_116, %mul3A_429 : i32
          %add3A_431 = vector.broadcast %mul3A_430 : i32 to vector<16xi32>
          %add3A_432 = arith.addi %add3A_431, %add3A_428 : vector<16xi32>
          %gather3A_433 = tpu.vector_load_idx %arg8[%add3A_432] masked %lt3A_14 : memref<1616xi32, #tpu.memory_space<vmem>>[vector<16xi32>], vector<16xi32>, vector<16xi1>
          %mul3A_434 = arith.constant 10001 : i32
          %mul3A_435 = vector.broadcast %mul3A_434 : i32 to vector<16xi32>
          %mul3A_436 = arith.muli %and3A_8, %mul3A_435 : vector<16xi32>
          %add3A_437 = arith.addi %mul3A_436, %gather3A_433 : vector<16xi32>
          %mul3A_438 = arith.constant 16 : i32
          %mul3A_439 = arith.muli %mul3A_116, %mul3A_438 : i32
          %add3A_440 = vector.broadcast %mul3A_439 : i32 to vector<16xi32>
          %add3A_441 = arith.addi %add3A_440, %add3A_428 : vector<16xi32>
          %gather3A_442 = tpu.vector_load_idx %arg12[%add3A_441, %and3A_8] masked %lt3A_14 : memref<1600x8xf32, #tpu.memory_space<vmem>>[vector<16xi32>, vector<16xi32>], vector<16xf32>, vector<16xi1>
          %gather3A_443 = tpu.vector_load_idx %arg14[%add3A_437] masked %lt3A_14 : memref<80024xf32, #tpu.memory_space<vmem>>[vector<16xi32>], vector<16xf32>, vector<16xi1>
          %max3A_444 = arith.maximumf %gather3A_443, %gather3A_442 : vector<16xf32>
          tpu.vector_store_idx %arg14[%add3A_437], %max3A_444 masked %lt3A_14 : memref<80024xf32, #tpu.memory_space<vmem>>[vector<16xi32>], vector<16xf32>, vector<16xi1>
          %add3A_445 = arith.constant 0 : i32
          %add3A_446 = vector.broadcast %add3A_445 : i32 to vector<16xi32>
          %add3A_447 = arith.addi %convert_element_type3A, %add3A_446 : vector<16xi32>
          %mul3A_448 = arith.constant 16 : i32
          %mul3A_449 = arith.muli %mul3A_116, %mul3A_448 : i32
          %add3A_450 = vector.broadcast %mul3A_449 : i32 to vector<16xi32>
          %add3A_451 = arith.addi %add3A_450, %add3A_447 : vector<16xi32>
          %gather3A_452 = tpu.vector_load_idx %arg8[%add3A_451] masked %ge3A_17 : memref<1616xi32, #tpu.memory_space<vmem>>[vector<16xi32>], vector<16xi32>, vector<16xi1>
          %mul3A_453 = arith.constant 10001 : i32
          %mul3A_454 = vector.broadcast %mul3A_453 : i32 to vector<16xi32>
          %mul3A_455 = arith.muli %and3A_8, %mul3A_454 : vector<16xi32>
          %add3A_456 = arith.addi %mul3A_455, %gather3A_452 : vector<16xi32>
          %mul3A_457 = arith.constant 16 : i32
          %mul3A_458 = arith.muli %mul3A_116, %mul3A_457 : i32
          %add3A_459 = vector.broadcast %mul3A_458 : i32 to vector<16xi32>
          %add3A_460 = arith.addi %add3A_459, %add3A_447 : vector<16xi32>
          %gather3A_461 = tpu.vector_load_idx %arg12[%add3A_460, %and3A_8] masked %ge3A_17 : memref<1600x8xf32, #tpu.memory_space<vmem>>[vector<16xi32>, vector<16xi32>], vector<16xf32>, vector<16xi1>
          %gather3A_462 = tpu.vector_load_idx %arg14[%add3A_456] masked %ge3A_17 : memref<80024xf32, #tpu.memory_space<vmem>>[vector<16xi32>], vector<16xf32>, vector<16xi1>
          %max3A_463 = arith.maximumf %gather3A_462, %gather3A_461 : vector<16xf32>
          tpu.vector_store_idx %arg14[%add3A_456], %max3A_463 masked %ge3A_17 : memref<80024xf32, #tpu.memory_space<vmem>>[vector<16xi32>], vector<16xf32>, vector<16xi1>
          %add3A_464 = arith.constant 2 : i32
          %add3A_465 = vector.broadcast %add3A_464 : i32 to vector<16xi32>
          %add3A_466 = arith.addi %convert_element_type3A, %add3A_465 : vector<16xi32>
          %mul3A_467 = arith.constant 16 : i32
          %mul3A_468 = arith.muli %mul3A_116, %mul3A_467 : i32
          %add3A_469 = vector.broadcast %mul3A_468 : i32 to vector<16xi32>
          %add3A_470 = arith.addi %add3A_469, %add3A_466 : vector<16xi32>
          %gather3A_471 = tpu.vector_load_idx %arg8[%add3A_470] masked %ge3A_17 : memref<1616xi32, #tpu.memory_space<vmem>>[vector<16xi32>], vector<16xi32>, vector<16xi1>
          %mul3A_472 = arith.constant 10001 : i32
          %mul3A_473 = vector.broadcast %mul3A_472 : i32 to vector<16xi32>
          %mul3A_474 = arith.muli %and3A_8, %mul3A_473 : vector<16xi32>
          %add3A_475 = arith.addi %mul3A_474, %gather3A_471 : vector<16xi32>
          %mul3A_476 = arith.constant 16 : i32
          %mul3A_477 = arith.muli %mul3A_116, %mul3A_476 : i32
          %add3A_478 = vector.broadcast %mul3A_477 : i32 to vector<16xi32>
          %add3A_479 = arith.addi %add3A_478, %add3A_466 : vector<16xi32>
          %gather3A_480 = tpu.vector_load_idx %arg12[%add3A_479, %and3A_8] masked %ge3A_17 : memref<1600x8xf32, #tpu.memory_space<vmem>>[vector<16xi32>, vector<16xi32>], vector<16xf32>, vector<16xi1>
          %gather3A_481 = tpu.vector_load_idx %arg14[%add3A_475] masked %ge3A_17 : memref<80024xf32, #tpu.memory_space<vmem>>[vector<16xi32>], vector<16xf32>, vector<16xi1>
          %max3A_482 = arith.maximumf %gather3A_481, %gather3A_480 : vector<16xf32>
          tpu.vector_store_idx %arg14[%add3A_475], %max3A_482 masked %ge3A_17 : memref<80024xf32, #tpu.memory_space<vmem>>[vector<16xi32>], vector<16xf32>, vector<16xi1>
          %add3A_483 = arith.constant 4 : i32
          %add3A_484 = vector.broadcast %add3A_483 : i32 to vector<16xi32>
          %add3A_485 = arith.addi %convert_element_type3A, %add3A_484 : vector<16xi32>
          %mul3A_486 = arith.constant 16 : i32
          %mul3A_487 = arith.muli %mul3A_116, %mul3A_486 : i32
          %add3A_488 = vector.broadcast %mul3A_487 : i32 to vector<16xi32>
          %add3A_489 = arith.addi %add3A_488, %add3A_485 : vector<16xi32>
          %gather3A_490 = tpu.vector_load_idx %arg8[%add3A_489] masked %ge3A_17 : memref<1616xi32, #tpu.memory_space<vmem>>[vector<16xi32>], vector<16xi32>, vector<16xi1>
          %mul3A_491 = arith.constant 10001 : i32
          %mul3A_492 = vector.broadcast %mul3A_491 : i32 to vector<16xi32>
          %mul3A_493 = arith.muli %and3A_8, %mul3A_492 : vector<16xi32>
          %add3A_494 = arith.addi %mul3A_493, %gather3A_490 : vector<16xi32>
          %mul3A_495 = arith.constant 16 : i32
          %mul3A_496 = arith.muli %mul3A_116, %mul3A_495 : i32
          %add3A_497 = vector.broadcast %mul3A_496 : i32 to vector<16xi32>
          %add3A_498 = arith.addi %add3A_497, %add3A_485 : vector<16xi32>
          %gather3A_499 = tpu.vector_load_idx %arg12[%add3A_498, %and3A_8] masked %ge3A_17 : memref<1600x8xf32, #tpu.memory_space<vmem>>[vector<16xi32>, vector<16xi32>], vector<16xf32>, vector<16xi1>
          %gather3A_500 = tpu.vector_load_idx %arg14[%add3A_494] masked %ge3A_17 : memref<80024xf32, #tpu.memory_space<vmem>>[vector<16xi32>], vector<16xf32>, vector<16xi1>
          %max3A_501 = arith.maximumf %gather3A_500, %gather3A_499 : vector<16xf32>
          tpu.vector_store_idx %arg14[%add3A_494], %max3A_501 masked %ge3A_17 : memref<80024xf32, #tpu.memory_space<vmem>>[vector<16xi32>], vector<16xf32>, vector<16xi1>
          %add3A_502 = arith.constant 6 : i32
          %add3A_503 = vector.broadcast %add3A_502 : i32 to vector<16xi32>
          %add3A_504 = arith.addi %convert_element_type3A, %add3A_503 : vector<16xi32>
          %mul3A_505 = arith.constant 16 : i32
          %mul3A_506 = arith.muli %mul3A_116, %mul3A_505 : i32
          %add3A_507 = vector.broadcast %mul3A_506 : i32 to vector<16xi32>
          %add3A_508 = arith.addi %add3A_507, %add3A_504 : vector<16xi32>
          %gather3A_509 = tpu.vector_load_idx %arg8[%add3A_508] masked %ge3A_17 : memref<1616xi32, #tpu.memory_space<vmem>>[vector<16xi32>], vector<16xi32>, vector<16xi1>
          %mul3A_510 = arith.constant 10001 : i32
          %mul3A_511 = vector.broadcast %mul3A_510 : i32 to vector<16xi32>
          %mul3A_512 = arith.muli %and3A_8, %mul3A_511 : vector<16xi32>
          %add3A_513 = arith.addi %mul3A_512, %gather3A_509 : vector<16xi32>
          %mul3A_514 = arith.constant 16 : i32
          %mul3A_515 = arith.muli %mul3A_116, %mul3A_514 : i32
          %add3A_516 = vector.broadcast %mul3A_515 : i32 to vector<16xi32>
          %add3A_517 = arith.addi %add3A_516, %add3A_504 : vector<16xi32>
          %gather3A_518 = tpu.vector_load_idx %arg12[%add3A_517, %and3A_8] masked %ge3A_17 : memref<1600x8xf32, #tpu.memory_space<vmem>>[vector<16xi32>, vector<16xi32>], vector<16xf32>, vector<16xi1>
          %gather3A_519 = tpu.vector_load_idx %arg14[%add3A_513] masked %ge3A_17 : memref<80024xf32, #tpu.memory_space<vmem>>[vector<16xi32>], vector<16xf32>, vector<16xi1>
          %max3A_520 = arith.maximumf %gather3A_519, %gather3A_518 : vector<16xf32>
          tpu.vector_store_idx %arg14[%add3A_513], %max3A_520 masked %ge3A_17 : memref<80024xf32, #tpu.memory_space<vmem>>[vector<16xi32>], vector<16xf32>, vector<16xi1>
          %add3A_521 = arith.constant 8 : i32
          %add3A_522 = vector.broadcast %add3A_521 : i32 to vector<16xi32>
          %add3A_523 = arith.addi %convert_element_type3A, %add3A_522 : vector<16xi32>
          %mul3A_524 = arith.constant 16 : i32
          %mul3A_525 = arith.muli %mul3A_116, %mul3A_524 : i32
          %add3A_526 = vector.broadcast %mul3A_525 : i32 to vector<16xi32>
          %add3A_527 = arith.addi %add3A_526, %add3A_523 : vector<16xi32>
          %gather3A_528 = tpu.vector_load_idx %arg8[%add3A_527] masked %ge3A_17 : memref<1616xi32, #tpu.memory_space<vmem>>[vector<16xi32>], vector<16xi32>, vector<16xi1>
          %mul3A_529 = arith.constant 10001 : i32
          %mul3A_530 = vector.broadcast %mul3A_529 : i32 to vector<16xi32>
          %mul3A_531 = arith.muli %and3A_8, %mul3A_530 : vector<16xi32>
          %add3A_532 = arith.addi %mul3A_531, %gather3A_528 : vector<16xi32>
          %mul3A_533 = arith.constant 16 : i32
          %mul3A_534 = arith.muli %mul3A_116, %mul3A_533 : i32
          %add3A_535 = vector.broadcast %mul3A_534 : i32 to vector<16xi32>
          %add3A_536 = arith.addi %add3A_535, %add3A_523 : vector<16xi32>
          %gather3A_537 = tpu.vector_load_idx %arg12[%add3A_536, %and3A_8] masked %ge3A_17 : memref<1600x8xf32, #tpu.memory_space<vmem>>[vector<16xi32>, vector<16xi32>], vector<16xf32>, vector<16xi1>
          %gather3A_538 = tpu.vector_load_idx %arg14[%add3A_532] masked %ge3A_17 : memref<80024xf32, #tpu.memory_space<vmem>>[vector<16xi32>], vector<16xf32>, vector<16xi1>
          %max3A_539 = arith.maximumf %gather3A_538, %gather3A_537 : vector<16xf32>
          tpu.vector_store_idx %arg14[%add3A_532], %max3A_539 masked %ge3A_17 : memref<80024xf32, #tpu.memory_space<vmem>>[vector<16xi32>], vector<16xf32>, vector<16xi1>
          %add3A_540 = arith.constant 10 : i32
          %add3A_541 = vector.broadcast %add3A_540 : i32 to vector<16xi32>
          %add3A_542 = arith.addi %convert_element_type3A, %add3A_541 : vector<16xi32>
          %mul3A_543 = arith.constant 16 : i32
          %mul3A_544 = arith.muli %mul3A_116, %mul3A_543 : i32
          %add3A_545 = vector.broadcast %mul3A_544 : i32 to vector<16xi32>
          %add3A_546 = arith.addi %add3A_545, %add3A_542 : vector<16xi32>
          %gather3A_547 = tpu.vector_load_idx %arg8[%add3A_546] masked %ge3A_17 : memref<1616xi32, #tpu.memory_space<vmem>>[vector<16xi32>], vector<16xi32>, vector<16xi1>
          %mul3A_548 = arith.constant 10001 : i32
          %mul3A_549 = vector.broadcast %mul3A_548 : i32 to vector<16xi32>
          %mul3A_550 = arith.muli %and3A_8, %mul3A_549 : vector<16xi32>
          %add3A_551 = arith.addi %mul3A_550, %gather3A_547 : vector<16xi32>
          %mul3A_552 = arith.constant 16 : i32
          %mul3A_553 = arith.muli %mul3A_116, %mul3A_552 : i32
          %add3A_554 = vector.broadcast %mul3A_553 : i32 to vector<16xi32>
          %add3A_555 = arith.addi %add3A_554, %add3A_542 : vector<16xi32>
          %gather3A_556 = tpu.vector_load_idx %arg12[%add3A_555, %and3A_8] masked %ge3A_17 : memref<1600x8xf32, #tpu.memory_space<vmem>>[vector<16xi32>, vector<16xi32>], vector<16xf32>, vector<16xi1>
          %gather3A_557 = tpu.vector_load_idx %arg14[%add3A_551] masked %ge3A_17 : memref<80024xf32, #tpu.memory_space<vmem>>[vector<16xi32>], vector<16xf32>, vector<16xi1>
          %max3A_558 = arith.maximumf %gather3A_557, %gather3A_556 : vector<16xf32>
          tpu.vector_store_idx %arg14[%add3A_551], %max3A_558 masked %ge3A_17 : memref<80024xf32, #tpu.memory_space<vmem>>[vector<16xi32>], vector<16xf32>, vector<16xi1>
          %add3A_559 = arith.constant 12 : i32
          %add3A_560 = vector.broadcast %add3A_559 : i32 to vector<16xi32>
          %add3A_561 = arith.addi %convert_element_type3A, %add3A_560 : vector<16xi32>
          %mul3A_562 = arith.constant 16 : i32
          %mul3A_563 = arith.muli %mul3A_116, %mul3A_562 : i32
          %add3A_564 = vector.broadcast %mul3A_563 : i32 to vector<16xi32>
          %add3A_565 = arith.addi %add3A_564, %add3A_561 : vector<16xi32>
          %gather3A_566 = tpu.vector_load_idx %arg8[%add3A_565] masked %ge3A_17 : memref<1616xi32, #tpu.memory_space<vmem>>[vector<16xi32>], vector<16xi32>, vector<16xi1>
          %mul3A_567 = arith.constant 10001 : i32
          %mul3A_568 = vector.broadcast %mul3A_567 : i32 to vector<16xi32>
          %mul3A_569 = arith.muli %and3A_8, %mul3A_568 : vector<16xi32>
          %add3A_570 = arith.addi %mul3A_569, %gather3A_566 : vector<16xi32>
          %mul3A_571 = arith.constant 16 : i32
          %mul3A_572 = arith.muli %mul3A_116, %mul3A_571 : i32
          %add3A_573 = vector.broadcast %mul3A_572 : i32 to vector<16xi32>
          %add3A_574 = arith.addi %add3A_573, %add3A_561 : vector<16xi32>
          %gather3A_575 = tpu.vector_load_idx %arg12[%add3A_574, %and3A_8] masked %ge3A_17 : memref<1600x8xf32, #tpu.memory_space<vmem>>[vector<16xi32>, vector<16xi32>], vector<16xf32>, vector<16xi1>
          %gather3A_576 = tpu.vector_load_idx %arg14[%add3A_570] masked %ge3A_17 : memref<80024xf32, #tpu.memory_space<vmem>>[vector<16xi32>], vector<16xf32>, vector<16xi1>
          %max3A_577 = arith.maximumf %gather3A_576, %gather3A_575 : vector<16xf32>
          tpu.vector_store_idx %arg14[%add3A_570], %max3A_577 masked %ge3A_17 : memref<80024xf32, #tpu.memory_space<vmem>>[vector<16xi32>], vector<16xf32>, vector<16xi1>
          %add3A_578 = arith.constant 14 : i32
          %add3A_579 = vector.broadcast %add3A_578 : i32 to vector<16xi32>
          %add3A_580 = arith.addi %convert_element_type3A, %add3A_579 : vector<16xi32>
          %mul3A_581 = arith.constant 16 : i32
          %mul3A_582 = arith.muli %mul3A_116, %mul3A_581 : i32
          %add3A_583 = vector.broadcast %mul3A_582 : i32 to vector<16xi32>
          %add3A_584 = arith.addi %add3A_583, %add3A_580 : vector<16xi32>
          %gather3A_585 = tpu.vector_load_idx %arg8[%add3A_584] masked %ge3A_17 : memref<1616xi32, #tpu.memory_space<vmem>>[vector<16xi32>], vector<16xi32>, vector<16xi1>
          %mul3A_586 = arith.constant 10001 : i32
          %mul3A_587 = vector.broadcast %mul3A_586 : i32 to vector<16xi32>
          %mul3A_588 = arith.muli %and3A_8, %mul3A_587 : vector<16xi32>
          %add3A_589 = arith.addi %mul3A_588, %gather3A_585 : vector<16xi32>
          %mul3A_590 = arith.constant 16 : i32
          %mul3A_591 = arith.muli %mul3A_116, %mul3A_590 : i32
          %add3A_592 = vector.broadcast %mul3A_591 : i32 to vector<16xi32>
          %add3A_593 = arith.addi %add3A_592, %add3A_580 : vector<16xi32>
          %gather3A_594 = tpu.vector_load_idx %arg12[%add3A_593, %and3A_8] masked %ge3A_17 : memref<1600x8xf32, #tpu.memory_space<vmem>>[vector<16xi32>, vector<16xi32>], vector<16xf32>, vector<16xi1>
          %gather3A_595 = tpu.vector_load_idx %arg14[%add3A_589] masked %ge3A_17 : memref<80024xf32, #tpu.memory_space<vmem>>[vector<16xi32>], vector<16xf32>, vector<16xi1>
          %max3A_596 = arith.maximumf %gather3A_595, %gather3A_594 : vector<16xf32>
          tpu.vector_store_idx %arg14[%add3A_589], %max3A_596 masked %ge3A_17 : memref<80024xf32, #tpu.memory_space<vmem>>[vector<16xi32>], vector<16xf32>, vector<16xi1>
          %add3A_597 = arith.constant 0 : i32
          %add3A_598 = vector.broadcast %add3A_597 : i32 to vector<16xi32>
          %add3A_599 = arith.addi %convert_element_type3A, %add3A_598 : vector<16xi32>
          %mul3A_600 = arith.constant 16 : i32
          %mul3A_601 = arith.muli %add3A_118, %mul3A_600 : i32
          %add3A_602 = vector.broadcast %mul3A_601 : i32 to vector<16xi32>
          %add3A_603 = arith.addi %add3A_602, %add3A_599 : vector<16xi32>
          %gather3A_604 = tpu.vector_load_idx %arg8[%add3A_603] masked %lt3A_14 : memref<1616xi32, #tpu.memory_space<vmem>>[vector<16xi32>], vector<16xi32>, vector<16xi1>
          %mul3A_605 = arith.constant 10001 : i32
          %mul3A_606 = vector.broadcast %mul3A_605 : i32 to vector<16xi32>
          %mul3A_607 = arith.muli %and3A_8, %mul3A_606 : vector<16xi32>
          %add3A_608 = arith.addi %mul3A_607, %gather3A_604 : vector<16xi32>
          %mul3A_609 = arith.constant 16 : i32
          %mul3A_610 = arith.muli %add3A_118, %mul3A_609 : i32
          %add3A_611 = vector.broadcast %mul3A_610 : i32 to vector<16xi32>
          %add3A_612 = arith.addi %add3A_611, %add3A_599 : vector<16xi32>
          %gather3A_613 = tpu.vector_load_idx %arg12[%add3A_612, %and3A_8] masked %lt3A_14 : memref<1600x8xf32, #tpu.memory_space<vmem>>[vector<16xi32>, vector<16xi32>], vector<16xf32>, vector<16xi1>
          %gather3A_614 = tpu.vector_load_idx %arg14[%add3A_608] masked %lt3A_14 : memref<80024xf32, #tpu.memory_space<vmem>>[vector<16xi32>], vector<16xf32>, vector<16xi1>
          %max3A_615 = arith.maximumf %gather3A_614, %gather3A_613 : vector<16xf32>
          tpu.vector_store_idx %arg14[%add3A_608], %max3A_615 masked %lt3A_14 : memref<80024xf32, #tpu.memory_space<vmem>>[vector<16xi32>], vector<16xf32>, vector<16xi1>
          %add3A_616 = arith.constant 2 : i32
          %add3A_617 = vector.broadcast %add3A_616 : i32 to vector<16xi32>
          %add3A_618 = arith.addi %convert_element_type3A, %add3A_617 : vector<16xi32>
          %mul3A_619 = arith.constant 16 : i32
          %mul3A_620 = arith.muli %add3A_118, %mul3A_619 : i32
          %add3A_621 = vector.broadcast %mul3A_620 : i32 to vector<16xi32>
          %add3A_622 = arith.addi %add3A_621, %add3A_618 : vector<16xi32>
          %gather3A_623 = tpu.vector_load_idx %arg8[%add3A_622] masked %lt3A_14 : memref<1616xi32, #tpu.memory_space<vmem>>[vector<16xi32>], vector<16xi32>, vector<16xi1>
          %mul3A_624 = arith.constant 10001 : i32
          %mul3A_625 = vector.broadcast %mul3A_624 : i32 to vector<16xi32>
          %mul3A_626 = arith.muli %and3A_8, %mul3A_625 : vector<16xi32>
          %add3A_627 = arith.addi %mul3A_626, %gather3A_623 : vector<16xi32>
          %mul3A_628 = arith.constant 16 : i32
          %mul3A_629 = arith.muli %add3A_118, %mul3A_628 : i32
          %add3A_630 = vector.broadcast %mul3A_629 : i32 to vector<16xi32>
          %add3A_631 = arith.addi %add3A_630, %add3A_618 : vector<16xi32>
          %gather3A_632 = tpu.vector_load_idx %arg12[%add3A_631, %and3A_8] masked %lt3A_14 : memref<1600x8xf32, #tpu.memory_space<vmem>>[vector<16xi32>, vector<16xi32>], vector<16xf32>, vector<16xi1>
          %gather3A_633 = tpu.vector_load_idx %arg14[%add3A_627] masked %lt3A_14 : memref<80024xf32, #tpu.memory_space<vmem>>[vector<16xi32>], vector<16xf32>, vector<16xi1>
          %max3A_634 = arith.maximumf %gather3A_633, %gather3A_632 : vector<16xf32>
          tpu.vector_store_idx %arg14[%add3A_627], %max3A_634 masked %lt3A_14 : memref<80024xf32, #tpu.memory_space<vmem>>[vector<16xi32>], vector<16xf32>, vector<16xi1>
          %add3A_635 = arith.constant 4 : i32
          %add3A_636 = vector.broadcast %add3A_635 : i32 to vector<16xi32>
          %add3A_637 = arith.addi %convert_element_type3A, %add3A_636 : vector<16xi32>
          %mul3A_638 = arith.constant 16 : i32
          %mul3A_639 = arith.muli %add3A_118, %mul3A_638 : i32
          %add3A_640 = vector.broadcast %mul3A_639 : i32 to vector<16xi32>
          %add3A_641 = arith.addi %add3A_640, %add3A_637 : vector<16xi32>
          %gather3A_642 = tpu.vector_load_idx %arg8[%add3A_641] masked %lt3A_14 : memref<1616xi32, #tpu.memory_space<vmem>>[vector<16xi32>], vector<16xi32>, vector<16xi1>
          %mul3A_643 = arith.constant 10001 : i32
          %mul3A_644 = vector.broadcast %mul3A_643 : i32 to vector<16xi32>
          %mul3A_645 = arith.muli %and3A_8, %mul3A_644 : vector<16xi32>
          %add3A_646 = arith.addi %mul3A_645, %gather3A_642 : vector<16xi32>
          %mul3A_647 = arith.constant 16 : i32
          %mul3A_648 = arith.muli %add3A_118, %mul3A_647 : i32
          %add3A_649 = vector.broadcast %mul3A_648 : i32 to vector<16xi32>
          %add3A_650 = arith.addi %add3A_649, %add3A_637 : vector<16xi32>
          %gather3A_651 = tpu.vector_load_idx %arg12[%add3A_650, %and3A_8] masked %lt3A_14 : memref<1600x8xf32, #tpu.memory_space<vmem>>[vector<16xi32>, vector<16xi32>], vector<16xf32>, vector<16xi1>
          %gather3A_652 = tpu.vector_load_idx %arg14[%add3A_646] masked %lt3A_14 : memref<80024xf32, #tpu.memory_space<vmem>>[vector<16xi32>], vector<16xf32>, vector<16xi1>
          %max3A_653 = arith.maximumf %gather3A_652, %gather3A_651 : vector<16xf32>
          tpu.vector_store_idx %arg14[%add3A_646], %max3A_653 masked %lt3A_14 : memref<80024xf32, #tpu.memory_space<vmem>>[vector<16xi32>], vector<16xf32>, vector<16xi1>
          %add3A_654 = arith.constant 6 : i32
          %add3A_655 = vector.broadcast %add3A_654 : i32 to vector<16xi32>
          %add3A_656 = arith.addi %convert_element_type3A, %add3A_655 : vector<16xi32>
          %mul3A_657 = arith.constant 16 : i32
          %mul3A_658 = arith.muli %add3A_118, %mul3A_657 : i32
          %add3A_659 = vector.broadcast %mul3A_658 : i32 to vector<16xi32>
          %add3A_660 = arith.addi %add3A_659, %add3A_656 : vector<16xi32>
          %gather3A_661 = tpu.vector_load_idx %arg8[%add3A_660] masked %lt3A_14 : memref<1616xi32, #tpu.memory_space<vmem>>[vector<16xi32>], vector<16xi32>, vector<16xi1>
          %mul3A_662 = arith.constant 10001 : i32
          %mul3A_663 = vector.broadcast %mul3A_662 : i32 to vector<16xi32>
          %mul3A_664 = arith.muli %and3A_8, %mul3A_663 : vector<16xi32>
          %add3A_665 = arith.addi %mul3A_664, %gather3A_661 : vector<16xi32>
          %mul3A_666 = arith.constant 16 : i32
          %mul3A_667 = arith.muli %add3A_118, %mul3A_666 : i32
          %add3A_668 = vector.broadcast %mul3A_667 : i32 to vector<16xi32>
          %add3A_669 = arith.addi %add3A_668, %add3A_656 : vector<16xi32>
          %gather3A_670 = tpu.vector_load_idx %arg12[%add3A_669, %and3A_8] masked %lt3A_14 : memref<1600x8xf32, #tpu.memory_space<vmem>>[vector<16xi32>, vector<16xi32>], vector<16xf32>, vector<16xi1>
          %gather3A_671 = tpu.vector_load_idx %arg14[%add3A_665] masked %lt3A_14 : memref<80024xf32, #tpu.memory_space<vmem>>[vector<16xi32>], vector<16xf32>, vector<16xi1>
          %max3A_672 = arith.maximumf %gather3A_671, %gather3A_670 : vector<16xf32>
          tpu.vector_store_idx %arg14[%add3A_665], %max3A_672 masked %lt3A_14 : memref<80024xf32, #tpu.memory_space<vmem>>[vector<16xi32>], vector<16xf32>, vector<16xi1>
          %add3A_673 = arith.constant 8 : i32
          %add3A_674 = vector.broadcast %add3A_673 : i32 to vector<16xi32>
          %add3A_675 = arith.addi %convert_element_type3A, %add3A_674 : vector<16xi32>
          %mul3A_676 = arith.constant 16 : i32
          %mul3A_677 = arith.muli %add3A_118, %mul3A_676 : i32
          %add3A_678 = vector.broadcast %mul3A_677 : i32 to vector<16xi32>
          %add3A_679 = arith.addi %add3A_678, %add3A_675 : vector<16xi32>
          %gather3A_680 = tpu.vector_load_idx %arg8[%add3A_679] masked %lt3A_14 : memref<1616xi32, #tpu.memory_space<vmem>>[vector<16xi32>], vector<16xi32>, vector<16xi1>
          %mul3A_681 = arith.constant 10001 : i32
          %mul3A_682 = vector.broadcast %mul3A_681 : i32 to vector<16xi32>
          %mul3A_683 = arith.muli %and3A_8, %mul3A_682 : vector<16xi32>
          %add3A_684 = arith.addi %mul3A_683, %gather3A_680 : vector<16xi32>
          %mul3A_685 = arith.constant 16 : i32
          %mul3A_686 = arith.muli %add3A_118, %mul3A_685 : i32
          %add3A_687 = vector.broadcast %mul3A_686 : i32 to vector<16xi32>
          %add3A_688 = arith.addi %add3A_687, %add3A_675 : vector<16xi32>
          %gather3A_689 = tpu.vector_load_idx %arg12[%add3A_688, %and3A_8] masked %lt3A_14 : memref<1600x8xf32, #tpu.memory_space<vmem>>[vector<16xi32>, vector<16xi32>], vector<16xf32>, vector<16xi1>
          %gather3A_690 = tpu.vector_load_idx %arg14[%add3A_684] masked %lt3A_14 : memref<80024xf32, #tpu.memory_space<vmem>>[vector<16xi32>], vector<16xf32>, vector<16xi1>
          %max3A_691 = arith.maximumf %gather3A_690, %gather3A_689 : vector<16xf32>
          tpu.vector_store_idx %arg14[%add3A_684], %max3A_691 masked %lt3A_14 : memref<80024xf32, #tpu.memory_space<vmem>>[vector<16xi32>], vector<16xf32>, vector<16xi1>
          %add3A_692 = arith.constant 10 : i32
          %add3A_693 = vector.broadcast %add3A_692 : i32 to vector<16xi32>
          %add3A_694 = arith.addi %convert_element_type3A, %add3A_693 : vector<16xi32>
          %mul3A_695 = arith.constant 16 : i32
          %mul3A_696 = arith.muli %add3A_118, %mul3A_695 : i32
          %add3A_697 = vector.broadcast %mul3A_696 : i32 to vector<16xi32>
          %add3A_698 = arith.addi %add3A_697, %add3A_694 : vector<16xi32>
          %gather3A_699 = tpu.vector_load_idx %arg8[%add3A_698] masked %lt3A_14 : memref<1616xi32, #tpu.memory_space<vmem>>[vector<16xi32>], vector<16xi32>, vector<16xi1>
          %mul3A_700 = arith.constant 10001 : i32
          %mul3A_701 = vector.broadcast %mul3A_700 : i32 to vector<16xi32>
          %mul3A_702 = arith.muli %and3A_8, %mul3A_701 : vector<16xi32>
          %add3A_703 = arith.addi %mul3A_702, %gather3A_699 : vector<16xi32>
          %mul3A_704 = arith.constant 16 : i32
          %mul3A_705 = arith.muli %add3A_118, %mul3A_704 : i32
          %add3A_706 = vector.broadcast %mul3A_705 : i32 to vector<16xi32>
          %add3A_707 = arith.addi %add3A_706, %add3A_694 : vector<16xi32>
          %gather3A_708 = tpu.vector_load_idx %arg12[%add3A_707, %and3A_8] masked %lt3A_14 : memref<1600x8xf32, #tpu.memory_space<vmem>>[vector<16xi32>, vector<16xi32>], vector<16xf32>, vector<16xi1>
          %gather3A_709 = tpu.vector_load_idx %arg14[%add3A_703] masked %lt3A_14 : memref<80024xf32, #tpu.memory_space<vmem>>[vector<16xi32>], vector<16xf32>, vector<16xi1>
          %max3A_710 = arith.maximumf %gather3A_709, %gather3A_708 : vector<16xf32>
          tpu.vector_store_idx %arg14[%add3A_703], %max3A_710 masked %lt3A_14 : memref<80024xf32, #tpu.memory_space<vmem>>[vector<16xi32>], vector<16xf32>, vector<16xi1>
          %add3A_711 = arith.constant 12 : i32
          %add3A_712 = vector.broadcast %add3A_711 : i32 to vector<16xi32>
          %add3A_713 = arith.addi %convert_element_type3A, %add3A_712 : vector<16xi32>
          %mul3A_714 = arith.constant 16 : i32
          %mul3A_715 = arith.muli %add3A_118, %mul3A_714 : i32
          %add3A_716 = vector.broadcast %mul3A_715 : i32 to vector<16xi32>
          %add3A_717 = arith.addi %add3A_716, %add3A_713 : vector<16xi32>
          %gather3A_718 = tpu.vector_load_idx %arg8[%add3A_717] masked %lt3A_14 : memref<1616xi32, #tpu.memory_space<vmem>>[vector<16xi32>], vector<16xi32>, vector<16xi1>
          %mul3A_719 = arith.constant 10001 : i32
          %mul3A_720 = vector.broadcast %mul3A_719 : i32 to vector<16xi32>
          %mul3A_721 = arith.muli %and3A_8, %mul3A_720 : vector<16xi32>
          %add3A_722 = arith.addi %mul3A_721, %gather3A_718 : vector<16xi32>
          %mul3A_723 = arith.constant 16 : i32
          %mul3A_724 = arith.muli %add3A_118, %mul3A_723 : i32
          %add3A_725 = vector.broadcast %mul3A_724 : i32 to vector<16xi32>
          %add3A_726 = arith.addi %add3A_725, %add3A_713 : vector<16xi32>
          %gather3A_727 = tpu.vector_load_idx %arg12[%add3A_726, %and3A_8] masked %lt3A_14 : memref<1600x8xf32, #tpu.memory_space<vmem>>[vector<16xi32>, vector<16xi32>], vector<16xf32>, vector<16xi1>
          %gather3A_728 = tpu.vector_load_idx %arg14[%add3A_722] masked %lt3A_14 : memref<80024xf32, #tpu.memory_space<vmem>>[vector<16xi32>], vector<16xf32>, vector<16xi1>
          %max3A_729 = arith.maximumf %gather3A_728, %gather3A_727 : vector<16xf32>
          tpu.vector_store_idx %arg14[%add3A_722], %max3A_729 masked %lt3A_14 : memref<80024xf32, #tpu.memory_space<vmem>>[vector<16xi32>], vector<16xf32>, vector<16xi1>
          %add3A_730 = arith.constant 14 : i32
          %add3A_731 = vector.broadcast %add3A_730 : i32 to vector<16xi32>
          %add3A_732 = arith.addi %convert_element_type3A, %add3A_731 : vector<16xi32>
          %mul3A_733 = arith.constant 16 : i32
          %mul3A_734 = arith.muli %add3A_118, %mul3A_733 : i32
          %add3A_735 = vector.broadcast %mul3A_734 : i32 to vector<16xi32>
          %add3A_736 = arith.addi %add3A_735, %add3A_732 : vector<16xi32>
          %gather3A_737 = tpu.vector_load_idx %arg8[%add3A_736] masked %lt3A_14 : memref<1616xi32, #tpu.memory_space<vmem>>[vector<16xi32>], vector<16xi32>, vector<16xi1>
          %mul3A_738 = arith.constant 10001 : i32
          %mul3A_739 = vector.broadcast %mul3A_738 : i32 to vector<16xi32>
          %mul3A_740 = arith.muli %and3A_8, %mul3A_739 : vector<16xi32>
          %add3A_741 = arith.addi %mul3A_740, %gather3A_737 : vector<16xi32>
          %mul3A_742 = arith.constant 16 : i32
          %mul3A_743 = arith.muli %add3A_118, %mul3A_742 : i32
          %add3A_744 = vector.broadcast %mul3A_743 : i32 to vector<16xi32>
          %add3A_745 = arith.addi %add3A_744, %add3A_732 : vector<16xi32>
          %gather3A_746 = tpu.vector_load_idx %arg12[%add3A_745, %and3A_8] masked %lt3A_14 : memref<1600x8xf32, #tpu.memory_space<vmem>>[vector<16xi32>, vector<16xi32>], vector<16xf32>, vector<16xi1>
          %gather3A_747 = tpu.vector_load_idx %arg14[%add3A_741] masked %lt3A_14 : memref<80024xf32, #tpu.memory_space<vmem>>[vector<16xi32>], vector<16xf32>, vector<16xi1>
          %max3A_748 = arith.maximumf %gather3A_747, %gather3A_746 : vector<16xf32>
          tpu.vector_store_idx %arg14[%add3A_741], %max3A_748 masked %lt3A_14 : memref<80024xf32, #tpu.memory_space<vmem>>[vector<16xi32>], vector<16xf32>, vector<16xi1>
          %add3A_749 = arith.constant 0 : i32
          %add3A_750 = vector.broadcast %add3A_749 : i32 to vector<16xi32>
          %add3A_751 = arith.addi %convert_element_type3A, %add3A_750 : vector<16xi32>
          %mul3A_752 = arith.constant 16 : i32
          %mul3A_753 = arith.muli %add3A_118, %mul3A_752 : i32
          %add3A_754 = vector.broadcast %mul3A_753 : i32 to vector<16xi32>
          %add3A_755 = arith.addi %add3A_754, %add3A_751 : vector<16xi32>
          %gather3A_756 = tpu.vector_load_idx %arg8[%add3A_755] masked %ge3A_17 : memref<1616xi32, #tpu.memory_space<vmem>>[vector<16xi32>], vector<16xi32>, vector<16xi1>
          %mul3A_757 = arith.constant 10001 : i32
          %mul3A_758 = vector.broadcast %mul3A_757 : i32 to vector<16xi32>
          %mul3A_759 = arith.muli %and3A_8, %mul3A_758 : vector<16xi32>
          %add3A_760 = arith.addi %mul3A_759, %gather3A_756 : vector<16xi32>
          %mul3A_761 = arith.constant 16 : i32
          %mul3A_762 = arith.muli %add3A_118, %mul3A_761 : i32
          %add3A_763 = vector.broadcast %mul3A_762 : i32 to vector<16xi32>
          %add3A_764 = arith.addi %add3A_763, %add3A_751 : vector<16xi32>
          %gather3A_765 = tpu.vector_load_idx %arg12[%add3A_764, %and3A_8] masked %ge3A_17 : memref<1600x8xf32, #tpu.memory_space<vmem>>[vector<16xi32>, vector<16xi32>], vector<16xf32>, vector<16xi1>
          %gather3A_766 = tpu.vector_load_idx %arg14[%add3A_760] masked %ge3A_17 : memref<80024xf32, #tpu.memory_space<vmem>>[vector<16xi32>], vector<16xf32>, vector<16xi1>
          %max3A_767 = arith.maximumf %gather3A_766, %gather3A_765 : vector<16xf32>
          tpu.vector_store_idx %arg14[%add3A_760], %max3A_767 masked %ge3A_17 : memref<80024xf32, #tpu.memory_space<vmem>>[vector<16xi32>], vector<16xf32>, vector<16xi1>
          %add3A_768 = arith.constant 2 : i32
          %add3A_769 = vector.broadcast %add3A_768 : i32 to vector<16xi32>
          %add3A_770 = arith.addi %convert_element_type3A, %add3A_769 : vector<16xi32>
          %mul3A_771 = arith.constant 16 : i32
          %mul3A_772 = arith.muli %add3A_118, %mul3A_771 : i32
          %add3A_773 = vector.broadcast %mul3A_772 : i32 to vector<16xi32>
          %add3A_774 = arith.addi %add3A_773, %add3A_770 : vector<16xi32>
          %gather3A_775 = tpu.vector_load_idx %arg8[%add3A_774] masked %ge3A_17 : memref<1616xi32, #tpu.memory_space<vmem>>[vector<16xi32>], vector<16xi32>, vector<16xi1>
          %mul3A_776 = arith.constant 10001 : i32
          %mul3A_777 = vector.broadcast %mul3A_776 : i32 to vector<16xi32>
          %mul3A_778 = arith.muli %and3A_8, %mul3A_777 : vector<16xi32>
          %add3A_779 = arith.addi %mul3A_778, %gather3A_775 : vector<16xi32>
          %mul3A_780 = arith.constant 16 : i32
          %mul3A_781 = arith.muli %add3A_118, %mul3A_780 : i32
          %add3A_782 = vector.broadcast %mul3A_781 : i32 to vector<16xi32>
          %add3A_783 = arith.addi %add3A_782, %add3A_770 : vector<16xi32>
          %gather3A_784 = tpu.vector_load_idx %arg12[%add3A_783, %and3A_8] masked %ge3A_17 : memref<1600x8xf32, #tpu.memory_space<vmem>>[vector<16xi32>, vector<16xi32>], vector<16xf32>, vector<16xi1>
          %gather3A_785 = tpu.vector_load_idx %arg14[%add3A_779] masked %ge3A_17 : memref<80024xf32, #tpu.memory_space<vmem>>[vector<16xi32>], vector<16xf32>, vector<16xi1>
          %max3A_786 = arith.maximumf %gather3A_785, %gather3A_784 : vector<16xf32>
          tpu.vector_store_idx %arg14[%add3A_779], %max3A_786 masked %ge3A_17 : memref<80024xf32, #tpu.memory_space<vmem>>[vector<16xi32>], vector<16xf32>, vector<16xi1>
          %add3A_787 = arith.constant 4 : i32
          %add3A_788 = vector.broadcast %add3A_787 : i32 to vector<16xi32>
          %add3A_789 = arith.addi %convert_element_type3A, %add3A_788 : vector<16xi32>
          %mul3A_790 = arith.constant 16 : i32
          %mul3A_791 = arith.muli %add3A_118, %mul3A_790 : i32
          %add3A_792 = vector.broadcast %mul3A_791 : i32 to vector<16xi32>
          %add3A_793 = arith.addi %add3A_792, %add3A_789 : vector<16xi32>
          %gather3A_794 = tpu.vector_load_idx %arg8[%add3A_793] masked %ge3A_17 : memref<1616xi32, #tpu.memory_space<vmem>>[vector<16xi32>], vector<16xi32>, vector<16xi1>
          %mul3A_795 = arith.constant 10001 : i32
          %mul3A_796 = vector.broadcast %mul3A_795 : i32 to vector<16xi32>
          %mul3A_797 = arith.muli %and3A_8, %mul3A_796 : vector<16xi32>
          %add3A_798 = arith.addi %mul3A_797, %gather3A_794 : vector<16xi32>
          %mul3A_799 = arith.constant 16 : i32
          %mul3A_800 = arith.muli %add3A_118, %mul3A_799 : i32
          %add3A_801 = vector.broadcast %mul3A_800 : i32 to vector<16xi32>
          %add3A_802 = arith.addi %add3A_801, %add3A_789 : vector<16xi32>
          %gather3A_803 = tpu.vector_load_idx %arg12[%add3A_802, %and3A_8] masked %ge3A_17 : memref<1600x8xf32, #tpu.memory_space<vmem>>[vector<16xi32>, vector<16xi32>], vector<16xf32>, vector<16xi1>
          %gather3A_804 = tpu.vector_load_idx %arg14[%add3A_798] masked %ge3A_17 : memref<80024xf32, #tpu.memory_space<vmem>>[vector<16xi32>], vector<16xf32>, vector<16xi1>
          %max3A_805 = arith.maximumf %gather3A_804, %gather3A_803 : vector<16xf32>
          tpu.vector_store_idx %arg14[%add3A_798], %max3A_805 masked %ge3A_17 : memref<80024xf32, #tpu.memory_space<vmem>>[vector<16xi32>], vector<16xf32>, vector<16xi1>
          %add3A_806 = arith.constant 6 : i32
          %add3A_807 = vector.broadcast %add3A_806 : i32 to vector<16xi32>
          %add3A_808 = arith.addi %convert_element_type3A, %add3A_807 : vector<16xi32>
          %mul3A_809 = arith.constant 16 : i32
          %mul3A_810 = arith.muli %add3A_118, %mul3A_809 : i32
          %add3A_811 = vector.broadcast %mul3A_810 : i32 to vector<16xi32>
          %add3A_812 = arith.addi %add3A_811, %add3A_808 : vector<16xi32>
          %gather3A_813 = tpu.vector_load_idx %arg8[%add3A_812] masked %ge3A_17 : memref<1616xi32, #tpu.memory_space<vmem>>[vector<16xi32>], vector<16xi32>, vector<16xi1>
          %mul3A_814 = arith.constant 10001 : i32
          %mul3A_815 = vector.broadcast %mul3A_814 : i32 to vector<16xi32>
          %mul3A_816 = arith.muli %and3A_8, %mul3A_815 : vector<16xi32>
          %add3A_817 = arith.addi %mul3A_816, %gather3A_813 : vector<16xi32>
          %mul3A_818 = arith.constant 16 : i32
          %mul3A_819 = arith.muli %add3A_118, %mul3A_818 : i32
          %add3A_820 = vector.broadcast %mul3A_819 : i32 to vector<16xi32>
          %add3A_821 = arith.addi %add3A_820, %add3A_808 : vector<16xi32>
          %gather3A_822 = tpu.vector_load_idx %arg12[%add3A_821, %and3A_8] masked %ge3A_17 : memref<1600x8xf32, #tpu.memory_space<vmem>>[vector<16xi32>, vector<16xi32>], vector<16xf32>, vector<16xi1>
          %gather3A_823 = tpu.vector_load_idx %arg14[%add3A_817] masked %ge3A_17 : memref<80024xf32, #tpu.memory_space<vmem>>[vector<16xi32>], vector<16xf32>, vector<16xi1>
          %max3A_824 = arith.maximumf %gather3A_823, %gather3A_822 : vector<16xf32>
          tpu.vector_store_idx %arg14[%add3A_817], %max3A_824 masked %ge3A_17 : memref<80024xf32, #tpu.memory_space<vmem>>[vector<16xi32>], vector<16xf32>, vector<16xi1>
          %add3A_825 = arith.constant 8 : i32
          %add3A_826 = vector.broadcast %add3A_825 : i32 to vector<16xi32>
          %add3A_827 = arith.addi %convert_element_type3A, %add3A_826 : vector<16xi32>
          %mul3A_828 = arith.constant 16 : i32
          %mul3A_829 = arith.muli %add3A_118, %mul3A_828 : i32
          %add3A_830 = vector.broadcast %mul3A_829 : i32 to vector<16xi32>
          %add3A_831 = arith.addi %add3A_830, %add3A_827 : vector<16xi32>
          %gather3A_832 = tpu.vector_load_idx %arg8[%add3A_831] masked %ge3A_17 : memref<1616xi32, #tpu.memory_space<vmem>>[vector<16xi32>], vector<16xi32>, vector<16xi1>
          %mul3A_833 = arith.constant 10001 : i32
          %mul3A_834 = vector.broadcast %mul3A_833 : i32 to vector<16xi32>
          %mul3A_835 = arith.muli %and3A_8, %mul3A_834 : vector<16xi32>
          %add3A_836 = arith.addi %mul3A_835, %gather3A_832 : vector<16xi32>
          %mul3A_837 = arith.constant 16 : i32
          %mul3A_838 = arith.muli %add3A_118, %mul3A_837 : i32
          %add3A_839 = vector.broadcast %mul3A_838 : i32 to vector<16xi32>
          %add3A_840 = arith.addi %add3A_839, %add3A_827 : vector<16xi32>
          %gather3A_841 = tpu.vector_load_idx %arg12[%add3A_840, %and3A_8] masked %ge3A_17 : memref<1600x8xf32, #tpu.memory_space<vmem>>[vector<16xi32>, vector<16xi32>], vector<16xf32>, vector<16xi1>
          %gather3A_842 = tpu.vector_load_idx %arg14[%add3A_836] masked %ge3A_17 : memref<80024xf32, #tpu.memory_space<vmem>>[vector<16xi32>], vector<16xf32>, vector<16xi1>
          %max3A_843 = arith.maximumf %gather3A_842, %gather3A_841 : vector<16xf32>
          tpu.vector_store_idx %arg14[%add3A_836], %max3A_843 masked %ge3A_17 : memref<80024xf32, #tpu.memory_space<vmem>>[vector<16xi32>], vector<16xf32>, vector<16xi1>
          %add3A_844 = arith.constant 10 : i32
          %add3A_845 = vector.broadcast %add3A_844 : i32 to vector<16xi32>
          %add3A_846 = arith.addi %convert_element_type3A, %add3A_845 : vector<16xi32>
          %mul3A_847 = arith.constant 16 : i32
          %mul3A_848 = arith.muli %add3A_118, %mul3A_847 : i32
          %add3A_849 = vector.broadcast %mul3A_848 : i32 to vector<16xi32>
          %add3A_850 = arith.addi %add3A_849, %add3A_846 : vector<16xi32>
          %gather3A_851 = tpu.vector_load_idx %arg8[%add3A_850] masked %ge3A_17 : memref<1616xi32, #tpu.memory_space<vmem>>[vector<16xi32>], vector<16xi32>, vector<16xi1>
          %mul3A_852 = arith.constant 10001 : i32
          %mul3A_853 = vector.broadcast %mul3A_852 : i32 to vector<16xi32>
          %mul3A_854 = arith.muli %and3A_8, %mul3A_853 : vector<16xi32>
          %add3A_855 = arith.addi %mul3A_854, %gather3A_851 : vector<16xi32>
          %mul3A_856 = arith.constant 16 : i32
          %mul3A_857 = arith.muli %add3A_118, %mul3A_856 : i32
          %add3A_858 = vector.broadcast %mul3A_857 : i32 to vector<16xi32>
          %add3A_859 = arith.addi %add3A_858, %add3A_846 : vector<16xi32>
          %gather3A_860 = tpu.vector_load_idx %arg12[%add3A_859, %and3A_8] masked %ge3A_17 : memref<1600x8xf32, #tpu.memory_space<vmem>>[vector<16xi32>, vector<16xi32>], vector<16xf32>, vector<16xi1>
          %gather3A_861 = tpu.vector_load_idx %arg14[%add3A_855] masked %ge3A_17 : memref<80024xf32, #tpu.memory_space<vmem>>[vector<16xi32>], vector<16xf32>, vector<16xi1>
          %max3A_862 = arith.maximumf %gather3A_861, %gather3A_860 : vector<16xf32>
          tpu.vector_store_idx %arg14[%add3A_855], %max3A_862 masked %ge3A_17 : memref<80024xf32, #tpu.memory_space<vmem>>[vector<16xi32>], vector<16xf32>, vector<16xi1>
          %add3A_863 = arith.constant 12 : i32
          %add3A_864 = vector.broadcast %add3A_863 : i32 to vector<16xi32>
          %add3A_865 = arith.addi %convert_element_type3A, %add3A_864 : vector<16xi32>
          %mul3A_866 = arith.constant 16 : i32
          %mul3A_867 = arith.muli %add3A_118, %mul3A_866 : i32
          %add3A_868 = vector.broadcast %mul3A_867 : i32 to vector<16xi32>
          %add3A_869 = arith.addi %add3A_868, %add3A_865 : vector<16xi32>
          %gather3A_870 = tpu.vector_load_idx %arg8[%add3A_869] masked %ge3A_17 : memref<1616xi32, #tpu.memory_space<vmem>>[vector<16xi32>], vector<16xi32>, vector<16xi1>
          %mul3A_871 = arith.constant 10001 : i32
          %mul3A_872 = vector.broadcast %mul3A_871 : i32 to vector<16xi32>
          %mul3A_873 = arith.muli %and3A_8, %mul3A_872 : vector<16xi32>
          %add3A_874 = arith.addi %mul3A_873, %gather3A_870 : vector<16xi32>
          %mul3A_875 = arith.constant 16 : i32
          %mul3A_876 = arith.muli %add3A_118, %mul3A_875 : i32
          %add3A_877 = vector.broadcast %mul3A_876 : i32 to vector<16xi32>
          %add3A_878 = arith.addi %add3A_877, %add3A_865 : vector<16xi32>
          %gather3A_879 = tpu.vector_load_idx %arg12[%add3A_878, %and3A_8] masked %ge3A_17 : memref<1600x8xf32, #tpu.memory_space<vmem>>[vector<16xi32>, vector<16xi32>], vector<16xf32>, vector<16xi1>
          %gather3A_880 = tpu.vector_load_idx %arg14[%add3A_874] masked %ge3A_17 : memref<80024xf32, #tpu.memory_space<vmem>>[vector<16xi32>], vector<16xf32>, vector<16xi1>
          %max3A_881 = arith.maximumf %gather3A_880, %gather3A_879 : vector<16xf32>
          tpu.vector_store_idx %arg14[%add3A_874], %max3A_881 masked %ge3A_17 : memref<80024xf32, #tpu.memory_space<vmem>>[vector<16xi32>], vector<16xf32>, vector<16xi1>
          %add3A_882 = arith.constant 14 : i32
          %add3A_883 = vector.broadcast %add3A_882 : i32 to vector<16xi32>
          %add3A_884 = arith.addi %convert_element_type3A, %add3A_883 : vector<16xi32>
          %mul3A_885 = arith.constant 16 : i32
          %mul3A_886 = arith.muli %add3A_118, %mul3A_885 : i32
          %add3A_887 = vector.broadcast %mul3A_886 : i32 to vector<16xi32>
          %add3A_888 = arith.addi %add3A_887, %add3A_884 : vector<16xi32>
          %gather3A_889 = tpu.vector_load_idx %arg8[%add3A_888] masked %ge3A_17 : memref<1616xi32, #tpu.memory_space<vmem>>[vector<16xi32>], vector<16xi32>, vector<16xi1>
          %mul3A_890 = arith.constant 10001 : i32
          %mul3A_891 = vector.broadcast %mul3A_890 : i32 to vector<16xi32>
          %mul3A_892 = arith.muli %and3A_8, %mul3A_891 : vector<16xi32>
          %add3A_893 = arith.addi %mul3A_892, %gather3A_889 : vector<16xi32>
          %mul3A_894 = arith.constant 16 : i32
          %mul3A_895 = arith.muli %add3A_118, %mul3A_894 : i32
          %add3A_896 = vector.broadcast %mul3A_895 : i32 to vector<16xi32>
          %add3A_897 = arith.addi %add3A_896, %add3A_884 : vector<16xi32>
          %gather3A_898 = tpu.vector_load_idx %arg12[%add3A_897, %and3A_8] masked %ge3A_17 : memref<1600x8xf32, #tpu.memory_space<vmem>>[vector<16xi32>, vector<16xi32>], vector<16xf32>, vector<16xi1>
          %gather3A_899 = tpu.vector_load_idx %arg14[%add3A_893] masked %ge3A_17 : memref<80024xf32, #tpu.memory_space<vmem>>[vector<16xi32>], vector<16xf32>, vector<16xi1>
          %max3A_900 = arith.maximumf %gather3A_899, %gather3A_898 : vector<16xf32>
          tpu.vector_store_idx %arg14[%add3A_893], %max3A_900 masked %ge3A_17 : memref<80024xf32, #tpu.memory_space<vmem>>[vector<16xi32>], vector<16xf32>, vector<16xi1>
        } else {
        }
      }
      %scan3A_79 = arith.constant 50 : i32
      %add3A_80 = arith.constant 2 : i32
      %add3A_81 = arith.addi %add3A_64, %add3A_80 : i32
      %lt3A_82 = arith.constant 100 : i32
      %lt3A_83 = arith.cmpi slt, %add3A_81, %lt3A_82 : i32
      %convert_element_type3A_84 = arith.extui %lt3A_83 : i1 to i32
      %cond3A_85 = arith.constant 0 : i32
      %cond3A_86 = arith.cmpi ne, %convert_element_type3A_84, %cond3A_85 : i32
      scf.if %cond3A_86 {
        %add3A_114 = arith.constant 2 : i32
        %add3A_115 = arith.addi %add3A_64, %add3A_114 : i32
        %mul3A_116 = arith.constant 1600 : i32
        %mul3A_117 = arith.muli %add3A_115, %mul3A_116 : i32
        %add3A_118 = arith.addi %mul3A_0, %mul3A_117 : i32
        %dma_start3A_119 = arith.constant 0 : i32
        %dma_start3A_120 = tpu.memref_slice %arg8[%dma_start3A_119] : memref<1616xi32, #tpu.memory_space<vmem>> -> memref<1600xi32, #tpu.memory_space<vmem>>
        %dma_start3A_121 = tpu.memref_slice %arg3[%add3A_118] : memref<320000xi32, #tpu.memory_space<hbm>> -> memref<1600xi32, #tpu.memory_space<hbm>>
        %dma_start3A_122 = arith.constant 0 : i32
        %dma_start3A_123 = tpu.memref_slice %arg8[%dma_start3A_122] : memref<1616xi32, #tpu.memory_space<vmem>> -> memref<1600xi32, #tpu.memory_space<vmem>>
        %dma_start3A_124 = tpu.memref_slice %arg3[%add3A_118] : memref<320000xi32, #tpu.memory_space<hbm>> -> memref<1600xi32, #tpu.memory_space<hbm>>
        tpu.enqueue_dma source(%dma_start3A_124 : memref<1600xi32, #tpu.memory_space<hbm>>) target(%dma_start3A_123 : memref<1600xi32, #tpu.memory_space<vmem>>) target_semaphore(%arg17 : memref<!tpu.dma_semaphore, #tpu.memory_space<semaphore_mem>>)
        %dma_start3A_125 = tpu.memref_slice %arg4[%add3A_118] : memref<320000xi32, #tpu.memory_space<hbm>> -> memref<1600xi32, #tpu.memory_space<hbm>>
        %dma_start3A_126 = tpu.memref_slice %arg4[%add3A_118] : memref<320000xi32, #tpu.memory_space<hbm>> -> memref<1600xi32, #tpu.memory_space<hbm>>
        tpu.enqueue_dma source(%dma_start3A_126 : memref<1600xi32, #tpu.memory_space<hbm>>) target(%arg6 : memref<1600xi32, #tpu.memory_space<vmem>>) target_semaphore(%arg17 : memref<!tpu.dma_semaphore, #tpu.memory_space<semaphore_mem>>)
      } else {
      }
      %mul3A_87 = arith.constant 2 : i32
      %mul3A_88 = arith.muli %scan3A_60, %mul3A_87 : i32
      %add3A_89 = arith.constant 1 : i32
      %add3A_90 = arith.addi %mul3A_88, %add3A_89 : i32
      %add3A_91 = arith.constant 1 : i32
      %add3A_92 = arith.addi %add3A_90, %add3A_91 : i32
      %lt3A_93 = arith.constant 100 : i32
      %lt3A_94 = arith.cmpi slt, %add3A_92, %lt3A_93 : i32
      %convert_element_type3A_95 = arith.extui %lt3A_94 : i1 to i32
      %cond3A_96 = arith.constant 0 : i32
      %cond3A_97 = arith.cmpi ne, %convert_element_type3A_95, %cond3A_96 : i32
      scf.if %cond3A_97 {
        %add3A_114 = arith.constant 1 : i32
        %add3A_115 = arith.addi %add3A_90, %add3A_114 : i32
        %mul3A_116 = arith.constant 1600 : i32
        %mul3A_117 = arith.muli %add3A_115, %mul3A_116 : i32
        %add3A_118 = arith.addi %mul3A_0, %mul3A_117 : i32
        %dma_wait3A_119 = arith.constant 0 : i32
        %dma_wait3A_120 = tpu.memref_slice %arg8[%dma_wait3A_119] : memref<1616xi32, #tpu.memory_space<vmem>> -> memref<1600xi32, #tpu.memory_space<vmem>>
        %dma_wait3A_121 = tpu.memref_slice %arg3[%add3A_118] : memref<320000xi32, #tpu.memory_space<hbm>> -> memref<1600xi32, #tpu.memory_space<hbm>>
        %dma_wait3A_122 = arith.constant 0 : i32
        %dma_wait3A_123 = tpu.memref_slice %arg8[%dma_wait3A_122] : memref<1616xi32, #tpu.memory_space<vmem>> -> memref<1600xi32, #tpu.memory_space<vmem>>
        %dma_wait3A_124 = tpu.memref_slice %arg3[%add3A_118] : memref<320000xi32, #tpu.memory_space<hbm>> -> memref<1600xi32, #tpu.memory_space<hbm>>
        tpu.wait_dma2 semaphore(%arg17 : memref<!tpu.dma_semaphore, #tpu.memory_space<semaphore_mem>>) src(%dma_wait3A_124 : memref<1600xi32, #tpu.memory_space<hbm>>) dst(%dma_wait3A_123 : memref<1600xi32, #tpu.memory_space<vmem>>)
        %dma_wait3A_125 = tpu.memref_slice %arg4[%add3A_118] : memref<320000xi32, #tpu.memory_space<hbm>> -> memref<1600xi32, #tpu.memory_space<hbm>>
        %dma_wait3A_126 = tpu.memref_slice %arg4[%add3A_118] : memref<320000xi32, #tpu.memory_space<hbm>> -> memref<1600xi32, #tpu.memory_space<hbm>>
        tpu.wait_dma2 semaphore(%arg17 : memref<!tpu.dma_semaphore, #tpu.memory_space<semaphore_mem>>) src(%dma_wait3A_126 : memref<1600xi32, #tpu.memory_space<hbm>>) dst(%arg6 : memref<1600xi32, #tpu.memory_space<vmem>>)
        %scan3A_127 = arith.constant 0 : i32
        %scan3A_128 = arith.constant 0 : i32
        %scan3A_129 = arith.constant 100 : i32
        %scan3A_130 = arith.addi %scan3A_128, %scan3A_129 : i32
        %scan3A_131 = arith.constant 1 : i32
        scf.for %scan3A_136 = %scan3A_128 to %scan3A_130 step %scan3A_131  : i32 {
          %mul3A_137 = arith.constant 16 : i32
          %mul3A_138 = arith.muli %scan3A_136, %mul3A_137 : i32
          %get3A = arith.index_cast %mul3A_138 : i32 to index
          %get3A_139 = tpu.vector_load %arg6[%get3A] {strides = array<i32>} : memref<1600xi32, #tpu.memory_space<vmem>>, vector<16xi32>,
          %mul3A_140 = arith.constant 16 : i32
          %mul3A_141 = vector.broadcast %mul3A_140 : i32 to vector<16xi32>
          %mul3A_142 = arith.muli %get3A_139, %mul3A_141 : vector<16xi32>
          %add3A_143 = vector.broadcast %arg1 : i32 to vector<16xi32>
          %add3A_144 = arith.addi %mul3A_142, %add3A_143 : vector<16xi32>
          %swap3A = arith.index_cast %mul3A_138 : i32 to index
          %swap3A_145 = tpu.vector_load %arg10[%swap3A] {strides = array<i32>} : memref<1600xi32, #tpu.memory_space<vmem>>, vector<16xi32>,
          tpu.vector_store %arg10[%swap3A], %add3A_144 {strides = array<i32>} : memref<1600xi32, #tpu.memory_space<vmem>>, vector<16xi32>,
        }
        %scan3A_132 = arith.constant 100 : i32
        %dma_start3A_133 = arith.constant 0 : i32
        %dma_start3A_134 = arith.constant 0 : i32
        %dma_start3A_135 = tpu.memref_slice %arg2[%dma_start3A_133, %dma_start3A_134] : memref<160000x8xf32, #tpu.memory_space<hbm>> -> memref<160000x8xf32, #tpu.memory_space<hbm>>
        tpu.enqueue_indirect_dma source(%dma_start3A_135 : memref<160000x8xf32, #tpu.memory_space<hbm>>) target(%arg12 : memref<1600x8xf32, #tpu.memory_space<vmem>>) offsets(%arg10 : memref<1600xi32, #tpu.memory_space<vmem>>) semaphore(%arg15 : memref<!tpu.dma_semaphore, #tpu.memory_space<semaphore_mem>>)
      } else {
      }
      %dma_wait3A_98 = arith.constant 0 : i32
      %dma_wait3A_99 = arith.constant 0 : i32
      %dma_wait3A_100 = tpu.memref_slice %arg2[%dma_wait3A_98, %dma_wait3A_99] : memref<160000x8xf32, #tpu.memory_space<hbm>> -> memref<160000x8xf32, #tpu.memory_space<hbm>>
      tpu.wait_indirect_dma semaphore(%arg16 : memref<!tpu.dma_semaphore, #tpu.memory_space<semaphore_mem>>) src(%dma_wait3A_100 : memref<160000x8xf32, #tpu.memory_space<hbm>>) dst(%arg13 : memref<1600x8xf32, #tpu.memory_space<vmem>>)
      %scan3A_101 = arith.constant 0 : i32
      %scan3A_102 = arith.constant 0 : i32
      %scan3A_103 = arith.constant 50 : i32
      %scan3A_104 = arith.addi %scan3A_102, %scan3A_103 : i32
      %scan3A_105 = arith.constant 1 : i32
      scf.for %scan3A_114 = %scan3A_102 to %scan3A_104 step %scan3A_105  : i32 {
        %mul3A_115 = arith.constant 2 : i32
        %mul3A_116 = arith.muli %scan3A_114, %mul3A_115 : i32
        %add3A_117 = arith.constant 1 : i32
        %add3A_118 = arith.addi %mul3A_116, %add3A_117 : i32
        %mul3A_119 = arith.constant 16 : i32
        %mul3A_120 = arith.muli %mul3A_116, %mul3A_119 : i32
        %get3A = arith.index_cast %mul3A_120 : i32 to index
        %get3A_121 = tpu.vector_load %arg9[%get3A] {strides = array<i32>} : memref<1616xi32, #tpu.memory_space<vmem>>, vector<16xi32>,
        %mul3A_122 = arith.constant 16 : i32
        %mul3A_123 = arith.muli %add3A_118, %mul3A_122 : i32
        %get3A_124 = arith.index_cast %mul3A_123 : i32 to index
        %get3A_125 = tpu.vector_load %arg9[%get3A_124] {strides = array<i32>} : memref<1616xi32, #tpu.memory_space<vmem>>, vector<16xi32>,
        %broadcast_in_dim3A_126 = arith.constant true
        %broadcast_in_dim3A_127 = vector.broadcast %broadcast_in_dim3A_126 : i1 to vector<16xi1>
        %unique3A, %unique3A_128 = tpu.scan_count mask(%broadcast_in_dim3A_127 : vector<16xi1>) value(%get3A_121 : vector<16xi32>) : vector<16xi1>, vector<16xi32>
        %broadcast_in_dim3A_129 = arith.constant true
        %broadcast_in_dim3A_130 = vector.broadcast %broadcast_in_dim3A_129 : i1 to vector<16xi1>
        %unique3A_131, %unique3A_132 = tpu.scan_count mask(%broadcast_in_dim3A_130 : vector<16xi1>) value(%get3A_125 : vector<16xi32>) : vector<16xi1>, vector<16xi32>
        %reduce_and3A = arith.constant 1.000000e+00 : f32
        %reduce_and3A_133 = arith.constant 0.000000e+00 : f32
        %reduce_and3A_134 = vector.broadcast %reduce_and3A : f32 to vector<16xf32>
        %reduce_and3A_135 = vector.broadcast %reduce_and3A_133 : f32 to vector<16xf32>
        %reduce_and3A_136 = arith.select %unique3A, %reduce_and3A_134, %reduce_and3A_135 : vector<16xi1>, vector<16xf32>
        %reduce_and3A_137 = arith.constant true
        %reduce_and3A_138 = vector.broadcast %reduce_and3A_137 : i1 to vector<16xi1>
        %reduce_and3A_139 = tpu.scan <min>, %reduce_and3A_136 masked %reduce_and3A_138 : vector<16xf32>, vector<16xi1> -> vector<16xf32>
        %reduce_and3A_140 = vector.extract %reduce_and3A_139[15] : f32 from vector<16xf32>
        %reduce_and3A_141 = arith.constant 0.000000e+00 : f32
        %reduce_and3A_142 = arith.cmpf ogt, %reduce_and3A_140, %reduce_and3A_141 : f32
        %reduce_and3A_143 = arith.constant 1.000000e+00 : f32
        %reduce_and3A_144 = arith.constant 0.000000e+00 : f32
        %reduce_and3A_145 = vector.broadcast %reduce_and3A_143 : f32 to vector<16xf32>
        %reduce_and3A_146 = vector.broadcast %reduce_and3A_144 : f32 to vector<16xf32>
        %reduce_and3A_147 = arith.select %unique3A_131, %reduce_and3A_145, %reduce_and3A_146 : vector<16xi1>, vector<16xf32>
        %reduce_and3A_148 = arith.constant true
        %reduce_and3A_149 = vector.broadcast %reduce_and3A_148 : i1 to vector<16xi1>
        %reduce_and3A_150 = tpu.scan <min>, %reduce_and3A_147 masked %reduce_and3A_149 : vector<16xf32>, vector<16xi1> -> vector<16xf32>
        %reduce_and3A_151 = vector.extract %reduce_and3A_150[15] : f32 from vector<16xf32>
        %reduce_and3A_152 = arith.constant 0.000000e+00 : f32
        %reduce_and3A_153 = arith.cmpf ogt, %reduce_and3A_151, %reduce_and3A_152 : f32
        %and3A_154 = arith.andi %reduce_and3A_142, %reduce_and3A_153 : i1
        %mul3A_155 = arith.constant 16 : i32
        %mul3A_156 = arith.muli %mul3A_116, %mul3A_155 : i32
        %add3A_157 = vector.broadcast %mul3A_156 : i32 to vector<16xi32>
        %add3A_158 = arith.addi %add3A_157, %iota3A : vector<16xi32>
        %add3A_159 = arith.constant 0 : i32
        %add3A_160 = vector.broadcast %add3A_159 : i32 to vector<16xi32>
        %add3A_161 = arith.addi %add3A_160, %get3A_121 : vector<16xi32>
        %broadcast_in_dim3A_162 = arith.constant 0 : i32
        %broadcast_in_dim3A_163 = vector.broadcast %broadcast_in_dim3A_162 : i32 to vector<16xi32>
        %gather3A = tpu.vector_load_idx %arg13[%add3A_158, %broadcast_in_dim3A_163] : memref<1600x8xf32, #tpu.memory_space<vmem>>[vector<16xi32>, vector<16xi32>], vector<16xf32>,
        %add3A_164 = arith.constant 10001 : i32
        %add3A_165 = vector.broadcast %add3A_164 : i32 to vector<16xi32>
        %add3A_166 = arith.addi %add3A_165, %get3A_121 : vector<16xi32>
        %broadcast_in_dim3A_167 = arith.constant 1 : i32
        %broadcast_in_dim3A_168 = vector.broadcast %broadcast_in_dim3A_167 : i32 to vector<16xi32>
        %gather3A_169 = tpu.vector_load_idx %arg13[%add3A_158, %broadcast_in_dim3A_168] : memref<1600x8xf32, #tpu.memory_space<vmem>>[vector<16xi32>, vector<16xi32>], vector<16xf32>,
        %add3A_170 = arith.constant 20002 : i32
        %add3A_171 = vector.broadcast %add3A_170 : i32 to vector<16xi32>
        %add3A_172 = arith.addi %add3A_171, %get3A_121 : vector<16xi32>
        %broadcast_in_dim3A_173 = arith.constant 2 : i32
        %broadcast_in_dim3A_174 = vector.broadcast %broadcast_in_dim3A_173 : i32 to vector<16xi32>
        %gather3A_175 = tpu.vector_load_idx %arg13[%add3A_158, %broadcast_in_dim3A_174] : memref<1600x8xf32, #tpu.memory_space<vmem>>[vector<16xi32>, vector<16xi32>], vector<16xf32>,
        %add3A_176 = arith.constant 30003 : i32
        %add3A_177 = vector.broadcast %add3A_176 : i32 to vector<16xi32>
        %add3A_178 = arith.addi %add3A_177, %get3A_121 : vector<16xi32>
        %broadcast_in_dim3A_179 = arith.constant 3 : i32
        %broadcast_in_dim3A_180 = vector.broadcast %broadcast_in_dim3A_179 : i32 to vector<16xi32>
        %gather3A_181 = tpu.vector_load_idx %arg13[%add3A_158, %broadcast_in_dim3A_180] : memref<1600x8xf32, #tpu.memory_space<vmem>>[vector<16xi32>, vector<16xi32>], vector<16xf32>,
        %add3A_182 = arith.constant 40004 : i32
        %add3A_183 = vector.broadcast %add3A_182 : i32 to vector<16xi32>
        %add3A_184 = arith.addi %add3A_183, %get3A_121 : vector<16xi32>
        %broadcast_in_dim3A_185 = arith.constant 4 : i32
        %broadcast_in_dim3A_186 = vector.broadcast %broadcast_in_dim3A_185 : i32 to vector<16xi32>
        %gather3A_187 = tpu.vector_load_idx %arg13[%add3A_158, %broadcast_in_dim3A_186] : memref<1600x8xf32, #tpu.memory_space<vmem>>[vector<16xi32>, vector<16xi32>], vector<16xf32>,
        %add3A_188 = arith.constant 50005 : i32
        %add3A_189 = vector.broadcast %add3A_188 : i32 to vector<16xi32>
        %add3A_190 = arith.addi %add3A_189, %get3A_121 : vector<16xi32>
        %broadcast_in_dim3A_191 = arith.constant 5 : i32
        %broadcast_in_dim3A_192 = vector.broadcast %broadcast_in_dim3A_191 : i32 to vector<16xi32>
        %gather3A_193 = tpu.vector_load_idx %arg13[%add3A_158, %broadcast_in_dim3A_192] : memref<1600x8xf32, #tpu.memory_space<vmem>>[vector<16xi32>, vector<16xi32>], vector<16xf32>,
        %add3A_194 = arith.constant 60006 : i32
        %add3A_195 = vector.broadcast %add3A_194 : i32 to vector<16xi32>
        %add3A_196 = arith.addi %add3A_195, %get3A_121 : vector<16xi32>
        %broadcast_in_dim3A_197 = arith.constant 6 : i32
        %broadcast_in_dim3A_198 = vector.broadcast %broadcast_in_dim3A_197 : i32 to vector<16xi32>
        %gather3A_199 = tpu.vector_load_idx %arg13[%add3A_158, %broadcast_in_dim3A_198] : memref<1600x8xf32, #tpu.memory_space<vmem>>[vector<16xi32>, vector<16xi32>], vector<16xf32>,
        %add3A_200 = arith.constant 70007 : i32
        %add3A_201 = vector.broadcast %add3A_200 : i32 to vector<16xi32>
        %add3A_202 = arith.addi %add3A_201, %get3A_121 : vector<16xi32>
        %broadcast_in_dim3A_203 = arith.constant 7 : i32
        %broadcast_in_dim3A_204 = vector.broadcast %broadcast_in_dim3A_203 : i32 to vector<16xi32>
        %gather3A_205 = tpu.vector_load_idx %arg13[%add3A_158, %broadcast_in_dim3A_204] : memref<1600x8xf32, #tpu.memory_space<vmem>>[vector<16xi32>, vector<16xi32>], vector<16xf32>,
        %mul3A_206 = arith.constant 16 : i32
        %mul3A_207 = arith.muli %add3A_118, %mul3A_206 : i32
        %add3A_208 = vector.broadcast %mul3A_207 : i32 to vector<16xi32>
        %add3A_209 = arith.addi %add3A_208, %iota3A : vector<16xi32>
        %add3A_210 = arith.constant 0 : i32
        %add3A_211 = vector.broadcast %add3A_210 : i32 to vector<16xi32>
        %add3A_212 = arith.addi %add3A_211, %get3A_125 : vector<16xi32>
        %broadcast_in_dim3A_213 = arith.constant 0 : i32
        %broadcast_in_dim3A_214 = vector.broadcast %broadcast_in_dim3A_213 : i32 to vector<16xi32>
        %gather3A_215 = tpu.vector_load_idx %arg13[%add3A_209, %broadcast_in_dim3A_214] : memref<1600x8xf32, #tpu.memory_space<vmem>>[vector<16xi32>, vector<16xi32>], vector<16xf32>,
        %add3A_216 = arith.constant 10001 : i32
        %add3A_217 = vector.broadcast %add3A_216 : i32 to vector<16xi32>
        %add3A_218 = arith.addi %add3A_217, %get3A_125 : vector<16xi32>
        %broadcast_in_dim3A_219 = arith.constant 1 : i32
        %broadcast_in_dim3A_220 = vector.broadcast %broadcast_in_dim3A_219 : i32 to vector<16xi32>
        %gather3A_221 = tpu.vector_load_idx %arg13[%add3A_209, %broadcast_in_dim3A_220] : memref<1600x8xf32, #tpu.memory_space<vmem>>[vector<16xi32>, vector<16xi32>], vector<16xf32>,
        %add3A_222 = arith.constant 20002 : i32
        %add3A_223 = vector.broadcast %add3A_222 : i32 to vector<16xi32>
        %add3A_224 = arith.addi %add3A_223, %get3A_125 : vector<16xi32>
        %broadcast_in_dim3A_225 = arith.constant 2 : i32
        %broadcast_in_dim3A_226 = vector.broadcast %broadcast_in_dim3A_225 : i32 to vector<16xi32>
        %gather3A_227 = tpu.vector_load_idx %arg13[%add3A_209, %broadcast_in_dim3A_226] : memref<1600x8xf32, #tpu.memory_space<vmem>>[vector<16xi32>, vector<16xi32>], vector<16xf32>,
        %add3A_228 = arith.constant 30003 : i32
        %add3A_229 = vector.broadcast %add3A_228 : i32 to vector<16xi32>
        %add3A_230 = arith.addi %add3A_229, %get3A_125 : vector<16xi32>
        %broadcast_in_dim3A_231 = arith.constant 3 : i32
        %broadcast_in_dim3A_232 = vector.broadcast %broadcast_in_dim3A_231 : i32 to vector<16xi32>
        %gather3A_233 = tpu.vector_load_idx %arg13[%add3A_209, %broadcast_in_dim3A_232] : memref<1600x8xf32, #tpu.memory_space<vmem>>[vector<16xi32>, vector<16xi32>], vector<16xf32>,
        %add3A_234 = arith.constant 40004 : i32
        %add3A_235 = vector.broadcast %add3A_234 : i32 to vector<16xi32>
        %add3A_236 = arith.addi %add3A_235, %get3A_125 : vector<16xi32>
        %broadcast_in_dim3A_237 = arith.constant 4 : i32
        %broadcast_in_dim3A_238 = vector.broadcast %broadcast_in_dim3A_237 : i32 to vector<16xi32>
        %gather3A_239 = tpu.vector_load_idx %arg13[%add3A_209, %broadcast_in_dim3A_238] : memref<1600x8xf32, #tpu.memory_space<vmem>>[vector<16xi32>, vector<16xi32>], vector<16xf32>,
        %add3A_240 = arith.constant 50005 : i32
        %add3A_241 = vector.broadcast %add3A_240 : i32 to vector<16xi32>
        %add3A_242 = arith.addi %add3A_241, %get3A_125 : vector<16xi32>
        %broadcast_in_dim3A_243 = arith.constant 5 : i32
        %broadcast_in_dim3A_244 = vector.broadcast %broadcast_in_dim3A_243 : i32 to vector<16xi32>
        %gather3A_245 = tpu.vector_load_idx %arg13[%add3A_209, %broadcast_in_dim3A_244] : memref<1600x8xf32, #tpu.memory_space<vmem>>[vector<16xi32>, vector<16xi32>], vector<16xf32>,
        %add3A_246 = arith.constant 60006 : i32
        %add3A_247 = vector.broadcast %add3A_246 : i32 to vector<16xi32>
        %add3A_248 = arith.addi %add3A_247, %get3A_125 : vector<16xi32>
        %broadcast_in_dim3A_249 = arith.constant 6 : i32
        %broadcast_in_dim3A_250 = vector.broadcast %broadcast_in_dim3A_249 : i32 to vector<16xi32>
        %gather3A_251 = tpu.vector_load_idx %arg13[%add3A_209, %broadcast_in_dim3A_250] : memref<1600x8xf32, #tpu.memory_space<vmem>>[vector<16xi32>, vector<16xi32>], vector<16xf32>,
        %add3A_252 = arith.constant 70007 : i32
        %add3A_253 = vector.broadcast %add3A_252 : i32 to vector<16xi32>
        %add3A_254 = arith.addi %add3A_253, %get3A_125 : vector<16xi32>
        %broadcast_in_dim3A_255 = arith.constant 7 : i32
        %broadcast_in_dim3A_256 = vector.broadcast %broadcast_in_dim3A_255 : i32 to vector<16xi32>
        %gather3A_257 = tpu.vector_load_idx %arg13[%add3A_209, %broadcast_in_dim3A_256] : memref<1600x8xf32, #tpu.memory_space<vmem>>[vector<16xi32>, vector<16xi32>], vector<16xf32>,
        %gather3A_258 = tpu.vector_load_idx %arg14[%add3A_161] : memref<80024xf32, #tpu.memory_space<vmem>>[vector<16xi32>], vector<16xf32>,
        %gather3A_259 = tpu.vector_load_idx %arg14[%add3A_166] : memref<80024xf32, #tpu.memory_space<vmem>>[vector<16xi32>], vector<16xf32>,
        %gather3A_260 = tpu.vector_load_idx %arg14[%add3A_172] : memref<80024xf32, #tpu.memory_space<vmem>>[vector<16xi32>], vector<16xf32>,
        %gather3A_261 = tpu.vector_load_idx %arg14[%add3A_178] : memref<80024xf32, #tpu.memory_space<vmem>>[vector<16xi32>], vector<16xf32>,
        %gather3A_262 = tpu.vector_load_idx %arg14[%add3A_184] : memref<80024xf32, #tpu.memory_space<vmem>>[vector<16xi32>], vector<16xf32>,
        %gather3A_263 = tpu.vector_load_idx %arg14[%add3A_190] : memref<80024xf32, #tpu.memory_space<vmem>>[vector<16xi32>], vector<16xf32>,
        %gather3A_264 = tpu.vector_load_idx %arg14[%add3A_196] : memref<80024xf32, #tpu.memory_space<vmem>>[vector<16xi32>], vector<16xf32>,
        %gather3A_265 = tpu.vector_load_idx %arg14[%add3A_202] : memref<80024xf32, #tpu.memory_space<vmem>>[vector<16xi32>], vector<16xf32>,
        %max3A = arith.maximumf %gather3A_258, %gather3A : vector<16xf32>
        tpu.vector_store_idx %arg14[%add3A_161], %max3A : memref<80024xf32, #tpu.memory_space<vmem>>[vector<16xi32>], vector<16xf32>,
        %max3A_266 = arith.maximumf %gather3A_259, %gather3A_169 : vector<16xf32>
        tpu.vector_store_idx %arg14[%add3A_166], %max3A_266 : memref<80024xf32, #tpu.memory_space<vmem>>[vector<16xi32>], vector<16xf32>,
        %max3A_267 = arith.maximumf %gather3A_260, %gather3A_175 : vector<16xf32>
        tpu.vector_store_idx %arg14[%add3A_172], %max3A_267 : memref<80024xf32, #tpu.memory_space<vmem>>[vector<16xi32>], vector<16xf32>,
        %max3A_268 = arith.maximumf %gather3A_261, %gather3A_181 : vector<16xf32>
        tpu.vector_store_idx %arg14[%add3A_178], %max3A_268 : memref<80024xf32, #tpu.memory_space<vmem>>[vector<16xi32>], vector<16xf32>,
        %max3A_269 = arith.maximumf %gather3A_262, %gather3A_187 : vector<16xf32>
        tpu.vector_store_idx %arg14[%add3A_184], %max3A_269 : memref<80024xf32, #tpu.memory_space<vmem>>[vector<16xi32>], vector<16xf32>,
        %max3A_270 = arith.maximumf %gather3A_263, %gather3A_193 : vector<16xf32>
        tpu.vector_store_idx %arg14[%add3A_190], %max3A_270 : memref<80024xf32, #tpu.memory_space<vmem>>[vector<16xi32>], vector<16xf32>,
        %max3A_271 = arith.maximumf %gather3A_264, %gather3A_199 : vector<16xf32>
        tpu.vector_store_idx %arg14[%add3A_196], %max3A_271 : memref<80024xf32, #tpu.memory_space<vmem>>[vector<16xi32>], vector<16xf32>,
        %max3A_272 = arith.maximumf %gather3A_265, %gather3A_205 : vector<16xf32>
        tpu.vector_store_idx %arg14[%add3A_202], %max3A_272 : memref<80024xf32, #tpu.memory_space<vmem>>[vector<16xi32>], vector<16xf32>,
        %gather3A_273 = tpu.vector_load_idx %arg14[%add3A_212] : memref<80024xf32, #tpu.memory_space<vmem>>[vector<16xi32>], vector<16xf32>,
        %gather3A_274 = tpu.vector_load_idx %arg14[%add3A_218] : memref<80024xf32, #tpu.memory_space<vmem>>[vector<16xi32>], vector<16xf32>,
        %gather3A_275 = tpu.vector_load_idx %arg14[%add3A_224] : memref<80024xf32, #tpu.memory_space<vmem>>[vector<16xi32>], vector<16xf32>,
        %gather3A_276 = tpu.vector_load_idx %arg14[%add3A_230] : memref<80024xf32, #tpu.memory_space<vmem>>[vector<16xi32>], vector<16xf32>,
        %gather3A_277 = tpu.vector_load_idx %arg14[%add3A_236] : memref<80024xf32, #tpu.memory_space<vmem>>[vector<16xi32>], vector<16xf32>,
        %gather3A_278 = tpu.vector_load_idx %arg14[%add3A_242] : memref<80024xf32, #tpu.memory_space<vmem>>[vector<16xi32>], vector<16xf32>,
        %gather3A_279 = tpu.vector_load_idx %arg14[%add3A_248] : memref<80024xf32, #tpu.memory_space<vmem>>[vector<16xi32>], vector<16xf32>,
        %gather3A_280 = tpu.vector_load_idx %arg14[%add3A_254] : memref<80024xf32, #tpu.memory_space<vmem>>[vector<16xi32>], vector<16xf32>,
        %max3A_281 = arith.maximumf %gather3A_273, %gather3A_215 : vector<16xf32>
        tpu.vector_store_idx %arg14[%add3A_212], %max3A_281 : memref<80024xf32, #tpu.memory_space<vmem>>[vector<16xi32>], vector<16xf32>,
        %max3A_282 = arith.maximumf %gather3A_274, %gather3A_221 : vector<16xf32>
        tpu.vector_store_idx %arg14[%add3A_218], %max3A_282 : memref<80024xf32, #tpu.memory_space<vmem>>[vector<16xi32>], vector<16xf32>,
        %max3A_283 = arith.maximumf %gather3A_275, %gather3A_227 : vector<16xf32>
        tpu.vector_store_idx %arg14[%add3A_224], %max3A_283 : memref<80024xf32, #tpu.memory_space<vmem>>[vector<16xi32>], vector<16xf32>,
        %max3A_284 = arith.maximumf %gather3A_276, %gather3A_233 : vector<16xf32>
        tpu.vector_store_idx %arg14[%add3A_230], %max3A_284 : memref<80024xf32, #tpu.memory_space<vmem>>[vector<16xi32>], vector<16xf32>,
        %max3A_285 = arith.maximumf %gather3A_277, %gather3A_239 : vector<16xf32>
        tpu.vector_store_idx %arg14[%add3A_236], %max3A_285 : memref<80024xf32, #tpu.memory_space<vmem>>[vector<16xi32>], vector<16xf32>,
        %max3A_286 = arith.maximumf %gather3A_278, %gather3A_245 : vector<16xf32>
        tpu.vector_store_idx %arg14[%add3A_242], %max3A_286 : memref<80024xf32, #tpu.memory_space<vmem>>[vector<16xi32>], vector<16xf32>,
        %max3A_287 = arith.maximumf %gather3A_279, %gather3A_251 : vector<16xf32>
        tpu.vector_store_idx %arg14[%add3A_248], %max3A_287 : memref<80024xf32, #tpu.memory_space<vmem>>[vector<16xi32>], vector<16xf32>,
        %max3A_288 = arith.maximumf %gather3A_280, %gather3A_257 : vector<16xf32>
        tpu.vector_store_idx %arg14[%add3A_254], %max3A_288 : memref<80024xf32, #tpu.memory_space<vmem>>[vector<16xi32>], vector<16xf32>,
        %not3A = arith.constant true
        %not3A_289 = arith.xori %and3A_154, %not3A : i1
        %convert_element_type3A_290 = arith.extui %not3A_289 : i1 to i32
        %cond3A_291 = arith.constant 0 : i32
        %cond3A_292 = arith.cmpi ne, %convert_element_type3A_290, %cond3A_291 : i32
        scf.if %cond3A_292 {
          %add3A_293 = arith.constant 0 : i32
          %add3A_294 = vector.broadcast %add3A_293 : i32 to vector<16xi32>
          %add3A_295 = arith.addi %convert_element_type3A, %add3A_294 : vector<16xi32>
          %mul3A_296 = arith.constant 16 : i32
          %mul3A_297 = arith.muli %mul3A_116, %mul3A_296 : i32
          %add3A_298 = vector.broadcast %mul3A_297 : i32 to vector<16xi32>
          %add3A_299 = arith.addi %add3A_298, %add3A_295 : vector<16xi32>
          %gather3A_300 = tpu.vector_load_idx %arg9[%add3A_299] masked %lt3A_14 : memref<1616xi32, #tpu.memory_space<vmem>>[vector<16xi32>], vector<16xi32>, vector<16xi1>
          %mul3A_301 = arith.constant 10001 : i32
          %mul3A_302 = vector.broadcast %mul3A_301 : i32 to vector<16xi32>
          %mul3A_303 = arith.muli %and3A_8, %mul3A_302 : vector<16xi32>
          %add3A_304 = arith.addi %mul3A_303, %gather3A_300 : vector<16xi32>
          %mul3A_305 = arith.constant 16 : i32
          %mul3A_306 = arith.muli %mul3A_116, %mul3A_305 : i32
          %add3A_307 = vector.broadcast %mul3A_306 : i32 to vector<16xi32>
          %add3A_308 = arith.addi %add3A_307, %add3A_295 : vector<16xi32>
          %gather3A_309 = tpu.vector_load_idx %arg13[%add3A_308, %and3A_8] masked %lt3A_14 : memref<1600x8xf32, #tpu.memory_space<vmem>>[vector<16xi32>, vector<16xi32>], vector<16xf32>, vector<16xi1>
          %gather3A_310 = tpu.vector_load_idx %arg14[%add3A_304] masked %lt3A_14 : memref<80024xf32, #tpu.memory_space<vmem>>[vector<16xi32>], vector<16xf32>, vector<16xi1>
          %max3A_311 = arith.maximumf %gather3A_310, %gather3A_309 : vector<16xf32>
          tpu.vector_store_idx %arg14[%add3A_304], %max3A_311 masked %lt3A_14 : memref<80024xf32, #tpu.memory_space<vmem>>[vector<16xi32>], vector<16xf32>, vector<16xi1>
          %add3A_312 = arith.constant 2 : i32
          %add3A_313 = vector.broadcast %add3A_312 : i32 to vector<16xi32>
          %add3A_314 = arith.addi %convert_element_type3A, %add3A_313 : vector<16xi32>
          %mul3A_315 = arith.constant 16 : i32
          %mul3A_316 = arith.muli %mul3A_116, %mul3A_315 : i32
          %add3A_317 = vector.broadcast %mul3A_316 : i32 to vector<16xi32>
          %add3A_318 = arith.addi %add3A_317, %add3A_314 : vector<16xi32>
          %gather3A_319 = tpu.vector_load_idx %arg9[%add3A_318] masked %lt3A_14 : memref<1616xi32, #tpu.memory_space<vmem>>[vector<16xi32>], vector<16xi32>, vector<16xi1>
          %mul3A_320 = arith.constant 10001 : i32
          %mul3A_321 = vector.broadcast %mul3A_320 : i32 to vector<16xi32>
          %mul3A_322 = arith.muli %and3A_8, %mul3A_321 : vector<16xi32>
          %add3A_323 = arith.addi %mul3A_322, %gather3A_319 : vector<16xi32>
          %mul3A_324 = arith.constant 16 : i32
          %mul3A_325 = arith.muli %mul3A_116, %mul3A_324 : i32
          %add3A_326 = vector.broadcast %mul3A_325 : i32 to vector<16xi32>
          %add3A_327 = arith.addi %add3A_326, %add3A_314 : vector<16xi32>
          %gather3A_328 = tpu.vector_load_idx %arg13[%add3A_327, %and3A_8] masked %lt3A_14 : memref<1600x8xf32, #tpu.memory_space<vmem>>[vector<16xi32>, vector<16xi32>], vector<16xf32>, vector<16xi1>
          %gather3A_329 = tpu.vector_load_idx %arg14[%add3A_323] masked %lt3A_14 : memref<80024xf32, #tpu.memory_space<vmem>>[vector<16xi32>], vector<16xf32>, vector<16xi1>
          %max3A_330 = arith.maximumf %gather3A_329, %gather3A_328 : vector<16xf32>
          tpu.vector_store_idx %arg14[%add3A_323], %max3A_330 masked %lt3A_14 : memref<80024xf32, #tpu.memory_space<vmem>>[vector<16xi32>], vector<16xf32>, vector<16xi1>
          %add3A_331 = arith.constant 4 : i32
          %add3A_332 = vector.broadcast %add3A_331 : i32 to vector<16xi32>
          %add3A_333 = arith.addi %convert_element_type3A, %add3A_332 : vector<16xi32>
          %mul3A_334 = arith.constant 16 : i32
          %mul3A_335 = arith.muli %mul3A_116, %mul3A_334 : i32
          %add3A_336 = vector.broadcast %mul3A_335 : i32 to vector<16xi32>
          %add3A_337 = arith.addi %add3A_336, %add3A_333 : vector<16xi32>
          %gather3A_338 = tpu.vector_load_idx %arg9[%add3A_337] masked %lt3A_14 : memref<1616xi32, #tpu.memory_space<vmem>>[vector<16xi32>], vector<16xi32>, vector<16xi1>
          %mul3A_339 = arith.constant 10001 : i32
          %mul3A_340 = vector.broadcast %mul3A_339 : i32 to vector<16xi32>
          %mul3A_341 = arith.muli %and3A_8, %mul3A_340 : vector<16xi32>
          %add3A_342 = arith.addi %mul3A_341, %gather3A_338 : vector<16xi32>
          %mul3A_343 = arith.constant 16 : i32
          %mul3A_344 = arith.muli %mul3A_116, %mul3A_343 : i32
          %add3A_345 = vector.broadcast %mul3A_344 : i32 to vector<16xi32>
          %add3A_346 = arith.addi %add3A_345, %add3A_333 : vector<16xi32>
          %gather3A_347 = tpu.vector_load_idx %arg13[%add3A_346, %and3A_8] masked %lt3A_14 : memref<1600x8xf32, #tpu.memory_space<vmem>>[vector<16xi32>, vector<16xi32>], vector<16xf32>, vector<16xi1>
          %gather3A_348 = tpu.vector_load_idx %arg14[%add3A_342] masked %lt3A_14 : memref<80024xf32, #tpu.memory_space<vmem>>[vector<16xi32>], vector<16xf32>, vector<16xi1>
          %max3A_349 = arith.maximumf %gather3A_348, %gather3A_347 : vector<16xf32>
          tpu.vector_store_idx %arg14[%add3A_342], %max3A_349 masked %lt3A_14 : memref<80024xf32, #tpu.memory_space<vmem>>[vector<16xi32>], vector<16xf32>, vector<16xi1>
          %add3A_350 = arith.constant 6 : i32
          %add3A_351 = vector.broadcast %add3A_350 : i32 to vector<16xi32>
          %add3A_352 = arith.addi %convert_element_type3A, %add3A_351 : vector<16xi32>
          %mul3A_353 = arith.constant 16 : i32
          %mul3A_354 = arith.muli %mul3A_116, %mul3A_353 : i32
          %add3A_355 = vector.broadcast %mul3A_354 : i32 to vector<16xi32>
          %add3A_356 = arith.addi %add3A_355, %add3A_352 : vector<16xi32>
          %gather3A_357 = tpu.vector_load_idx %arg9[%add3A_356] masked %lt3A_14 : memref<1616xi32, #tpu.memory_space<vmem>>[vector<16xi32>], vector<16xi32>, vector<16xi1>
          %mul3A_358 = arith.constant 10001 : i32
          %mul3A_359 = vector.broadcast %mul3A_358 : i32 to vector<16xi32>
          %mul3A_360 = arith.muli %and3A_8, %mul3A_359 : vector<16xi32>
          %add3A_361 = arith.addi %mul3A_360, %gather3A_357 : vector<16xi32>
          %mul3A_362 = arith.constant 16 : i32
          %mul3A_363 = arith.muli %mul3A_116, %mul3A_362 : i32
          %add3A_364 = vector.broadcast %mul3A_363 : i32 to vector<16xi32>
          %add3A_365 = arith.addi %add3A_364, %add3A_352 : vector<16xi32>
          %gather3A_366 = tpu.vector_load_idx %arg13[%add3A_365, %and3A_8] masked %lt3A_14 : memref<1600x8xf32, #tpu.memory_space<vmem>>[vector<16xi32>, vector<16xi32>], vector<16xf32>, vector<16xi1>
          %gather3A_367 = tpu.vector_load_idx %arg14[%add3A_361] masked %lt3A_14 : memref<80024xf32, #tpu.memory_space<vmem>>[vector<16xi32>], vector<16xf32>, vector<16xi1>
          %max3A_368 = arith.maximumf %gather3A_367, %gather3A_366 : vector<16xf32>
          tpu.vector_store_idx %arg14[%add3A_361], %max3A_368 masked %lt3A_14 : memref<80024xf32, #tpu.memory_space<vmem>>[vector<16xi32>], vector<16xf32>, vector<16xi1>
          %add3A_369 = arith.constant 8 : i32
          %add3A_370 = vector.broadcast %add3A_369 : i32 to vector<16xi32>
          %add3A_371 = arith.addi %convert_element_type3A, %add3A_370 : vector<16xi32>
          %mul3A_372 = arith.constant 16 : i32
          %mul3A_373 = arith.muli %mul3A_116, %mul3A_372 : i32
          %add3A_374 = vector.broadcast %mul3A_373 : i32 to vector<16xi32>
          %add3A_375 = arith.addi %add3A_374, %add3A_371 : vector<16xi32>
          %gather3A_376 = tpu.vector_load_idx %arg9[%add3A_375] masked %lt3A_14 : memref<1616xi32, #tpu.memory_space<vmem>>[vector<16xi32>], vector<16xi32>, vector<16xi1>
          %mul3A_377 = arith.constant 10001 : i32
          %mul3A_378 = vector.broadcast %mul3A_377 : i32 to vector<16xi32>
          %mul3A_379 = arith.muli %and3A_8, %mul3A_378 : vector<16xi32>
          %add3A_380 = arith.addi %mul3A_379, %gather3A_376 : vector<16xi32>
          %mul3A_381 = arith.constant 16 : i32
          %mul3A_382 = arith.muli %mul3A_116, %mul3A_381 : i32
          %add3A_383 = vector.broadcast %mul3A_382 : i32 to vector<16xi32>
          %add3A_384 = arith.addi %add3A_383, %add3A_371 : vector<16xi32>
          %gather3A_385 = tpu.vector_load_idx %arg13[%add3A_384, %and3A_8] masked %lt3A_14 : memref<1600x8xf32, #tpu.memory_space<vmem>>[vector<16xi32>, vector<16xi32>], vector<16xf32>, vector<16xi1>
          %gather3A_386 = tpu.vector_load_idx %arg14[%add3A_380] masked %lt3A_14 : memref<80024xf32, #tpu.memory_space<vmem>>[vector<16xi32>], vector<16xf32>, vector<16xi1>
          %max3A_387 = arith.maximumf %gather3A_386, %gather3A_385 : vector<16xf32>
          tpu.vector_store_idx %arg14[%add3A_380], %max3A_387 masked %lt3A_14 : memref<80024xf32, #tpu.memory_space<vmem>>[vector<16xi32>], vector<16xf32>, vector<16xi1>
          %add3A_388 = arith.constant 10 : i32
          %add3A_389 = vector.broadcast %add3A_388 : i32 to vector<16xi32>
          %add3A_390 = arith.addi %convert_element_type3A, %add3A_389 : vector<16xi32>
          %mul3A_391 = arith.constant 16 : i32
          %mul3A_392 = arith.muli %mul3A_116, %mul3A_391 : i32
          %add3A_393 = vector.broadcast %mul3A_392 : i32 to vector<16xi32>
          %add3A_394 = arith.addi %add3A_393, %add3A_390 : vector<16xi32>
          %gather3A_395 = tpu.vector_load_idx %arg9[%add3A_394] masked %lt3A_14 : memref<1616xi32, #tpu.memory_space<vmem>>[vector<16xi32>], vector<16xi32>, vector<16xi1>
          %mul3A_396 = arith.constant 10001 : i32
          %mul3A_397 = vector.broadcast %mul3A_396 : i32 to vector<16xi32>
          %mul3A_398 = arith.muli %and3A_8, %mul3A_397 : vector<16xi32>
          %add3A_399 = arith.addi %mul3A_398, %gather3A_395 : vector<16xi32>
          %mul3A_400 = arith.constant 16 : i32
          %mul3A_401 = arith.muli %mul3A_116, %mul3A_400 : i32
          %add3A_402 = vector.broadcast %mul3A_401 : i32 to vector<16xi32>
          %add3A_403 = arith.addi %add3A_402, %add3A_390 : vector<16xi32>
          %gather3A_404 = tpu.vector_load_idx %arg13[%add3A_403, %and3A_8] masked %lt3A_14 : memref<1600x8xf32, #tpu.memory_space<vmem>>[vector<16xi32>, vector<16xi32>], vector<16xf32>, vector<16xi1>
          %gather3A_405 = tpu.vector_load_idx %arg14[%add3A_399] masked %lt3A_14 : memref<80024xf32, #tpu.memory_space<vmem>>[vector<16xi32>], vector<16xf32>, vector<16xi1>
          %max3A_406 = arith.maximumf %gather3A_405, %gather3A_404 : vector<16xf32>
          tpu.vector_store_idx %arg14[%add3A_399], %max3A_406 masked %lt3A_14 : memref<80024xf32, #tpu.memory_space<vmem>>[vector<16xi32>], vector<16xf32>, vector<16xi1>
          %add3A_407 = arith.constant 12 : i32
          %add3A_408 = vector.broadcast %add3A_407 : i32 to vector<16xi32>
          %add3A_409 = arith.addi %convert_element_type3A, %add3A_408 : vector<16xi32>
          %mul3A_410 = arith.constant 16 : i32
          %mul3A_411 = arith.muli %mul3A_116, %mul3A_410 : i32
          %add3A_412 = vector.broadcast %mul3A_411 : i32 to vector<16xi32>
          %add3A_413 = arith.addi %add3A_412, %add3A_409 : vector<16xi32>
          %gather3A_414 = tpu.vector_load_idx %arg9[%add3A_413] masked %lt3A_14 : memref<1616xi32, #tpu.memory_space<vmem>>[vector<16xi32>], vector<16xi32>, vector<16xi1>
          %mul3A_415 = arith.constant 10001 : i32
          %mul3A_416 = vector.broadcast %mul3A_415 : i32 to vector<16xi32>
          %mul3A_417 = arith.muli %and3A_8, %mul3A_416 : vector<16xi32>
          %add3A_418 = arith.addi %mul3A_417, %gather3A_414 : vector<16xi32>
          %mul3A_419 = arith.constant 16 : i32
          %mul3A_420 = arith.muli %mul3A_116, %mul3A_419 : i32
          %add3A_421 = vector.broadcast %mul3A_420 : i32 to vector<16xi32>
          %add3A_422 = arith.addi %add3A_421, %add3A_409 : vector<16xi32>
          %gather3A_423 = tpu.vector_load_idx %arg13[%add3A_422, %and3A_8] masked %lt3A_14 : memref<1600x8xf32, #tpu.memory_space<vmem>>[vector<16xi32>, vector<16xi32>], vector<16xf32>, vector<16xi1>
          %gather3A_424 = tpu.vector_load_idx %arg14[%add3A_418] masked %lt3A_14 : memref<80024xf32, #tpu.memory_space<vmem>>[vector<16xi32>], vector<16xf32>, vector<16xi1>
          %max3A_425 = arith.maximumf %gather3A_424, %gather3A_423 : vector<16xf32>
          tpu.vector_store_idx %arg14[%add3A_418], %max3A_425 masked %lt3A_14 : memref<80024xf32, #tpu.memory_space<vmem>>[vector<16xi32>], vector<16xf32>, vector<16xi1>
          %add3A_426 = arith.constant 14 : i32
          %add3A_427 = vector.broadcast %add3A_426 : i32 to vector<16xi32>
          %add3A_428 = arith.addi %convert_element_type3A, %add3A_427 : vector<16xi32>
          %mul3A_429 = arith.constant 16 : i32
          %mul3A_430 = arith.muli %mul3A_116, %mul3A_429 : i32
          %add3A_431 = vector.broadcast %mul3A_430 : i32 to vector<16xi32>
          %add3A_432 = arith.addi %add3A_431, %add3A_428 : vector<16xi32>
          %gather3A_433 = tpu.vector_load_idx %arg9[%add3A_432] masked %lt3A_14 : memref<1616xi32, #tpu.memory_space<vmem>>[vector<16xi32>], vector<16xi32>, vector<16xi1>
          %mul3A_434 = arith.constant 10001 : i32
          %mul3A_435 = vector.broadcast %mul3A_434 : i32 to vector<16xi32>
          %mul3A_436 = arith.muli %and3A_8, %mul3A_435 : vector<16xi32>
          %add3A_437 = arith.addi %mul3A_436, %gather3A_433 : vector<16xi32>
          %mul3A_438 = arith.constant 16 : i32
          %mul3A_439 = arith.muli %mul3A_116, %mul3A_438 : i32
          %add3A_440 = vector.broadcast %mul3A_439 : i32 to vector<16xi32>
          %add3A_441 = arith.addi %add3A_440, %add3A_428 : vector<16xi32>
          %gather3A_442 = tpu.vector_load_idx %arg13[%add3A_441, %and3A_8] masked %lt3A_14 : memref<1600x8xf32, #tpu.memory_space<vmem>>[vector<16xi32>, vector<16xi32>], vector<16xf32>, vector<16xi1>
          %gather3A_443 = tpu.vector_load_idx %arg14[%add3A_437] masked %lt3A_14 : memref<80024xf32, #tpu.memory_space<vmem>>[vector<16xi32>], vector<16xf32>, vector<16xi1>
          %max3A_444 = arith.maximumf %gather3A_443, %gather3A_442 : vector<16xf32>
          tpu.vector_store_idx %arg14[%add3A_437], %max3A_444 masked %lt3A_14 : memref<80024xf32, #tpu.memory_space<vmem>>[vector<16xi32>], vector<16xf32>, vector<16xi1>
          %add3A_445 = arith.constant 0 : i32
          %add3A_446 = vector.broadcast %add3A_445 : i32 to vector<16xi32>
          %add3A_447 = arith.addi %convert_element_type3A, %add3A_446 : vector<16xi32>
          %mul3A_448 = arith.constant 16 : i32
          %mul3A_449 = arith.muli %mul3A_116, %mul3A_448 : i32
          %add3A_450 = vector.broadcast %mul3A_449 : i32 to vector<16xi32>
          %add3A_451 = arith.addi %add3A_450, %add3A_447 : vector<16xi32>
          %gather3A_452 = tpu.vector_load_idx %arg9[%add3A_451] masked %ge3A_17 : memref<1616xi32, #tpu.memory_space<vmem>>[vector<16xi32>], vector<16xi32>, vector<16xi1>
          %mul3A_453 = arith.constant 10001 : i32
          %mul3A_454 = vector.broadcast %mul3A_453 : i32 to vector<16xi32>
          %mul3A_455 = arith.muli %and3A_8, %mul3A_454 : vector<16xi32>
          %add3A_456 = arith.addi %mul3A_455, %gather3A_452 : vector<16xi32>
          %mul3A_457 = arith.constant 16 : i32
          %mul3A_458 = arith.muli %mul3A_116, %mul3A_457 : i32
          %add3A_459 = vector.broadcast %mul3A_458 : i32 to vector<16xi32>
          %add3A_460 = arith.addi %add3A_459, %add3A_447 : vector<16xi32>
          %gather3A_461 = tpu.vector_load_idx %arg13[%add3A_460, %and3A_8] masked %ge3A_17 : memref<1600x8xf32, #tpu.memory_space<vmem>>[vector<16xi32>, vector<16xi32>], vector<16xf32>, vector<16xi1>
          %gather3A_462 = tpu.vector_load_idx %arg14[%add3A_456] masked %ge3A_17 : memref<80024xf32, #tpu.memory_space<vmem>>[vector<16xi32>], vector<16xf32>, vector<16xi1>
          %max3A_463 = arith.maximumf %gather3A_462, %gather3A_461 : vector<16xf32>
          tpu.vector_store_idx %arg14[%add3A_456], %max3A_463 masked %ge3A_17 : memref<80024xf32, #tpu.memory_space<vmem>>[vector<16xi32>], vector<16xf32>, vector<16xi1>
          %add3A_464 = arith.constant 2 : i32
          %add3A_465 = vector.broadcast %add3A_464 : i32 to vector<16xi32>
          %add3A_466 = arith.addi %convert_element_type3A, %add3A_465 : vector<16xi32>
          %mul3A_467 = arith.constant 16 : i32
          %mul3A_468 = arith.muli %mul3A_116, %mul3A_467 : i32
          %add3A_469 = vector.broadcast %mul3A_468 : i32 to vector<16xi32>
          %add3A_470 = arith.addi %add3A_469, %add3A_466 : vector<16xi32>
          %gather3A_471 = tpu.vector_load_idx %arg9[%add3A_470] masked %ge3A_17 : memref<1616xi32, #tpu.memory_space<vmem>>[vector<16xi32>], vector<16xi32>, vector<16xi1>
          %mul3A_472 = arith.constant 10001 : i32
          %mul3A_473 = vector.broadcast %mul3A_472 : i32 to vector<16xi32>
          %mul3A_474 = arith.muli %and3A_8, %mul3A_473 : vector<16xi32>
          %add3A_475 = arith.addi %mul3A_474, %gather3A_471 : vector<16xi32>
          %mul3A_476 = arith.constant 16 : i32
          %mul3A_477 = arith.muli %mul3A_116, %mul3A_476 : i32
          %add3A_478 = vector.broadcast %mul3A_477 : i32 to vector<16xi32>
          %add3A_479 = arith.addi %add3A_478, %add3A_466 : vector<16xi32>
          %gather3A_480 = tpu.vector_load_idx %arg13[%add3A_479, %and3A_8] masked %ge3A_17 : memref<1600x8xf32, #tpu.memory_space<vmem>>[vector<16xi32>, vector<16xi32>], vector<16xf32>, vector<16xi1>
          %gather3A_481 = tpu.vector_load_idx %arg14[%add3A_475] masked %ge3A_17 : memref<80024xf32, #tpu.memory_space<vmem>>[vector<16xi32>], vector<16xf32>, vector<16xi1>
          %max3A_482 = arith.maximumf %gather3A_481, %gather3A_480 : vector<16xf32>
          tpu.vector_store_idx %arg14[%add3A_475], %max3A_482 masked %ge3A_17 : memref<80024xf32, #tpu.memory_space<vmem>>[vector<16xi32>], vector<16xf32>, vector<16xi1>
          %add3A_483 = arith.constant 4 : i32
          %add3A_484 = vector.broadcast %add3A_483 : i32 to vector<16xi32>
          %add3A_485 = arith.addi %convert_element_type3A, %add3A_484 : vector<16xi32>
          %mul3A_486 = arith.constant 16 : i32
          %mul3A_487 = arith.muli %mul3A_116, %mul3A_486 : i32
          %add3A_488 = vector.broadcast %mul3A_487 : i32 to vector<16xi32>
          %add3A_489 = arith.addi %add3A_488, %add3A_485 : vector<16xi32>
          %gather3A_490 = tpu.vector_load_idx %arg9[%add3A_489] masked %ge3A_17 : memref<1616xi32, #tpu.memory_space<vmem>>[vector<16xi32>], vector<16xi32>, vector<16xi1>
          %mul3A_491 = arith.constant 10001 : i32
          %mul3A_492 = vector.broadcast %mul3A_491 : i32 to vector<16xi32>
          %mul3A_493 = arith.muli %and3A_8, %mul3A_492 : vector<16xi32>
          %add3A_494 = arith.addi %mul3A_493, %gather3A_490 : vector<16xi32>
          %mul3A_495 = arith.constant 16 : i32
          %mul3A_496 = arith.muli %mul3A_116, %mul3A_495 : i32
          %add3A_497 = vector.broadcast %mul3A_496 : i32 to vector<16xi32>
          %add3A_498 = arith.addi %add3A_497, %add3A_485 : vector<16xi32>
          %gather3A_499 = tpu.vector_load_idx %arg13[%add3A_498, %and3A_8] masked %ge3A_17 : memref<1600x8xf32, #tpu.memory_space<vmem>>[vector<16xi32>, vector<16xi32>], vector<16xf32>, vector<16xi1>
          %gather3A_500 = tpu.vector_load_idx %arg14[%add3A_494] masked %ge3A_17 : memref<80024xf32, #tpu.memory_space<vmem>>[vector<16xi32>], vector<16xf32>, vector<16xi1>
          %max3A_501 = arith.maximumf %gather3A_500, %gather3A_499 : vector<16xf32>
          tpu.vector_store_idx %arg14[%add3A_494], %max3A_501 masked %ge3A_17 : memref<80024xf32, #tpu.memory_space<vmem>>[vector<16xi32>], vector<16xf32>, vector<16xi1>
          %add3A_502 = arith.constant 6 : i32
          %add3A_503 = vector.broadcast %add3A_502 : i32 to vector<16xi32>
          %add3A_504 = arith.addi %convert_element_type3A, %add3A_503 : vector<16xi32>
          %mul3A_505 = arith.constant 16 : i32
          %mul3A_506 = arith.muli %mul3A_116, %mul3A_505 : i32
          %add3A_507 = vector.broadcast %mul3A_506 : i32 to vector<16xi32>
          %add3A_508 = arith.addi %add3A_507, %add3A_504 : vector<16xi32>
          %gather3A_509 = tpu.vector_load_idx %arg9[%add3A_508] masked %ge3A_17 : memref<1616xi32, #tpu.memory_space<vmem>>[vector<16xi32>], vector<16xi32>, vector<16xi1>
          %mul3A_510 = arith.constant 10001 : i32
          %mul3A_511 = vector.broadcast %mul3A_510 : i32 to vector<16xi32>
          %mul3A_512 = arith.muli %and3A_8, %mul3A_511 : vector<16xi32>
          %add3A_513 = arith.addi %mul3A_512, %gather3A_509 : vector<16xi32>
          %mul3A_514 = arith.constant 16 : i32
          %mul3A_515 = arith.muli %mul3A_116, %mul3A_514 : i32
          %add3A_516 = vector.broadcast %mul3A_515 : i32 to vector<16xi32>
          %add3A_517 = arith.addi %add3A_516, %add3A_504 : vector<16xi32>
          %gather3A_518 = tpu.vector_load_idx %arg13[%add3A_517, %and3A_8] masked %ge3A_17 : memref<1600x8xf32, #tpu.memory_space<vmem>>[vector<16xi32>, vector<16xi32>], vector<16xf32>, vector<16xi1>
          %gather3A_519 = tpu.vector_load_idx %arg14[%add3A_513] masked %ge3A_17 : memref<80024xf32, #tpu.memory_space<vmem>>[vector<16xi32>], vector<16xf32>, vector<16xi1>
          %max3A_520 = arith.maximumf %gather3A_519, %gather3A_518 : vector<16xf32>
          tpu.vector_store_idx %arg14[%add3A_513], %max3A_520 masked %ge3A_17 : memref<80024xf32, #tpu.memory_space<vmem>>[vector<16xi32>], vector<16xf32>, vector<16xi1>
          %add3A_521 = arith.constant 8 : i32
          %add3A_522 = vector.broadcast %add3A_521 : i32 to vector<16xi32>
          %add3A_523 = arith.addi %convert_element_type3A, %add3A_522 : vector<16xi32>
          %mul3A_524 = arith.constant 16 : i32
          %mul3A_525 = arith.muli %mul3A_116, %mul3A_524 : i32
          %add3A_526 = vector.broadcast %mul3A_525 : i32 to vector<16xi32>
          %add3A_527 = arith.addi %add3A_526, %add3A_523 : vector<16xi32>
          %gather3A_528 = tpu.vector_load_idx %arg9[%add3A_527] masked %ge3A_17 : memref<1616xi32, #tpu.memory_space<vmem>>[vector<16xi32>], vector<16xi32>, vector<16xi1>
          %mul3A_529 = arith.constant 10001 : i32
          %mul3A_530 = vector.broadcast %mul3A_529 : i32 to vector<16xi32>
          %mul3A_531 = arith.muli %and3A_8, %mul3A_530 : vector<16xi32>
          %add3A_532 = arith.addi %mul3A_531, %gather3A_528 : vector<16xi32>
          %mul3A_533 = arith.constant 16 : i32
          %mul3A_534 = arith.muli %mul3A_116, %mul3A_533 : i32
          %add3A_535 = vector.broadcast %mul3A_534 : i32 to vector<16xi32>
          %add3A_536 = arith.addi %add3A_535, %add3A_523 : vector<16xi32>
          %gather3A_537 = tpu.vector_load_idx %arg13[%add3A_536, %and3A_8] masked %ge3A_17 : memref<1600x8xf32, #tpu.memory_space<vmem>>[vector<16xi32>, vector<16xi32>], vector<16xf32>, vector<16xi1>
          %gather3A_538 = tpu.vector_load_idx %arg14[%add3A_532] masked %ge3A_17 : memref<80024xf32, #tpu.memory_space<vmem>>[vector<16xi32>], vector<16xf32>, vector<16xi1>
          %max3A_539 = arith.maximumf %gather3A_538, %gather3A_537 : vector<16xf32>
          tpu.vector_store_idx %arg14[%add3A_532], %max3A_539 masked %ge3A_17 : memref<80024xf32, #tpu.memory_space<vmem>>[vector<16xi32>], vector<16xf32>, vector<16xi1>
          %add3A_540 = arith.constant 10 : i32
          %add3A_541 = vector.broadcast %add3A_540 : i32 to vector<16xi32>
          %add3A_542 = arith.addi %convert_element_type3A, %add3A_541 : vector<16xi32>
          %mul3A_543 = arith.constant 16 : i32
          %mul3A_544 = arith.muli %mul3A_116, %mul3A_543 : i32
          %add3A_545 = vector.broadcast %mul3A_544 : i32 to vector<16xi32>
          %add3A_546 = arith.addi %add3A_545, %add3A_542 : vector<16xi32>
          %gather3A_547 = tpu.vector_load_idx %arg9[%add3A_546] masked %ge3A_17 : memref<1616xi32, #tpu.memory_space<vmem>>[vector<16xi32>], vector<16xi32>, vector<16xi1>
          %mul3A_548 = arith.constant 10001 : i32
          %mul3A_549 = vector.broadcast %mul3A_548 : i32 to vector<16xi32>
          %mul3A_550 = arith.muli %and3A_8, %mul3A_549 : vector<16xi32>
          %add3A_551 = arith.addi %mul3A_550, %gather3A_547 : vector<16xi32>
          %mul3A_552 = arith.constant 16 : i32
          %mul3A_553 = arith.muli %mul3A_116, %mul3A_552 : i32
          %add3A_554 = vector.broadcast %mul3A_553 : i32 to vector<16xi32>
          %add3A_555 = arith.addi %add3A_554, %add3A_542 : vector<16xi32>
          %gather3A_556 = tpu.vector_load_idx %arg13[%add3A_555, %and3A_8] masked %ge3A_17 : memref<1600x8xf32, #tpu.memory_space<vmem>>[vector<16xi32>, vector<16xi32>], vector<16xf32>, vector<16xi1>
          %gather3A_557 = tpu.vector_load_idx %arg14[%add3A_551] masked %ge3A_17 : memref<80024xf32, #tpu.memory_space<vmem>>[vector<16xi32>], vector<16xf32>, vector<16xi1>
          %max3A_558 = arith.maximumf %gather3A_557, %gather3A_556 : vector<16xf32>
          tpu.vector_store_idx %arg14[%add3A_551], %max3A_558 masked %ge3A_17 : memref<80024xf32, #tpu.memory_space<vmem>>[vector<16xi32>], vector<16xf32>, vector<16xi1>
          %add3A_559 = arith.constant 12 : i32
          %add3A_560 = vector.broadcast %add3A_559 : i32 to vector<16xi32>
          %add3A_561 = arith.addi %convert_element_type3A, %add3A_560 : vector<16xi32>
          %mul3A_562 = arith.constant 16 : i32
          %mul3A_563 = arith.muli %mul3A_116, %mul3A_562 : i32
          %add3A_564 = vector.broadcast %mul3A_563 : i32 to vector<16xi32>
          %add3A_565 = arith.addi %add3A_564, %add3A_561 : vector<16xi32>
          %gather3A_566 = tpu.vector_load_idx %arg9[%add3A_565] masked %ge3A_17 : memref<1616xi32, #tpu.memory_space<vmem>>[vector<16xi32>], vector<16xi32>, vector<16xi1>
          %mul3A_567 = arith.constant 10001 : i32
          %mul3A_568 = vector.broadcast %mul3A_567 : i32 to vector<16xi32>
          %mul3A_569 = arith.muli %and3A_8, %mul3A_568 : vector<16xi32>
          %add3A_570 = arith.addi %mul3A_569, %gather3A_566 : vector<16xi32>
          %mul3A_571 = arith.constant 16 : i32
          %mul3A_572 = arith.muli %mul3A_116, %mul3A_571 : i32
          %add3A_573 = vector.broadcast %mul3A_572 : i32 to vector<16xi32>
          %add3A_574 = arith.addi %add3A_573, %add3A_561 : vector<16xi32>
          %gather3A_575 = tpu.vector_load_idx %arg13[%add3A_574, %and3A_8] masked %ge3A_17 : memref<1600x8xf32, #tpu.memory_space<vmem>>[vector<16xi32>, vector<16xi32>], vector<16xf32>, vector<16xi1>
          %gather3A_576 = tpu.vector_load_idx %arg14[%add3A_570] masked %ge3A_17 : memref<80024xf32, #tpu.memory_space<vmem>>[vector<16xi32>], vector<16xf32>, vector<16xi1>
          %max3A_577 = arith.maximumf %gather3A_576, %gather3A_575 : vector<16xf32>
          tpu.vector_store_idx %arg14[%add3A_570], %max3A_577 masked %ge3A_17 : memref<80024xf32, #tpu.memory_space<vmem>>[vector<16xi32>], vector<16xf32>, vector<16xi1>
          %add3A_578 = arith.constant 14 : i32
          %add3A_579 = vector.broadcast %add3A_578 : i32 to vector<16xi32>
          %add3A_580 = arith.addi %convert_element_type3A, %add3A_579 : vector<16xi32>
          %mul3A_581 = arith.constant 16 : i32
          %mul3A_582 = arith.muli %mul3A_116, %mul3A_581 : i32
          %add3A_583 = vector.broadcast %mul3A_582 : i32 to vector<16xi32>
          %add3A_584 = arith.addi %add3A_583, %add3A_580 : vector<16xi32>
          %gather3A_585 = tpu.vector_load_idx %arg9[%add3A_584] masked %ge3A_17 : memref<1616xi32, #tpu.memory_space<vmem>>[vector<16xi32>], vector<16xi32>, vector<16xi1>
          %mul3A_586 = arith.constant 10001 : i32
          %mul3A_587 = vector.broadcast %mul3A_586 : i32 to vector<16xi32>
          %mul3A_588 = arith.muli %and3A_8, %mul3A_587 : vector<16xi32>
          %add3A_589 = arith.addi %mul3A_588, %gather3A_585 : vector<16xi32>
          %mul3A_590 = arith.constant 16 : i32
          %mul3A_591 = arith.muli %mul3A_116, %mul3A_590 : i32
          %add3A_592 = vector.broadcast %mul3A_591 : i32 to vector<16xi32>
          %add3A_593 = arith.addi %add3A_592, %add3A_580 : vector<16xi32>
          %gather3A_594 = tpu.vector_load_idx %arg13[%add3A_593, %and3A_8] masked %ge3A_17 : memref<1600x8xf32, #tpu.memory_space<vmem>>[vector<16xi32>, vector<16xi32>], vector<16xf32>, vector<16xi1>
          %gather3A_595 = tpu.vector_load_idx %arg14[%add3A_589] masked %ge3A_17 : memref<80024xf32, #tpu.memory_space<vmem>>[vector<16xi32>], vector<16xf32>, vector<16xi1>
          %max3A_596 = arith.maximumf %gather3A_595, %gather3A_594 : vector<16xf32>
          tpu.vector_store_idx %arg14[%add3A_589], %max3A_596 masked %ge3A_17 : memref<80024xf32, #tpu.memory_space<vmem>>[vector<16xi32>], vector<16xf32>, vector<16xi1>
          %add3A_597 = arith.constant 0 : i32
          %add3A_598 = vector.broadcast %add3A_597 : i32 to vector<16xi32>
          %add3A_599 = arith.addi %convert_element_type3A, %add3A_598 : vector<16xi32>
          %mul3A_600 = arith.constant 16 : i32
          %mul3A_601 = arith.muli %add3A_118, %mul3A_600 : i32
          %add3A_602 = vector.broadcast %mul3A_601 : i32 to vector<16xi32>
          %add3A_603 = arith.addi %add3A_602, %add3A_599 : vector<16xi32>
          %gather3A_604 = tpu.vector_load_idx %arg9[%add3A_603] masked %lt3A_14 : memref<1616xi32, #tpu.memory_space<vmem>>[vector<16xi32>], vector<16xi32>, vector<16xi1>
          %mul3A_605 = arith.constant 10001 : i32
          %mul3A_606 = vector.broadcast %mul3A_605 : i32 to vector<16xi32>
          %mul3A_607 = arith.muli %and3A_8, %mul3A_606 : vector<16xi32>
          %add3A_608 = arith.addi %mul3A_607, %gather3A_604 : vector<16xi32>
          %mul3A_609 = arith.constant 16 : i32
          %mul3A_610 = arith.muli %add3A_118, %mul3A_609 : i32
          %add3A_611 = vector.broadcast %mul3A_610 : i32 to vector<16xi32>
          %add3A_612 = arith.addi %add3A_611, %add3A_599 : vector<16xi32>
          %gather3A_613 = tpu.vector_load_idx %arg13[%add3A_612, %and3A_8] masked %lt3A_14 : memref<1600x8xf32, #tpu.memory_space<vmem>>[vector<16xi32>, vector<16xi32>], vector<16xf32>, vector<16xi1>
          %gather3A_614 = tpu.vector_load_idx %arg14[%add3A_608] masked %lt3A_14 : memref<80024xf32, #tpu.memory_space<vmem>>[vector<16xi32>], vector<16xf32>, vector<16xi1>
          %max3A_615 = arith.maximumf %gather3A_614, %gather3A_613 : vector<16xf32>
          tpu.vector_store_idx %arg14[%add3A_608], %max3A_615 masked %lt3A_14 : memref<80024xf32, #tpu.memory_space<vmem>>[vector<16xi32>], vector<16xf32>, vector<16xi1>
          %add3A_616 = arith.constant 2 : i32
          %add3A_617 = vector.broadcast %add3A_616 : i32 to vector<16xi32>
          %add3A_618 = arith.addi %convert_element_type3A, %add3A_617 : vector<16xi32>
          %mul3A_619 = arith.constant 16 : i32
          %mul3A_620 = arith.muli %add3A_118, %mul3A_619 : i32
          %add3A_621 = vector.broadcast %mul3A_620 : i32 to vector<16xi32>
          %add3A_622 = arith.addi %add3A_621, %add3A_618 : vector<16xi32>
          %gather3A_623 = tpu.vector_load_idx %arg9[%add3A_622] masked %lt3A_14 : memref<1616xi32, #tpu.memory_space<vmem>>[vector<16xi32>], vector<16xi32>, vector<16xi1>
          %mul3A_624 = arith.constant 10001 : i32
          %mul3A_625 = vector.broadcast %mul3A_624 : i32 to vector<16xi32>
          %mul3A_626 = arith.muli %and3A_8, %mul3A_625 : vector<16xi32>
          %add3A_627 = arith.addi %mul3A_626, %gather3A_623 : vector<16xi32>
          %mul3A_628 = arith.constant 16 : i32
          %mul3A_629 = arith.muli %add3A_118, %mul3A_628 : i32
          %add3A_630 = vector.broadcast %mul3A_629 : i32 to vector<16xi32>
          %add3A_631 = arith.addi %add3A_630, %add3A_618 : vector<16xi32>
          %gather3A_632 = tpu.vector_load_idx %arg13[%add3A_631, %and3A_8] masked %lt3A_14 : memref<1600x8xf32, #tpu.memory_space<vmem>>[vector<16xi32>, vector<16xi32>], vector<16xf32>, vector<16xi1>
          %gather3A_633 = tpu.vector_load_idx %arg14[%add3A_627] masked %lt3A_14 : memref<80024xf32, #tpu.memory_space<vmem>>[vector<16xi32>], vector<16xf32>, vector<16xi1>
          %max3A_634 = arith.maximumf %gather3A_633, %gather3A_632 : vector<16xf32>
          tpu.vector_store_idx %arg14[%add3A_627], %max3A_634 masked %lt3A_14 : memref<80024xf32, #tpu.memory_space<vmem>>[vector<16xi32>], vector<16xf32>, vector<16xi1>
          %add3A_635 = arith.constant 4 : i32
          %add3A_636 = vector.broadcast %add3A_635 : i32 to vector<16xi32>
          %add3A_637 = arith.addi %convert_element_type3A, %add3A_636 : vector<16xi32>
          %mul3A_638 = arith.constant 16 : i32
          %mul3A_639 = arith.muli %add3A_118, %mul3A_638 : i32
          %add3A_640 = vector.broadcast %mul3A_639 : i32 to vector<16xi32>
          %add3A_641 = arith.addi %add3A_640, %add3A_637 : vector<16xi32>
          %gather3A_642 = tpu.vector_load_idx %arg9[%add3A_641] masked %lt3A_14 : memref<1616xi32, #tpu.memory_space<vmem>>[vector<16xi32>], vector<16xi32>, vector<16xi1>
          %mul3A_643 = arith.constant 10001 : i32
          %mul3A_644 = vector.broadcast %mul3A_643 : i32 to vector<16xi32>
          %mul3A_645 = arith.muli %and3A_8, %mul3A_644 : vector<16xi32>
          %add3A_646 = arith.addi %mul3A_645, %gather3A_642 : vector<16xi32>
          %mul3A_647 = arith.constant 16 : i32
          %mul3A_648 = arith.muli %add3A_118, %mul3A_647 : i32
          %add3A_649 = vector.broadcast %mul3A_648 : i32 to vector<16xi32>
          %add3A_650 = arith.addi %add3A_649, %add3A_637 : vector<16xi32>
          %gather3A_651 = tpu.vector_load_idx %arg13[%add3A_650, %and3A_8] masked %lt3A_14 : memref<1600x8xf32, #tpu.memory_space<vmem>>[vector<16xi32>, vector<16xi32>], vector<16xf32>, vector<16xi1>
          %gather3A_652 = tpu.vector_load_idx %arg14[%add3A_646] masked %lt3A_14 : memref<80024xf32, #tpu.memory_space<vmem>>[vector<16xi32>], vector<16xf32>, vector<16xi1>
          %max3A_653 = arith.maximumf %gather3A_652, %gather3A_651 : vector<16xf32>
          tpu.vector_store_idx %arg14[%add3A_646], %max3A_653 masked %lt3A_14 : memref<80024xf32, #tpu.memory_space<vmem>>[vector<16xi32>], vector<16xf32>, vector<16xi1>
          %add3A_654 = arith.constant 6 : i32
          %add3A_655 = vector.broadcast %add3A_654 : i32 to vector<16xi32>
          %add3A_656 = arith.addi %convert_element_type3A, %add3A_655 : vector<16xi32>
          %mul3A_657 = arith.constant 16 : i32
          %mul3A_658 = arith.muli %add3A_118, %mul3A_657 : i32
          %add3A_659 = vector.broadcast %mul3A_658 : i32 to vector<16xi32>
          %add3A_660 = arith.addi %add3A_659, %add3A_656 : vector<16xi32>
          %gather3A_661 = tpu.vector_load_idx %arg9[%add3A_660] masked %lt3A_14 : memref<1616xi32, #tpu.memory_space<vmem>>[vector<16xi32>], vector<16xi32>, vector<16xi1>
          %mul3A_662 = arith.constant 10001 : i32
          %mul3A_663 = vector.broadcast %mul3A_662 : i32 to vector<16xi32>
          %mul3A_664 = arith.muli %and3A_8, %mul3A_663 : vector<16xi32>
          %add3A_665 = arith.addi %mul3A_664, %gather3A_661 : vector<16xi32>
          %mul3A_666 = arith.constant 16 : i32
          %mul3A_667 = arith.muli %add3A_118, %mul3A_666 : i32
          %add3A_668 = vector.broadcast %mul3A_667 : i32 to vector<16xi32>
          %add3A_669 = arith.addi %add3A_668, %add3A_656 : vector<16xi32>
          %gather3A_670 = tpu.vector_load_idx %arg13[%add3A_669, %and3A_8] masked %lt3A_14 : memref<1600x8xf32, #tpu.memory_space<vmem>>[vector<16xi32>, vector<16xi32>], vector<16xf32>, vector<16xi1>
          %gather3A_671 = tpu.vector_load_idx %arg14[%add3A_665] masked %lt3A_14 : memref<80024xf32, #tpu.memory_space<vmem>>[vector<16xi32>], vector<16xf32>, vector<16xi1>
          %max3A_672 = arith.maximumf %gather3A_671, %gather3A_670 : vector<16xf32>
          tpu.vector_store_idx %arg14[%add3A_665], %max3A_672 masked %lt3A_14 : memref<80024xf32, #tpu.memory_space<vmem>>[vector<16xi32>], vector<16xf32>, vector<16xi1>
          %add3A_673 = arith.constant 8 : i32
          %add3A_674 = vector.broadcast %add3A_673 : i32 to vector<16xi32>
          %add3A_675 = arith.addi %convert_element_type3A, %add3A_674 : vector<16xi32>
          %mul3A_676 = arith.constant 16 : i32
          %mul3A_677 = arith.muli %add3A_118, %mul3A_676 : i32
          %add3A_678 = vector.broadcast %mul3A_677 : i32 to vector<16xi32>
          %add3A_679 = arith.addi %add3A_678, %add3A_675 : vector<16xi32>
          %gather3A_680 = tpu.vector_load_idx %arg9[%add3A_679] masked %lt3A_14 : memref<1616xi32, #tpu.memory_space<vmem>>[vector<16xi32>], vector<16xi32>, vector<16xi1>
          %mul3A_681 = arith.constant 10001 : i32
          %mul3A_682 = vector.broadcast %mul3A_681 : i32 to vector<16xi32>
          %mul3A_683 = arith.muli %and3A_8, %mul3A_682 : vector<16xi32>
          %add3A_684 = arith.addi %mul3A_683, %gather3A_680 : vector<16xi32>
          %mul3A_685 = arith.constant 16 : i32
          %mul3A_686 = arith.muli %add3A_118, %mul3A_685 : i32
          %add3A_687 = vector.broadcast %mul3A_686 : i32 to vector<16xi32>
          %add3A_688 = arith.addi %add3A_687, %add3A_675 : vector<16xi32>
          %gather3A_689 = tpu.vector_load_idx %arg13[%add3A_688, %and3A_8] masked %lt3A_14 : memref<1600x8xf32, #tpu.memory_space<vmem>>[vector<16xi32>, vector<16xi32>], vector<16xf32>, vector<16xi1>
          %gather3A_690 = tpu.vector_load_idx %arg14[%add3A_684] masked %lt3A_14 : memref<80024xf32, #tpu.memory_space<vmem>>[vector<16xi32>], vector<16xf32>, vector<16xi1>
          %max3A_691 = arith.maximumf %gather3A_690, %gather3A_689 : vector<16xf32>
          tpu.vector_store_idx %arg14[%add3A_684], %max3A_691 masked %lt3A_14 : memref<80024xf32, #tpu.memory_space<vmem>>[vector<16xi32>], vector<16xf32>, vector<16xi1>
          %add3A_692 = arith.constant 10 : i32
          %add3A_693 = vector.broadcast %add3A_692 : i32 to vector<16xi32>
          %add3A_694 = arith.addi %convert_element_type3A, %add3A_693 : vector<16xi32>
          %mul3A_695 = arith.constant 16 : i32
          %mul3A_696 = arith.muli %add3A_118, %mul3A_695 : i32
          %add3A_697 = vector.broadcast %mul3A_696 : i32 to vector<16xi32>
          %add3A_698 = arith.addi %add3A_697, %add3A_694 : vector<16xi32>
          %gather3A_699 = tpu.vector_load_idx %arg9[%add3A_698] masked %lt3A_14 : memref<1616xi32, #tpu.memory_space<vmem>>[vector<16xi32>], vector<16xi32>, vector<16xi1>
          %mul3A_700 = arith.constant 10001 : i32
          %mul3A_701 = vector.broadcast %mul3A_700 : i32 to vector<16xi32>
          %mul3A_702 = arith.muli %and3A_8, %mul3A_701 : vector<16xi32>
          %add3A_703 = arith.addi %mul3A_702, %gather3A_699 : vector<16xi32>
          %mul3A_704 = arith.constant 16 : i32
          %mul3A_705 = arith.muli %add3A_118, %mul3A_704 : i32
          %add3A_706 = vector.broadcast %mul3A_705 : i32 to vector<16xi32>
          %add3A_707 = arith.addi %add3A_706, %add3A_694 : vector<16xi32>
          %gather3A_708 = tpu.vector_load_idx %arg13[%add3A_707, %and3A_8] masked %lt3A_14 : memref<1600x8xf32, #tpu.memory_space<vmem>>[vector<16xi32>, vector<16xi32>], vector<16xf32>, vector<16xi1>
          %gather3A_709 = tpu.vector_load_idx %arg14[%add3A_703] masked %lt3A_14 : memref<80024xf32, #tpu.memory_space<vmem>>[vector<16xi32>], vector<16xf32>, vector<16xi1>
          %max3A_710 = arith.maximumf %gather3A_709, %gather3A_708 : vector<16xf32>
          tpu.vector_store_idx %arg14[%add3A_703], %max3A_710 masked %lt3A_14 : memref<80024xf32, #tpu.memory_space<vmem>>[vector<16xi32>], vector<16xf32>, vector<16xi1>
          %add3A_711 = arith.constant 12 : i32
          %add3A_712 = vector.broadcast %add3A_711 : i32 to vector<16xi32>
          %add3A_713 = arith.addi %convert_element_type3A, %add3A_712 : vector<16xi32>
          %mul3A_714 = arith.constant 16 : i32
          %mul3A_715 = arith.muli %add3A_118, %mul3A_714 : i32
          %add3A_716 = vector.broadcast %mul3A_715 : i32 to vector<16xi32>
          %add3A_717 = arith.addi %add3A_716, %add3A_713 : vector<16xi32>
          %gather3A_718 = tpu.vector_load_idx %arg9[%add3A_717] masked %lt3A_14 : memref<1616xi32, #tpu.memory_space<vmem>>[vector<16xi32>], vector<16xi32>, vector<16xi1>
          %mul3A_719 = arith.constant 10001 : i32
          %mul3A_720 = vector.broadcast %mul3A_719 : i32 to vector<16xi32>
          %mul3A_721 = arith.muli %and3A_8, %mul3A_720 : vector<16xi32>
          %add3A_722 = arith.addi %mul3A_721, %gather3A_718 : vector<16xi32>
          %mul3A_723 = arith.constant 16 : i32
          %mul3A_724 = arith.muli %add3A_118, %mul3A_723 : i32
          %add3A_725 = vector.broadcast %mul3A_724 : i32 to vector<16xi32>
          %add3A_726 = arith.addi %add3A_725, %add3A_713 : vector<16xi32>
          %gather3A_727 = tpu.vector_load_idx %arg13[%add3A_726, %and3A_8] masked %lt3A_14 : memref<1600x8xf32, #tpu.memory_space<vmem>>[vector<16xi32>, vector<16xi32>], vector<16xf32>, vector<16xi1>
          %gather3A_728 = tpu.vector_load_idx %arg14[%add3A_722] masked %lt3A_14 : memref<80024xf32, #tpu.memory_space<vmem>>[vector<16xi32>], vector<16xf32>, vector<16xi1>
          %max3A_729 = arith.maximumf %gather3A_728, %gather3A_727 : vector<16xf32>
          tpu.vector_store_idx %arg14[%add3A_722], %max3A_729 masked %lt3A_14 : memref<80024xf32, #tpu.memory_space<vmem>>[vector<16xi32>], vector<16xf32>, vector<16xi1>
          %add3A_730 = arith.constant 14 : i32
          %add3A_731 = vector.broadcast %add3A_730 : i32 to vector<16xi32>
          %add3A_732 = arith.addi %convert_element_type3A, %add3A_731 : vector<16xi32>
          %mul3A_733 = arith.constant 16 : i32
          %mul3A_734 = arith.muli %add3A_118, %mul3A_733 : i32
          %add3A_735 = vector.broadcast %mul3A_734 : i32 to vector<16xi32>
          %add3A_736 = arith.addi %add3A_735, %add3A_732 : vector<16xi32>
          %gather3A_737 = tpu.vector_load_idx %arg9[%add3A_736] masked %lt3A_14 : memref<1616xi32, #tpu.memory_space<vmem>>[vector<16xi32>], vector<16xi32>, vector<16xi1>
          %mul3A_738 = arith.constant 10001 : i32
          %mul3A_739 = vector.broadcast %mul3A_738 : i32 to vector<16xi32>
          %mul3A_740 = arith.muli %and3A_8, %mul3A_739 : vector<16xi32>
          %add3A_741 = arith.addi %mul3A_740, %gather3A_737 : vector<16xi32>
          %mul3A_742 = arith.constant 16 : i32
          %mul3A_743 = arith.muli %add3A_118, %mul3A_742 : i32
          %add3A_744 = vector.broadcast %mul3A_743 : i32 to vector<16xi32>
          %add3A_745 = arith.addi %add3A_744, %add3A_732 : vector<16xi32>
          %gather3A_746 = tpu.vector_load_idx %arg13[%add3A_745, %and3A_8] masked %lt3A_14 : memref<1600x8xf32, #tpu.memory_space<vmem>>[vector<16xi32>, vector<16xi32>], vector<16xf32>, vector<16xi1>
          %gather3A_747 = tpu.vector_load_idx %arg14[%add3A_741] masked %lt3A_14 : memref<80024xf32, #tpu.memory_space<vmem>>[vector<16xi32>], vector<16xf32>, vector<16xi1>
          %max3A_748 = arith.maximumf %gather3A_747, %gather3A_746 : vector<16xf32>
          tpu.vector_store_idx %arg14[%add3A_741], %max3A_748 masked %lt3A_14 : memref<80024xf32, #tpu.memory_space<vmem>>[vector<16xi32>], vector<16xf32>, vector<16xi1>
          %add3A_749 = arith.constant 0 : i32
          %add3A_750 = vector.broadcast %add3A_749 : i32 to vector<16xi32>
          %add3A_751 = arith.addi %convert_element_type3A, %add3A_750 : vector<16xi32>
          %mul3A_752 = arith.constant 16 : i32
          %mul3A_753 = arith.muli %add3A_118, %mul3A_752 : i32
          %add3A_754 = vector.broadcast %mul3A_753 : i32 to vector<16xi32>
          %add3A_755 = arith.addi %add3A_754, %add3A_751 : vector<16xi32>
          %gather3A_756 = tpu.vector_load_idx %arg9[%add3A_755] masked %ge3A_17 : memref<1616xi32, #tpu.memory_space<vmem>>[vector<16xi32>], vector<16xi32>, vector<16xi1>
          %mul3A_757 = arith.constant 10001 : i32
          %mul3A_758 = vector.broadcast %mul3A_757 : i32 to vector<16xi32>
          %mul3A_759 = arith.muli %and3A_8, %mul3A_758 : vector<16xi32>
          %add3A_760 = arith.addi %mul3A_759, %gather3A_756 : vector<16xi32>
          %mul3A_761 = arith.constant 16 : i32
          %mul3A_762 = arith.muli %add3A_118, %mul3A_761 : i32
          %add3A_763 = vector.broadcast %mul3A_762 : i32 to vector<16xi32>
          %add3A_764 = arith.addi %add3A_763, %add3A_751 : vector<16xi32>
          %gather3A_765 = tpu.vector_load_idx %arg13[%add3A_764, %and3A_8] masked %ge3A_17 : memref<1600x8xf32, #tpu.memory_space<vmem>>[vector<16xi32>, vector<16xi32>], vector<16xf32>, vector<16xi1>
          %gather3A_766 = tpu.vector_load_idx %arg14[%add3A_760] masked %ge3A_17 : memref<80024xf32, #tpu.memory_space<vmem>>[vector<16xi32>], vector<16xf32>, vector<16xi1>
          %max3A_767 = arith.maximumf %gather3A_766, %gather3A_765 : vector<16xf32>
          tpu.vector_store_idx %arg14[%add3A_760], %max3A_767 masked %ge3A_17 : memref<80024xf32, #tpu.memory_space<vmem>>[vector<16xi32>], vector<16xf32>, vector<16xi1>
          %add3A_768 = arith.constant 2 : i32
          %add3A_769 = vector.broadcast %add3A_768 : i32 to vector<16xi32>
          %add3A_770 = arith.addi %convert_element_type3A, %add3A_769 : vector<16xi32>
          %mul3A_771 = arith.constant 16 : i32
          %mul3A_772 = arith.muli %add3A_118, %mul3A_771 : i32
          %add3A_773 = vector.broadcast %mul3A_772 : i32 to vector<16xi32>
          %add3A_774 = arith.addi %add3A_773, %add3A_770 : vector<16xi32>
          %gather3A_775 = tpu.vector_load_idx %arg9[%add3A_774] masked %ge3A_17 : memref<1616xi32, #tpu.memory_space<vmem>>[vector<16xi32>], vector<16xi32>, vector<16xi1>
          %mul3A_776 = arith.constant 10001 : i32
          %mul3A_777 = vector.broadcast %mul3A_776 : i32 to vector<16xi32>
          %mul3A_778 = arith.muli %and3A_8, %mul3A_777 : vector<16xi32>
          %add3A_779 = arith.addi %mul3A_778, %gather3A_775 : vector<16xi32>
          %mul3A_780 = arith.constant 16 : i32
          %mul3A_781 = arith.muli %add3A_118, %mul3A_780 : i32
          %add3A_782 = vector.broadcast %mul3A_781 : i32 to vector<16xi32>
          %add3A_783 = arith.addi %add3A_782, %add3A_770 : vector<16xi32>
          %gather3A_784 = tpu.vector_load_idx %arg13[%add3A_783, %and3A_8] masked %ge3A_17 : memref<1600x8xf32, #tpu.memory_space<vmem>>[vector<16xi32>, vector<16xi32>], vector<16xf32>, vector<16xi1>
          %gather3A_785 = tpu.vector_load_idx %arg14[%add3A_779] masked %ge3A_17 : memref<80024xf32, #tpu.memory_space<vmem>>[vector<16xi32>], vector<16xf32>, vector<16xi1>
          %max3A_786 = arith.maximumf %gather3A_785, %gather3A_784 : vector<16xf32>
          tpu.vector_store_idx %arg14[%add3A_779], %max3A_786 masked %ge3A_17 : memref<80024xf32, #tpu.memory_space<vmem>>[vector<16xi32>], vector<16xf32>, vector<16xi1>
          %add3A_787 = arith.constant 4 : i32
          %add3A_788 = vector.broadcast %add3A_787 : i32 to vector<16xi32>
          %add3A_789 = arith.addi %convert_element_type3A, %add3A_788 : vector<16xi32>
          %mul3A_790 = arith.constant 16 : i32
          %mul3A_791 = arith.muli %add3A_118, %mul3A_790 : i32
          %add3A_792 = vector.broadcast %mul3A_791 : i32 to vector<16xi32>
          %add3A_793 = arith.addi %add3A_792, %add3A_789 : vector<16xi32>
          %gather3A_794 = tpu.vector_load_idx %arg9[%add3A_793] masked %ge3A_17 : memref<1616xi32, #tpu.memory_space<vmem>>[vector<16xi32>], vector<16xi32>, vector<16xi1>
          %mul3A_795 = arith.constant 10001 : i32
          %mul3A_796 = vector.broadcast %mul3A_795 : i32 to vector<16xi32>
          %mul3A_797 = arith.muli %and3A_8, %mul3A_796 : vector<16xi32>
          %add3A_798 = arith.addi %mul3A_797, %gather3A_794 : vector<16xi32>
          %mul3A_799 = arith.constant 16 : i32
          %mul3A_800 = arith.muli %add3A_118, %mul3A_799 : i32
          %add3A_801 = vector.broadcast %mul3A_800 : i32 to vector<16xi32>
          %add3A_802 = arith.addi %add3A_801, %add3A_789 : vector<16xi32>
          %gather3A_803 = tpu.vector_load_idx %arg13[%add3A_802, %and3A_8] masked %ge3A_17 : memref<1600x8xf32, #tpu.memory_space<vmem>>[vector<16xi32>, vector<16xi32>], vector<16xf32>, vector<16xi1>
          %gather3A_804 = tpu.vector_load_idx %arg14[%add3A_798] masked %ge3A_17 : memref<80024xf32, #tpu.memory_space<vmem>>[vector<16xi32>], vector<16xf32>, vector<16xi1>
          %max3A_805 = arith.maximumf %gather3A_804, %gather3A_803 : vector<16xf32>
          tpu.vector_store_idx %arg14[%add3A_798], %max3A_805 masked %ge3A_17 : memref<80024xf32, #tpu.memory_space<vmem>>[vector<16xi32>], vector<16xf32>, vector<16xi1>
          %add3A_806 = arith.constant 6 : i32
          %add3A_807 = vector.broadcast %add3A_806 : i32 to vector<16xi32>
          %add3A_808 = arith.addi %convert_element_type3A, %add3A_807 : vector<16xi32>
          %mul3A_809 = arith.constant 16 : i32
          %mul3A_810 = arith.muli %add3A_118, %mul3A_809 : i32
          %add3A_811 = vector.broadcast %mul3A_810 : i32 to vector<16xi32>
          %add3A_812 = arith.addi %add3A_811, %add3A_808 : vector<16xi32>
          %gather3A_813 = tpu.vector_load_idx %arg9[%add3A_812] masked %ge3A_17 : memref<1616xi32, #tpu.memory_space<vmem>>[vector<16xi32>], vector<16xi32>, vector<16xi1>
          %mul3A_814 = arith.constant 10001 : i32
          %mul3A_815 = vector.broadcast %mul3A_814 : i32 to vector<16xi32>
          %mul3A_816 = arith.muli %and3A_8, %mul3A_815 : vector<16xi32>
          %add3A_817 = arith.addi %mul3A_816, %gather3A_813 : vector<16xi32>
          %mul3A_818 = arith.constant 16 : i32
          %mul3A_819 = arith.muli %add3A_118, %mul3A_818 : i32
          %add3A_820 = vector.broadcast %mul3A_819 : i32 to vector<16xi32>
          %add3A_821 = arith.addi %add3A_820, %add3A_808 : vector<16xi32>
          %gather3A_822 = tpu.vector_load_idx %arg13[%add3A_821, %and3A_8] masked %ge3A_17 : memref<1600x8xf32, #tpu.memory_space<vmem>>[vector<16xi32>, vector<16xi32>], vector<16xf32>, vector<16xi1>
          %gather3A_823 = tpu.vector_load_idx %arg14[%add3A_817] masked %ge3A_17 : memref<80024xf32, #tpu.memory_space<vmem>>[vector<16xi32>], vector<16xf32>, vector<16xi1>
          %max3A_824 = arith.maximumf %gather3A_823, %gather3A_822 : vector<16xf32>
          tpu.vector_store_idx %arg14[%add3A_817], %max3A_824 masked %ge3A_17 : memref<80024xf32, #tpu.memory_space<vmem>>[vector<16xi32>], vector<16xf32>, vector<16xi1>
          %add3A_825 = arith.constant 8 : i32
          %add3A_826 = vector.broadcast %add3A_825 : i32 to vector<16xi32>
          %add3A_827 = arith.addi %convert_element_type3A, %add3A_826 : vector<16xi32>
          %mul3A_828 = arith.constant 16 : i32
          %mul3A_829 = arith.muli %add3A_118, %mul3A_828 : i32
          %add3A_830 = vector.broadcast %mul3A_829 : i32 to vector<16xi32>
          %add3A_831 = arith.addi %add3A_830, %add3A_827 : vector<16xi32>
          %gather3A_832 = tpu.vector_load_idx %arg9[%add3A_831] masked %ge3A_17 : memref<1616xi32, #tpu.memory_space<vmem>>[vector<16xi32>], vector<16xi32>, vector<16xi1>
          %mul3A_833 = arith.constant 10001 : i32
          %mul3A_834 = vector.broadcast %mul3A_833 : i32 to vector<16xi32>
          %mul3A_835 = arith.muli %and3A_8, %mul3A_834 : vector<16xi32>
          %add3A_836 = arith.addi %mul3A_835, %gather3A_832 : vector<16xi32>
          %mul3A_837 = arith.constant 16 : i32
          %mul3A_838 = arith.muli %add3A_118, %mul3A_837 : i32
          %add3A_839 = vector.broadcast %mul3A_838 : i32 to vector<16xi32>
          %add3A_840 = arith.addi %add3A_839, %add3A_827 : vector<16xi32>
          %gather3A_841 = tpu.vector_load_idx %arg13[%add3A_840, %and3A_8] masked %ge3A_17 : memref<1600x8xf32, #tpu.memory_space<vmem>>[vector<16xi32>, vector<16xi32>], vector<16xf32>, vector<16xi1>
          %gather3A_842 = tpu.vector_load_idx %arg14[%add3A_836] masked %ge3A_17 : memref<80024xf32, #tpu.memory_space<vmem>>[vector<16xi32>], vector<16xf32>, vector<16xi1>
          %max3A_843 = arith.maximumf %gather3A_842, %gather3A_841 : vector<16xf32>
          tpu.vector_store_idx %arg14[%add3A_836], %max3A_843 masked %ge3A_17 : memref<80024xf32, #tpu.memory_space<vmem>>[vector<16xi32>], vector<16xf32>, vector<16xi1>
          %add3A_844 = arith.constant 10 : i32
          %add3A_845 = vector.broadcast %add3A_844 : i32 to vector<16xi32>
          %add3A_846 = arith.addi %convert_element_type3A, %add3A_845 : vector<16xi32>
          %mul3A_847 = arith.constant 16 : i32
          %mul3A_848 = arith.muli %add3A_118, %mul3A_847 : i32
          %add3A_849 = vector.broadcast %mul3A_848 : i32 to vector<16xi32>
          %add3A_850 = arith.addi %add3A_849, %add3A_846 : vector<16xi32>
          %gather3A_851 = tpu.vector_load_idx %arg9[%add3A_850] masked %ge3A_17 : memref<1616xi32, #tpu.memory_space<vmem>>[vector<16xi32>], vector<16xi32>, vector<16xi1>
          %mul3A_852 = arith.constant 10001 : i32
          %mul3A_853 = vector.broadcast %mul3A_852 : i32 to vector<16xi32>
          %mul3A_854 = arith.muli %and3A_8, %mul3A_853 : vector<16xi32>
          %add3A_855 = arith.addi %mul3A_854, %gather3A_851 : vector<16xi32>
          %mul3A_856 = arith.constant 16 : i32
          %mul3A_857 = arith.muli %add3A_118, %mul3A_856 : i32
          %add3A_858 = vector.broadcast %mul3A_857 : i32 to vector<16xi32>
          %add3A_859 = arith.addi %add3A_858, %add3A_846 : vector<16xi32>
          %gather3A_860 = tpu.vector_load_idx %arg13[%add3A_859, %and3A_8] masked %ge3A_17 : memref<1600x8xf32, #tpu.memory_space<vmem>>[vector<16xi32>, vector<16xi32>], vector<16xf32>, vector<16xi1>
          %gather3A_861 = tpu.vector_load_idx %arg14[%add3A_855] masked %ge3A_17 : memref<80024xf32, #tpu.memory_space<vmem>>[vector<16xi32>], vector<16xf32>, vector<16xi1>
          %max3A_862 = arith.maximumf %gather3A_861, %gather3A_860 : vector<16xf32>
          tpu.vector_store_idx %arg14[%add3A_855], %max3A_862 masked %ge3A_17 : memref<80024xf32, #tpu.memory_space<vmem>>[vector<16xi32>], vector<16xf32>, vector<16xi1>
          %add3A_863 = arith.constant 12 : i32
          %add3A_864 = vector.broadcast %add3A_863 : i32 to vector<16xi32>
          %add3A_865 = arith.addi %convert_element_type3A, %add3A_864 : vector<16xi32>
          %mul3A_866 = arith.constant 16 : i32
          %mul3A_867 = arith.muli %add3A_118, %mul3A_866 : i32
          %add3A_868 = vector.broadcast %mul3A_867 : i32 to vector<16xi32>
          %add3A_869 = arith.addi %add3A_868, %add3A_865 : vector<16xi32>
          %gather3A_870 = tpu.vector_load_idx %arg9[%add3A_869] masked %ge3A_17 : memref<1616xi32, #tpu.memory_space<vmem>>[vector<16xi32>], vector<16xi32>, vector<16xi1>
          %mul3A_871 = arith.constant 10001 : i32
          %mul3A_872 = vector.broadcast %mul3A_871 : i32 to vector<16xi32>
          %mul3A_873 = arith.muli %and3A_8, %mul3A_872 : vector<16xi32>
          %add3A_874 = arith.addi %mul3A_873, %gather3A_870 : vector<16xi32>
          %mul3A_875 = arith.constant 16 : i32
          %mul3A_876 = arith.muli %add3A_118, %mul3A_875 : i32
          %add3A_877 = vector.broadcast %mul3A_876 : i32 to vector<16xi32>
          %add3A_878 = arith.addi %add3A_877, %add3A_865 : vector<16xi32>
          %gather3A_879 = tpu.vector_load_idx %arg13[%add3A_878, %and3A_8] masked %ge3A_17 : memref<1600x8xf32, #tpu.memory_space<vmem>>[vector<16xi32>, vector<16xi32>], vector<16xf32>, vector<16xi1>
          %gather3A_880 = tpu.vector_load_idx %arg14[%add3A_874] masked %ge3A_17 : memref<80024xf32, #tpu.memory_space<vmem>>[vector<16xi32>], vector<16xf32>, vector<16xi1>
          %max3A_881 = arith.maximumf %gather3A_880, %gather3A_879 : vector<16xf32>
          tpu.vector_store_idx %arg14[%add3A_874], %max3A_881 masked %ge3A_17 : memref<80024xf32, #tpu.memory_space<vmem>>[vector<16xi32>], vector<16xf32>, vector<16xi1>
          %add3A_882 = arith.constant 14 : i32
          %add3A_883 = vector.broadcast %add3A_882 : i32 to vector<16xi32>
          %add3A_884 = arith.addi %convert_element_type3A, %add3A_883 : vector<16xi32>
          %mul3A_885 = arith.constant 16 : i32
          %mul3A_886 = arith.muli %add3A_118, %mul3A_885 : i32
          %add3A_887 = vector.broadcast %mul3A_886 : i32 to vector<16xi32>
          %add3A_888 = arith.addi %add3A_887, %add3A_884 : vector<16xi32>
          %gather3A_889 = tpu.vector_load_idx %arg9[%add3A_888] masked %ge3A_17 : memref<1616xi32, #tpu.memory_space<vmem>>[vector<16xi32>], vector<16xi32>, vector<16xi1>
          %mul3A_890 = arith.constant 10001 : i32
          %mul3A_891 = vector.broadcast %mul3A_890 : i32 to vector<16xi32>
          %mul3A_892 = arith.muli %and3A_8, %mul3A_891 : vector<16xi32>
          %add3A_893 = arith.addi %mul3A_892, %gather3A_889 : vector<16xi32>
          %mul3A_894 = arith.constant 16 : i32
          %mul3A_895 = arith.muli %add3A_118, %mul3A_894 : i32
          %add3A_896 = vector.broadcast %mul3A_895 : i32 to vector<16xi32>
          %add3A_897 = arith.addi %add3A_896, %add3A_884 : vector<16xi32>
          %gather3A_898 = tpu.vector_load_idx %arg13[%add3A_897, %and3A_8] masked %ge3A_17 : memref<1600x8xf32, #tpu.memory_space<vmem>>[vector<16xi32>, vector<16xi32>], vector<16xf32>, vector<16xi1>
          %gather3A_899 = tpu.vector_load_idx %arg14[%add3A_893] masked %ge3A_17 : memref<80024xf32, #tpu.memory_space<vmem>>[vector<16xi32>], vector<16xf32>, vector<16xi1>
          %max3A_900 = arith.maximumf %gather3A_899, %gather3A_898 : vector<16xf32>
          tpu.vector_store_idx %arg14[%add3A_893], %max3A_900 masked %ge3A_17 : memref<80024xf32, #tpu.memory_space<vmem>>[vector<16xi32>], vector<16xf32>, vector<16xi1>
        } else {
        }
      }
      %scan3A_106 = arith.constant 50 : i32
      %add3A_107 = arith.constant 2 : i32
      %add3A_108 = arith.addi %add3A_90, %add3A_107 : i32
      %lt3A_109 = arith.constant 100 : i32
      %lt3A_110 = arith.cmpi slt, %add3A_108, %lt3A_109 : i32
      %convert_element_type3A_111 = arith.extui %lt3A_110 : i1 to i32
      %cond3A_112 = arith.constant 0 : i32
      %cond3A_113 = arith.cmpi ne, %convert_element_type3A_111, %cond3A_112 : i32
      scf.if %cond3A_113 {
        %add3A_114 = arith.constant 2 : i32
        %add3A_115 = arith.addi %add3A_90, %add3A_114 : i32
        %mul3A_116 = arith.constant 1600 : i32
        %mul3A_117 = arith.muli %add3A_115, %mul3A_116 : i32
        %add3A_118 = arith.addi %mul3A_0, %mul3A_117 : i32
        %dma_start3A_119 = arith.constant 0 : i32
        %dma_start3A_120 = tpu.memref_slice %arg9[%dma_start3A_119] : memref<1616xi32, #tpu.memory_space<vmem>> -> memref<1600xi32, #tpu.memory_space<vmem>>
        %dma_start3A_121 = tpu.memref_slice %arg3[%add3A_118] : memref<320000xi32, #tpu.memory_space<hbm>> -> memref<1600xi32, #tpu.memory_space<hbm>>
        %dma_start3A_122 = arith.constant 0 : i32
        %dma_start3A_123 = tpu.memref_slice %arg9[%dma_start3A_122] : memref<1616xi32, #tpu.memory_space<vmem>> -> memref<1600xi32, #tpu.memory_space<vmem>>
        %dma_start3A_124 = tpu.memref_slice %arg3[%add3A_118] : memref<320000xi32, #tpu.memory_space<hbm>> -> memref<1600xi32, #tpu.memory_space<hbm>>
        tpu.enqueue_dma source(%dma_start3A_124 : memref<1600xi32, #tpu.memory_space<hbm>>) target(%dma_start3A_123 : memref<1600xi32, #tpu.memory_space<vmem>>) target_semaphore(%arg18 : memref<!tpu.dma_semaphore, #tpu.memory_space<semaphore_mem>>)
        %dma_start3A_125 = tpu.memref_slice %arg4[%add3A_118] : memref<320000xi32, #tpu.memory_space<hbm>> -> memref<1600xi32, #tpu.memory_space<hbm>>
        %dma_start3A_126 = tpu.memref_slice %arg4[%add3A_118] : memref<320000xi32, #tpu.memory_space<hbm>> -> memref<1600xi32, #tpu.memory_space<hbm>>
        tpu.enqueue_dma source(%dma_start3A_126 : memref<1600xi32, #tpu.memory_space<hbm>>) target(%arg7 : memref<1600xi32, #tpu.memory_space<vmem>>) target_semaphore(%arg18 : memref<!tpu.dma_semaphore, #tpu.memory_space<semaphore_mem>>)
      } else {
      }
    }
    %scan3A_59 = arith.constant 50 : i32
    "tpu.region"() ({
      %run_scoped3A = tpu.sem_alloc : memref<!tpu.dma_semaphore, #tpu.memory_space<semaphore_mem>>
      %dma_start3A_60 = arith.constant 0 : i32
      %dma_start3A_61 = tpu.memref_slice %arg14[%dma_start3A_60] : memref<80024xf32, #tpu.memory_space<vmem>> -> memref<80008xf32, #tpu.memory_space<vmem>>
      %dma_start3A_62 = arith.constant 0 : i32
      %dma_start3A_63 = tpu.memref_slice %arg5[%arg0, %arg1, %dma_start3A_62] : memref<2x16x80008xf32, #tpu.memory_space<hbm>> -> memref<1x1x80008xf32, #tpu.memory_space<hbm>>
      %dma_start3A_64 = tpu.memref_squeeze %dma_start3A_63 : memref<1x1x80008xf32, #tpu.memory_space<hbm>> -> memref<80008xf32, #tpu.memory_space<hbm>>
      %dma_start3A_65 = arith.constant 0 : i32
      %dma_start3A_66 = tpu.memref_slice %arg5[%arg0, %arg1, %dma_start3A_65] : memref<2x16x80008xf32, #tpu.memory_space<hbm>> -> memref<1x1x80008xf32, #tpu.memory_space<hbm>>
      %dma_start3A_67 = tpu.memref_squeeze %dma_start3A_66 : memref<1x1x80008xf32, #tpu.memory_space<hbm>> -> memref<80008xf32, #tpu.memory_space<hbm>>
      %dma_start3A_68 = arith.constant 0 : i32
      %dma_start3A_69 = tpu.memref_slice %arg14[%dma_start3A_68] : memref<80024xf32, #tpu.memory_space<vmem>> -> memref<80008xf32, #tpu.memory_space<vmem>>
      tpu.enqueue_dma source(%dma_start3A_69 : memref<80008xf32, #tpu.memory_space<vmem>>) target(%dma_start3A_67 : memref<80008xf32, #tpu.memory_space<hbm>>) target_semaphore(%run_scoped3A : memref<!tpu.dma_semaphore, #tpu.memory_space<semaphore_mem>>)
      %dma_wait3A_70 = arith.constant 0 : i32
      %dma_wait3A_71 = tpu.memref_slice %arg14[%dma_wait3A_70] : memref<80024xf32, #tpu.memory_space<vmem>> -> memref<80008xf32, #tpu.memory_space<vmem>>
      %dma_wait3A_72 = arith.constant 0 : i32
      %dma_wait3A_73 = tpu.memref_slice %arg5[%arg0, %arg1, %dma_wait3A_72] : memref<2x16x80008xf32, #tpu.memory_space<hbm>> -> memref<1x1x80008xf32, #tpu.memory_space<hbm>>
      %dma_wait3A_74 = tpu.memref_squeeze %dma_wait3A_73 : memref<1x1x80008xf32, #tpu.memory_space<hbm>> -> memref<80008xf32, #tpu.memory_space<hbm>>
      %dma_wait3A_75 = arith.constant 0 : i32
      %dma_wait3A_76 = tpu.memref_slice %arg5[%arg0, %arg1, %dma_wait3A_75] : memref<2x16x80008xf32, #tpu.memory_space<hbm>> -> memref<1x1x80008xf32, #tpu.memory_space<hbm>>
      %dma_wait3A_77 = tpu.memref_squeeze %dma_wait3A_76 : memref<1x1x80008xf32, #tpu.memory_space<hbm>> -> memref<80008xf32, #tpu.memory_space<hbm>>
      %dma_wait3A_78 = arith.constant 0 : i32
      %dma_wait3A_79 = tpu.memref_slice %arg14[%dma_wait3A_78] : memref<80024xf32, #tpu.memory_space<vmem>> -> memref<80008xf32, #tpu.memory_space<vmem>>
      tpu.wait_dma2 semaphore(%run_scoped3A : memref<!tpu.dma_semaphore, #tpu.memory_space<semaphore_mem>>) src(%dma_wait3A_79 : memref<80008xf32, #tpu.memory_space<vmem>>) dst(%dma_wait3A_77 : memref<80008xf32, #tpu.memory_space<hbm>>)
      tpu.yield
    }) : () -> ()
    return
  }
}

module attributes {stable_mosaic.version = 14 : i64} {
  func.func @_mm_h_body(%arg0: i32, %arg1: memref<1000x128xf32, #tpu.memory_space<vmem>>, %arg2: memref<128x128xf32, #tpu.memory_space<vmem>>, %arg3: memref<128xf32, #tpu.memory_space<vmem>>, %arg4: memref<1000x128xf32, #tpu.memory_space<vmem>>) attributes {dimension_semantics = [#tpu.dimension_semantics<arbitrary>], iteration_bounds = array<i64: 10>, scalar_prefetch = 0 : i64, scratch_operands = 0 : i64, tpu.core_type = #tpu.core_type<tc>, window_params = [{transform_indices = @transform_0, window_bounds = array<i64: 1000, 128>}, {pipeline_mode = #tpu.pipeline_mode<synchronous>, transform_indices = @transform_1, window_bounds = array<i64: 128, 128>}, {pipeline_mode = #tpu.pipeline_mode<synchronous>, transform_indices = @transform_2, window_bounds = array<i64: 128>}, {transform_indices = @transform_3, window_bounds = array<i64: 1000, 128>}]} {
    %get3A = arith.constant 0 : index
    %get3A_0 = arith.constant 0 : index
    %get3A_1 = vector.load %arg1[%get3A, %get3A_0] : memref<1000x128xf32, #tpu.memory_space<vmem>>, vector<1000x128xf32>
    %get3A_2 = arith.constant 0 : index
    %get3A_3 = arith.constant 0 : index
    %get3A_4 = vector.load %arg2[%get3A_2, %get3A_3] : memref<128x128xf32, #tpu.memory_space<vmem>>, vector<128x128xf32>
    %transpose3A = tpu.transpose %get3A_4, [1, 0] : vector<128x128xf32> -> vector<128x128xf32>
    %dot_general3A = arith.constant dense<0.000000e+00> : vector<1000x128xf32>
    %dot_general3A_5 = tpu.matmul %get3A_1, %transpose3A, %dot_general3A {dimension_numbers = #tpu.dot_dimension_numbers<[1], [0], [0], [1], [0, 0, 1, 1], [], []>, transpose_lhs_hint = false} : vector<1000x128xf32>, vector<128x128xf32>, vector<1000x128xf32> -> vector<1000x128xf32>
    %get3A_6 = arith.constant 0 : index
    %get3A_7 = vector.load %arg3[%get3A_6] : memref<128xf32, #tpu.memory_space<vmem>>, vector<128xf32>
    %broadcast_in_dim3A = vector.shape_cast %get3A_7 : vector<128xf32> to vector<1x128xf32>
    %add3A = vector.broadcast %broadcast_in_dim3A : vector<1x128xf32> to vector<1000x128xf32>
    %add3A_8 = arith.addf %dot_general3A_5, %add3A : vector<1000x128xf32>
    %max3A = arith.constant 0.000000e+00 : f32
    %max3A_9 = vector.broadcast %max3A : f32 to vector<1000x128xf32>
    %max3A_10 = arith.maximumf %add3A_8, %max3A_9 : vector<1000x128xf32>
    %swap3A = arith.constant 0 : index
    %swap3A_11 = arith.constant 0 : index
    %swap3A_12 = vector.load %arg4[%swap3A, %swap3A_11] : memref<1000x128xf32, #tpu.memory_space<vmem>>, vector<1000x128xf32>
    tpu.vector_store %arg4[%swap3A, %swap3A_11], %max3A_10 {strides = array<i32>} : memref<1000x128xf32, #tpu.memory_space<vmem>>, vector<1000x128xf32>,
    return
  }
  func.func @transform_0(%arg0: i32) -> (i32, i32) {
    %c0_i32 = arith.constant 0 : i32
    %c0_i32_0 = arith.constant 0 : i32
    return %arg0, %c0_i32 : i32, i32
  }
  func.func @transform_1(%arg0: i32) -> (i32, i32) {
    %c0_i32 = arith.constant 0 : i32
    %c0_i32_0 = arith.constant 0 : i32
    %c0_i32_1 = arith.constant 0 : i32
    return %c0_i32, %c0_i32_0 : i32, i32
  }
  func.func @transform_2(%arg0: i32) -> i32 {
    %c0_i32 = arith.constant 0 : i32
    %c0_i32_0 = arith.constant 0 : i32
    return %c0_i32 : i32
  }
  func.func @transform_3(%arg0: i32) -> (i32, i32) {
    %c0_i32 = arith.constant 0 : i32
    %c0_i32_0 = arith.constant 0 : i32
    return %arg0, %c0_i32 : i32, i32
  }
}

module attributes {stable_mosaic.version = 14 : i64} {
  func.func @_final_body(%arg0: memref<10000x128xf32, #tpu.memory_space<vmem>>, %arg1: memref<2x128x10000xf32, #tpu.memory_space<vmem>>, %arg2: memref<256x128xf32, #tpu.memory_space<vmem>>, %arg3: memref<10000x128xf32, #tpu.memory_space<vmem>>) attributes {dimension_semantics = [], scalar_prefetch = 0 : i64, scratch_operands = 0 : i64, tpu.core_type = #tpu.core_type<tc>} {
    %get3A = arith.constant 0 : index
    %get3A_0 = arith.constant 0 : index
    %get3A_1 = arith.constant 0 : index
    %get3A_2 = vector.load %arg1[%get3A, %get3A_0, %get3A_1] : memref<2x128x10000xf32, #tpu.memory_space<vmem>>, vector<1x128x10000xf32>
    %get3A_3 = vector.shape_cast %get3A_2 : vector<1x128x10000xf32> to vector<128x10000xf32>
    %get3A_4 = arith.constant 1 : index
    %get3A_5 = arith.constant 0 : index
    %get3A_6 = arith.constant 0 : index
    %get3A_7 = vector.load %arg1[%get3A_4, %get3A_5, %get3A_6] : memref<2x128x10000xf32, #tpu.memory_space<vmem>>, vector<1x128x10000xf32>
    %get3A_8 = vector.shape_cast %get3A_7 : vector<1x128x10000xf32> to vector<128x10000xf32>
    %max3A = arith.maximumf %get3A_3, %get3A_8 : vector<128x10000xf32>
    %get3A_9 = arith.constant 0 : index
    %get3A_10 = arith.constant 0 : index
    %get3A_11 = vector.load %arg0[%get3A_9, %get3A_10] : memref<10000x128xf32, #tpu.memory_space<vmem>>, vector<10000x128xf32>
    %get3A_12 = arith.constant 0 : index
    %get3A_13 = arith.constant 0 : index
    %get3A_14 = vector.load %arg2[%get3A_12, %get3A_13] : memref<256x128xf32, #tpu.memory_space<vmem>>, vector<128x128xf32>
    %dot_general3A = arith.constant dense<0.000000e+00> : vector<10000x128xf32>
    %dot_general3A_15 = tpu.matmul %get3A_11, %get3A_14, %dot_general3A {dimension_numbers = #tpu.dot_dimension_numbers<[1], [0], [0], [1], [0, 0, 1, 1], [], []>, transpose_lhs_hint = false} : vector<10000x128xf32>, vector<128x128xf32>, vector<10000x128xf32> -> vector<10000x128xf32>
    %get3A_16 = arith.constant 128 : index
    %get3A_17 = arith.constant 0 : index
    %get3A_18 = vector.load %arg2[%get3A_16, %get3A_17] : memref<256x128xf32, #tpu.memory_space<vmem>>, vector<128x128xf32>
    %dot_general3A_19 = arith.constant dense<0.000000e+00> : vector<10000x128xf32>
    %dot_general3A_20 = tpu.matmul %max3A, %get3A_18, %dot_general3A_19 {dimension_numbers = #tpu.dot_dimension_numbers<[0], [0], [1], [1], [0, 1, 1, 1], [], []>, transpose_lhs_hint = false} : vector<128x10000xf32>, vector<128x128xf32>, vector<10000x128xf32> -> vector<10000x128xf32>
    %add3A = arith.addf %dot_general3A_15, %dot_general3A_20 : vector<10000x128xf32>
    %swap3A = arith.constant 0 : index
    %swap3A_21 = arith.constant 0 : index
    %swap3A_22 = vector.load %arg3[%swap3A, %swap3A_21] : memref<10000x128xf32, #tpu.memory_space<vmem>>, vector<10000x128xf32>
    tpu.vector_store %arg3[%swap3A, %swap3A_21], %add3A {strides = array<i32>} : memref<10000x128xf32, #tpu.memory_space<vmem>>, vector<10000x128xf32>,
    return
  }
}

</mosaic_0001>

<sc_bundles>
// kernel: _run.5.cloned.1.call-start
scs
__scs_entry_jumppad:
0x0: {  	(pc) =	sbr.rel $0x88, $3  }
0x1: {  	(tag) =	ssettag $0x0;
	lr =	simm.s32 $0x1  }
0x2: {  	[smem:$0x3F9C] =	sst lr;
	_ =	strace $0xD0000000  }
0x3: {  	_ = 	snop  }
0x4: {  	_ = 	snop  }
0x5: {  	_ = 	snop  }
0x6: {  	_ = 	snop  }
0x7: {  	_ = 	snop  }
__scs_overlays_trampoline_lowered:
0x8: {  	[smem:$0x3FAB] =	sst s0  }
0x9: {  	[smem:$0x3FAC] =	sst s1  }
0xa: {  	[smem:$0x3FAD] =	sst s2  }
0xb: {  	[smem:$0x3FAE] =	sst s3  }
0xc: {  	[smem:$0x3FAF] =	sst s4  }
0xd: {  	[smem:$0x3FB0] =	sst s5  }
0xe: {  	[smem:$0x3FB1] =	sst s6  }
0xf: {  	[smem:$0x3FB2] =	sst s7  }
0x10: {  	[smem:$0x3FB3] =	sst s8  }
0x11: {  	[smem:$0x3FB4] =	sst s9;
	s0 =	simm.s32 @!p0 $0x0  }
0x12: {  	s1 =	sld [smem:$0x3F9A];
	s0 =	simm.s32 @p0 $0x1  }
0x13: {  	[smem:$0x3FB5] =	sst s0;
	s0 =	simm.s32 @!p1 $0x0  }
0x14: {  	s2 =	sld [smem:$0x3F99];
	s0 =	simm.s32 @p1 $0x1  }
0x15: {  	[smem:$0x3FB6] =	sst s0;
	s0 =	simm.s32 @!p2 $0x0  }
0x16: {  	s3 =	sld [smem:$0x3FDB];
	s0 =	simm.s32 @p2 $0x1  }
0x17: {  	s4 =	simm.s32 $0x1BF5;
	[smem:$0x3FB8] =	sst s0  }
0x18: {  	s0 =	sld [smem:$0x3F9B];
	_ =	swait.ge [sflag:s4], $0x0  }
0x19: {  	s7 =	sld [smem:$0x3F9C]  }
0x1a: {  	s8 =	sadd.s32 $0xFFFFE003, lr  }
0x1b: {  	s9 =	sadd.s32 $0xFFFFFEF7, lr;
	s5 =	simm.s32 $0xFFFFFFFF;
	p2 =	slt.u32 s8, $0xFFFFF086  }
0x1c: {  	p1 =	slt.u32 s9, $0xF7A;
	s5 =	simm.s32 @!p2 $0x0  }
0x1d: {  	s5 =	simm.s32 @p1 $0x1;
	p0 =	seq.s32 s7, s2  }
0x1e: {  	s7 =	smul.u32 @!p0 $0xF7A, s2;
	p2 =	seq.s32 @!p0 s5, $0x0  }
0x1f: {  	s9 =	smul.u32 $0xF7A, s1;
	s8 =	simm.s32 @!p0 $0x1BF5;
	p2 =	por !p2, p0  }
0x20: {  	[sflag:s8] =	ssyncset.s32 @!p0 $0xFFFFF086;
	s6 =	sadd.s32 @!p0 s3, s7;
	s7 =	simm.s32 @!p0 $0x108  }
0x21: {  	s3 =	sadd.s32 s3, s9;
	s6 =	sadd.s32 @!p0 $0x88, s6;
	s7 =	simm.s32 @p2 $0x1082  }
0x22: {  	[simem:s7], [sflag:s8] =	dma.local @!p0 [hbm:s6], $0xF7A  }
0x23: {  	s9 =	sor.u32 $0xD0000000, s2;
	s6 =	simm.s32 $0x108;
	_ =	swait.ge @!p0 [sflag:s8], $0x0  }
0x24: {  	s3 =	sadd.s32 $0x88, s3;
	s6 =	simm.s32 @!p1 $0x1082;
	[sflag:s4] =	ssyncset.s32 $0xFFFFF086  }
0x25: {  	[simem:s6], [sflag:s4] =	dma.local [hbm:s3], $0xF7A  }
0x26: {  	[smem:$0x3F9C] =	sst s1;
	(tag) =	ssettag s2;
	_ =	strace s9  }
0x27: {  	s1 =	sld [smem:$0x3FAC]  }
0x28: {  	s2 =	sld [smem:$0x3FAD]  }
0x29: {  	s4 =	sld [smem:$0x3FAF]  }
0x2a: {  	p0 =	seq.s32 s5, $0x0;
	s5 =	sld [smem:$0x3FB0]  }
0x2b: {  	s6 =	sld [smem:$0x3FB1]  }
0x2c: {  	s7 =	sld [smem:$0x3FB2]  }
0x2d: {  	s3 =	simm.s32 $0x108;
	s8 =	sld [smem:$0x3FB3]  }
0x2e: {  	s3 =	simm.s32 @!p0 $0x1082;
	s9 =	sld [smem:$0x3FB4]  }
0x2f: {  	lr =	sadd.s32 s0, s3;
	s0 =	sld [smem:$0x3FAB]  }
0x30: {  	s3 =	sld [smem:$0x3FAE]  }
0x31: {  	[smem:$0x3FB7] =	sst s10  }
0x32: {  	s10 =	sld [smem:$0x3FB5];
	_ =	sdelay $0x3  }
0x33: {  	p0 =	seq.s32 s10, $0x1;
	s10 =	sld [smem:$0x3FB7];
	_ =	sdelay $0x3  }
0x34: {  	[smem:$0x3FB7] =	sst s10  }
0x35: {  	s10 =	sld [smem:$0x3FB6];
	_ =	sdelay $0x3  }
0x36: {  	p1 =	seq.s32 s10, $0x1;
	s10 =	sld [smem:$0x3FB7];
	_ =	sdelay $0x3  }
0x37: {  	[smem:$0x3FB7] =	sst s10  }
0x38: {  	s10 =	sld [smem:$0x3FB8]  }
0x39: {  	_ = 	snop;
	(pc) =	sbr.ind lr, $3  }
0x3a: {  	_ = 	snop  }
0x3b: {  	_ = 	snop  }
0x3c: {  	p2 =	seq.s32 s10, $0x1;
	s10 =	sld [smem:$0x3FB7]  }
0x3d: {  	_ =	shalt  }
0x3e: {  	_ =	shalt  }
0x3f: {  	_ =	shalt  }
0x40: {  	_ =	shalt  }
0x41: {  	_ =	shalt  }
0x42: {  	_ =	shalt  }
0x43: {  	_ =	shalt  }
0x44: {  	_ =	shalt  }
0x45: {  	_ =	shalt  }
0x46: {  	_ =	shalt  }
0x47: {  	_ =	shalt  }
0x48: {  	_ =	shalt  }
0x49: {  	_ =	shalt  }
0x4a: {  	_ =	shalt  }
0x4b: {  	_ =	shalt  }
0x4c: {  	_ =	shalt  }
0x4d: {  	_ =	shalt  }
0x4e: {  	_ =	shalt  }
0x4f: {  	_ =	shalt  }
0x50: {  	_ =	shalt  }
0x51: {  	_ =	shalt  }
0x52: {  	_ =	shalt  }
0x53: {  	_ =	shalt  }
0x54: {  	_ =	shalt  }
0x55: {  	_ =	shalt  }
0x56: {  	_ =	shalt  }
0x57: {  	_ =	shalt  }
0x58: {  	_ =	shalt  }
0x59: {  	_ =	shalt  }
0x5a: {  	_ =	shalt  }
0x5b: {  	_ =	shalt  }
0x5c: {  	_ =	shalt  }
0x5d: {  	_ =	shalt  }
0x5e: {  	_ =	shalt  }
0x5f: {  	_ =	shalt  }
0x60: {  	_ =	shalt  }
0x61: {  	_ =	shalt  }
0x62: {  	_ =	shalt  }
0x63: {  	_ =	shalt  }
0x64: {  	_ =	shalt  }
0x65: {  	_ =	shalt  }
0x66: {  	_ =	shalt  }
0x67: {  	_ =	shalt  }
0x68: {  	_ =	shalt  }
0x69: {  	_ =	shalt  }
0x6a: {  	_ =	shalt  }
0x6b: {  	_ =	shalt  }
0x6c: {  	_ =	shalt  }
0x6d: {  	_ =	shalt  }
0x6e: {  	_ =	shalt  }
0x6f: {  	_ =	shalt  }
0x70: {  	_ =	shalt  }
0x71: {  	_ =	shalt  }
0x72: {  	_ =	shalt  }
0x73: {  	_ =	shalt  }
0x74: {  	_ =	shalt  }
0x75: {  	_ =	shalt  }
0x76: {  	_ =	shalt  }
0x77: {  	_ =	shalt  }
0x78: {  	_ =	shalt  }
0x79: {  	_ =	shalt  }
0x7a: {  	_ =	shalt  }
0x7b: {  	_ =	shalt  }
0x7c: {  	_ =	shalt  }
0x7d: {  	_ =	shalt  }
0x7e: {  	_ =	shalt  }
0x7f: {  	_ =	shalt  }
0x80: {  	_ =	shalt  }
0x81: {  	_ =	shalt  }
0x82: {  	_ =	shalt  }
0x83: {  	_ =	shalt  }
0x84: {  	_ =	shalt  }
0x85: {  	_ =	shalt  }
0x86: {  	_ =	shalt  }
0x87: {  	_ =	shalt  }
.Lfunc_end0:
.L_simem_size_0:
called_computation_lowered:
.L_overlay_start_0:
0x88: {  	s2 =	sld [smem:$0x3FD9]  }
0x89: {  	s3 =	sld [smem:$0x3FFE];
	_ =	sdelay $0x1  }
0x8a: {  	s1 =	srdreg.scid  }
0x8b: {  	s0 =	sand.u32 $0x1, s1  }
0x8c: {  	s17 =	sshll.u32 s0, $0xA;
	s2 =	sadd.s32 s3, s2  }
0x8d: {  	s2 =	sadd.s32 s2, s17  }
0x8e: {  	[smem:$0x3FC3] =	sst s2  }
0x8f: {  	_ = 	snop  }
0x90: {  	s2 =	sld [smem:$0x3FD0];
	(tm) =	ssettm $0x1  }
0x91: {  	s18 =	sld [smem:$0x3FFB];
	_ =	sdelay $0x3  }
0x92: {  	_ =	strace s18  }
0x93: {  	s3 =	sld [smem:$0x3FFC];
	_ =	sdelay $0x3  }
0x94: {  	_ =	strace s3  }
0x95: {  	s3 =	sld [smem:$0x3FFD];
	_ =	sdelay $0x3  }
0x96: {  	_ =	strace s3  }
0x97: {  	_ =	strace $0x8FFFFFFF  }
0x98: {  	s19 =	sld [smem:$0x3FDB];
	_ =	sdelay $0x1  }
0x99: {  	s4 =	simm.s32 $_scs_section_size  }
0x9a: {  	s5 =	simm.s32 $_size__tile_overlayer_lowered;
	s6 =	simm.s32 $_tile_overlayer_lowered  }
0x9b: {  	s22 =	simm.s32 $0x1BFF;
	s21 =	sshll.u32 s6, $0x1;
	s3 =	sadd.s32 s4, s19  }
0x9c: {  	s7 =	simm.s32 $0x0;
	s20 =	sshll.u32 s5, $0x1;
	s5 =	sadd.s32 s21, s3  }
0x9d: {  	[timem:s7], [sflag:s22] =	dma.local [hbm:s5], s20  }
0x9e: {  	_ =	swait.ge [sflag:s22], s20  }
0x9f: {  	s4 =	ssub.s32 $0x0, s20;
	[sflag:s22] =	ssyncset.done $0x0  }
0xa0: {  	[sflag:s22] =	ssyncadd.s32 s4;
	_ =	sdelay $0x1  }
0xa1: {  	s23 =	simm.s32 $0x1B8B  }
0xa2: {  	_ =	swait.ge [sflag:s23], $0x1  }
0xa3: {  	[sflag:s23] =	ssyncset.done $0x0  }
0xa4: {  	s25 =	simm.s32 $0x1B8E;
	s24 =	sld [smem:$0x3FFE];
	[sflag:s23] =	ssyncadd.s32 $0xFFFFFFFF  }
0xa5: {  	s26 =	simm.s32 $execute0_lowered;
	[smem:$0x3FD2] =	sst s25  }
0xa6: {  	s5 =	sshll.u32 s26, $0x1;
	_ =	strace $0x80000046;
	[dreg:$0x1] =	wrdreg $0xFFFFFFFF  }
0xa7: {  	s28 =	simm.s32 $_size_execute0_lowered;
	s3 =	sadd.s32 s3, s5;
	[dreg:$0x0] =	wrdreg $0x0  }
0xa8: {  	s5 =	sshll.u32 s28, $0x1;
	[dreg:$0x2] =	wrdreg s3  }
0xa9: {  	[dreg:$0x3] =	wrdreg s5  }
0xaa: {  	[dreg:$0x4] =	wrdreg $0xC0  }
0xab: {  	_ =	task [dreg:s7], $0x5FFFF  }
0xac: {  	[dreg:$0x1] =	wrdreg $0xFFFFFFFF  }
0xad: {  	[dreg:$0x0] =	wrdreg $0x60  }
0xae: {  	[dreg:$0x2] =	wrdreg s2  }
0xaf: {  	[dreg:$0x3] =	wrdreg s24  }
0xb0: {  	[dreg:$0x4] =	wrdreg $0x9  }
0xb1: {  	_ =	task.clear_ibuf [dreg:s7], $0x5FFFF;
	_ =	strace $0x90000046  }
0xb2: {  	s29 =	simm.s32 $0x9;
	_ =	strace $0x80000048  }
0xb3: {  	_ =	swait.ge [sflag:s29], $0x1  }
0xb4: {  	[sflag:s29] =	ssyncadd.s32 $0xFFFFFFFF  }
0xb5: {  	_ =	strace $0x90000048  }
0xb6: {  	_ =	sfence  }
0xb7: {  	s30 =	sld [smem:$0x0];
	_ =	sdelay $0x2  }
0xb8: {  	s31 =	sshll.u32 s1, $0xD;
	s1 =	sshrl.u32 s1, $0x2  }
0xb9: {  	s3 =	sand.u32 $0x4000, s31;
	s1 =	sadd.s32 s1, s30  }
0xba: {  	s0 =	sor.u32 s3, s0;
	s1 =	sshll.u32 s1, $0x11  }
0xbb: {  	s0 =	sor.u32 s1, s0  }
0xbc: {  	s0 =	sadd.s32 $0x8F2B, s0  }
0xbd: {  	[sflag:s0] =	ssyncadd.remote.s32 $0x1  }
0xbe: {  	_ =	sfence.sel $0xFFFF  }
0xbf: {  	[dreg:$0x0] =	wrdreg $0xFFFFFFFF;
	(pc) =	sbr.abs _section_cstart, $3  }
0xc0: {  	[dreg:$0x1] =	wrdreg $0xFFFFFFFF  }
0xc1: {  	_ =	task.clear_ibuf [dreg:s7], $0x2FFFF;
	_ =	strace $0x9FFFFFFF  }
0xc2: {  	(tm) =	ssettm $0x7FFFFFFF  }
0xc3: {  	_ =	shalt  }
tec
execute0_lowered:
.L_overlay_start_1:
0x0: {  	(tag) =	ssettag $0x1  }
0x1: {  	s1 =	rddreg [dreg:$0x0]  }
0x2: {  	s6 =	rddreg [dreg:$0x1]  }
0x3: {  	s2 =	srdreg.scid;
	s3 =	simm.s32 $0x0;
	s14 =	simm.s32 $0xC80  }
0x4: {  	s15 =	simm.s32 $0x3;
	s16 =	simm.s32 $0x640;
	s17 =	simm.s32 $0x1920  }
0x5: {  	s18 =	simm.s32 $0x25A0;
	s19 =	simm.s32 $0x12D0;
	s20 =	simm.s32 $0x4  }
0x6: {  	s21 =	simm.s32 $0x1F60;
	s22 =	simm.s32 $0x57A0;
	s23 =	simm.s32 $0x1  }
0x7: {  	s24 =	simm.s32 $0x89A0;
	s25 =	simm.s32 $0x2;
	s7 =	sand.u32 $0x1, s2  }
0x8: {  	s26 =	simm.s32 $0x5;
	s2 =	stileid.u32;
	s5 =	smul.u32 $0x138880, s7  }
0x9: {  	v4 =	vlaneseq.u32;
	v1 =	vimm.f32 $0.0e+00;
	s28 =	simm.s32 $0x0;
	[smem:$0x7FF] =	sst s3;
	s8 =	smul.u32 $0x13888, s2  }
0xa: {  	vm0 =	vcmask $0x3F20;
	s4 =	sadd.s32 $0xA400, s6;
	v2 =	vshrl.u32 v4, $0x3;
	v3 =	vand.u32 $0x7, v4;
	s11 =	smul.u32 $0x27100, s7;
	s7 =	ssub.s32 $0x2, s7  }
0xb: {  	v4 =	vmul.u32 $0x8, v4;
	_ =	strace $0x80000047;
	v0 =	vmov s2;
	v5 =	vmul.u32 $0x2711, v3;
	s30 =	sshrl.u32 s7, $0x1;
	s8 =	sadd.s32 s8, s5  }
.Ltmp0:
0xc: {  	v6 =	vor.u32 $0x2, v2;
	v7 =	vor.u32 $0x4, v2;
	v8 =	vor.u32 $0x6, v2;
	s5 =	sadd.s32 $0x600, s6;
	s31 =	sshrl.u32 s11, $0x3;
	(pc) =	sbr.rel .LBB2_1-.Ltmp0, $4  }
0xd: {  	v9 =	vor.u32 $0x8, v2;
	v10 =	vor.u32 $0xFFFFFFE8, v2;
	v11 =	vor.u32 $0xA, v2;
	s13 =	ssub.s32 s7, s30;
	s10 =	sadd.s32 $0xC80, s11;
	s11 =	sadd.s32 $0x12C0, s11  }
0xe: {  	v12 =	vor.u32 $0xFFFFFFEA, v2;
	v13 =	vor.u32 $0xC, v2;
	v14 =	vor.u32 $0xFFFFFFEC, v2;
	s8 =	sshrl.u32 s8, $0x3;
	s9 =	sadd.s32 $0xC8, s31;
	s7 =	sadd.s32 s5, s31  }
0xf: {  	v15 =	vor.u32 $0xE, v2;
	v16 =	vor.u32 $0xFFFFFFEE, v2;
	v17 =	vor.u32 $0xFFFFFFF8, v2;
	s13 =	smax.u32 s13, $0x1;
	s12 =	sadd.s32 s8, s6;
	s6 =	sadd.s32 s4, s31  }
0x10: {  	v18 =	vor.u32 $0xFFFFFFFA, v2;
	v19 =	vor.u32 $0xFFFFFFFC, v2;
	v20 =	vor.u32 $0xFFFFFFFE, v2;
	s8 =	sadd.s32 s4, s9;
	s9 =	sadd.s32 s5, s9;
	s12 =	sadd.s32 $0x14200, s12  }
.LBB2_22:
0x11: {  	s28 =	sadd.s32 $0x1, s28  }
0x12: {  	p0 =	sne.s32 s28, s13  }
.Ltmp1:
0x13: {  	_ = 	snop;
	(pc) =	sbr.rel @!p0 .LBB2_23-.Ltmp1, $4  }
0x14: {  	[hbm4b:s12+s3] =	stream.linear.scatter [tilespmem:s24], [sflag:$0x5], $0x13888, $0x38;
	[tilespmem:$0x1C238] =	vst v63  }
0x15: {  	_ =	swait.ge [sflag:s26], $0x13888  }
0x16: {  	[sflag:s26] =	ssyncset.done $0x0  }
0x17: {  	[sflag:s26] =	ssyncadd.s32 $0xFFFEC778  }
.LBB2_1:
0x18: {  	s29 =	simm.s32 $0x40;
	s30 =	simm.s32 $0x0  }
.LBB2_2:
0x19: {  	p0 =	sne.s32 s29, $0x4E200;
	[tilespmem:s30+$0x89A0] =	vst v1;
	s30 =	smov.u32 s29;
	s29 =	sadd.s32 $0x40, s29  }
.Ltmp2:
0x1a: {  	(pc) =	sbr.rel @p0 .LBB2_2-.Ltmp2, $2  }
0x1b: {  	_ =	sdelay $0x2  }
0x1c: {  	s30 =	sshra.s32 s30, $0x2  }
0x1d: {  	[tilespmem:s30+$0x89A0] =	vst v1;
	s29 =	simm.s32 $0x0  }
0x1e: {  	[tilespmem:s14], [sflag:$0x3] =	stream.linear.gather [hbm4b:s6+s29], $0x640, $0x38;
	[tilespmem:$0x1C238] =	vst v63  }
0x1f: {  	_ = 	snop  }
0x20: {  	[tilespmem:s29], [sflag:$0x3] =	stream.linear.gather [hbm4b:s7+s29], $0x640, $0x38;
	[tilespmem:$0x1C238] =	vst v63  }
0x21: {  	_ =	swait.ge [sflag:s15], $0x640  }
0x22: {  	[sflag:s15] =	ssyncset.done $0x0  }
0x23: {  	[sflag:s15] =	ssyncadd.s32 $0xFFFFF9C0  }
0x24: {  	_ =	swait.ge [sflag:s15], $0x640  }
0x25: {  	[sflag:s15] =	ssyncset.done $0x0  }
0x26: {  	s29 =	simm.s32 $0x0;
	[sflag:s15] =	ssyncadd.s32 $0xFFFFF9C0  }
0x27: {  	v21 =	vld [tilespmem:s29+$0x0]  }
0x28: {  	s30 =	simm.s32 $0x40  }
.LBB2_4:
0x29: {  	p0 =	sne.s32 s30, $0x18C0  }
.Ltmp3:
0x2a: {  	_ = 	snop;
	(pc) =	sbr.rel @p0 .LBB2_4-.Ltmp3, $4  }
0x2b: {  	_ = 	snop  }
0x2c: {  	s31 =	sshra.s32 s30, $0x2;
	s30 =	sadd.s32 $0x40, s30;
	v22 =	vshll.u32 v21, $0x4  }
0x2d: {  	v21 =	vld [tilespmem:s31+$0x0];
	v22 =	vor.u32 v0, v22  }
0x2e: {  	[tilespmem:s29+$0x1920] =	vst v22;
	s29 =	smov.u32 s31  }
0x2f: {  	_ =	sdelay $0x2  }
0x30: {  	v21 =	vshll.u32 v21, $0x4  }
0x31: {  	v21 =	vor.u32 v0, v21  }
0x32: {  	[tilespmem:s29+$0x1920] =	vst v21  }
0x33: {  	[tilespmem:s18], [sflag:$0x1] =	stream.indirect.gather [hbm4b:s1+s16], $0x8, s17, s16, $0xb8;
	[tilespmem:$0x1C238] =	vst v63  }
0x34: {  	s29 =	simm.s32 $0x0  }
0x35: {  	[tilespmem:s19], [sflag:$0x4] =	stream.linear.gather [hbm4b:s8+s29], $0x640, $0x38;
	[tilespmem:$0x1C238] =	vst v63  }
0x36: {  	_ = 	snop  }
0x37: {  	[tilespmem:s16], [sflag:$0x4] =	stream.linear.gather [hbm4b:s9+s29], $0x640, $0x38;
	[tilespmem:$0x1C238] =	vst v63  }
.LBB2_6:
0x38: {  	_ =	swait.ge [sflag:s20], $0x640  }
0x39: {  	[sflag:s20] =	ssyncset.done $0x0  }
0x3a: {  	[sflag:s20] =	ssyncadd.s32 $0xFFFFF9C0  }
0x3b: {  	_ =	swait.ge [sflag:s20], $0x640  }
0x3c: {  	[sflag:s20] =	ssyncset.done $0x0  }
0x3d: {  	s30 =	simm.s32 $0x0;
	[sflag:s20] =	ssyncadd.s32 $0xFFFFF9C0  }
0x3e: {  	v21 =	vld [tilespmem:s30+$0x640]  }
0x3f: {  	s31 =	simm.s32 $0x40  }
.LBB2_7:
0x40: {  	p0 =	sne.s32 s31, $0x18C0  }
.Ltmp4:
0x41: {  	_ = 	snop;
	(pc) =	sbr.rel @p0 .LBB2_7-.Ltmp4, $4  }
0x42: {  	_ = 	snop  }
0x43: {  	s0 =	sshra.s32 s31, $0x2;
	s31 =	sadd.s32 $0x40, s31;
	v22 =	vshll.u32 v21, $0x4  }
0x44: {  	v21 =	vld [tilespmem:s0+$0x640];
	v22 =	vor.u32 v0, v22  }
0x45: {  	[tilespmem:s30+$0x1F60] =	vst v22;
	s30 =	smov.u32 s0  }
0x46: {  	_ =	sdelay $0x2  }
0x47: {  	v21 =	vshll.u32 v21, $0x4  }
0x48: {  	v21 =	vor.u32 v0, v21  }
.Ltmp5:
0x49: {  	[tilespmem:s30+$0x1F60] =	vst v21;
	(pc) =	sbr.rel .LBB2_9-.Ltmp5, $4  }
0x4a: {  	[tilespmem:s22], [sflag:$0x2] =	stream.indirect.gather [hbm4b:s1+s16], $0x8, s21, s16, $0xb8;
	[tilespmem:$0x1C238] =	vst v63  }
0x4b: {  	_ =	swait.ge [sflag:s23], $0x3200  }
0x4c: {  	[sflag:s23] =	ssyncset.done $0x0  }
0x4d: {  	s31 =	simm.s32 $0xC90;
	s30 =	simm.s32 $0x10;
	[sflag:s23] =	ssyncadd.s32 $0xFFFFCE00  }
.LBB2_11:
0x4e: {  	s30 =	sadd.s32 $0x20, s30  }
0x4f: {  	p0 =	sne.s32 s30, $0x650  }
.Ltmp6:
0x50: {  	_ = 	snop;
	(pc) =	sbr.rel @!p0 .LBB2_12-.Ltmp6, $2  }
0x51: {  	_ =	sdelay $0x2  }
0x52: {  	s31 =	sadd.s32 $0x20, s31  }
.LBB2_9:
0x53: {  	s0 =	sadd.s32 $0xFFFFFFF0, s30;
	v25 =	vld [tilespmem:s31+$0xFFFFFFF0]  }
0x54: {  	v22 =	vmov s0  }
0x55: {  	v27 =	vld [tilespmem:s31+$0x0];
	v21 =	vshll.u32 v22, $0x3  }
0x56: {  	v23 =	vor.u32 v4, v21;
	_ =	sdelay $0x1  }
0x57: {  	v21 =	vor.u32 $0x1, v23;
	(xrf1) =	vunique.msk.u32 $0xffff, v25  }
0x58: {  	v24 =	vor.u32 $0x2, v23  }
0x59: {  	v26 =	vor.u32 $0x3, v23;
	(xrf1) =	vunique.msk.u32 $0xffff, v27  }
0x5a: {  	v28 =	vor.u32 $0x4, v23;
	v29 =	vld.idx.msk [tilespmem:v23+s18+$0x0], $0xffff  }
0x5b: {  	v30 =	vor.u32 $0x5, v23;
	v46 =	vld.idx.msk [tilespmem:v25+s24+$0x0], $0xffff  }
0x5c: {  	v32 =	vor.u32 $0x6, v23;
	v31 =	vld.idx.msk [tilespmem:v21+s18+$0x0], $0xffff  }
0x5d: {  	v41 =	vadd.s32 $0x2711, v25;
	v24 =	vld.idx.msk [tilespmem:v24+s18+$0x0], $0xffff  }
0x5e: {  	v42 =	vadd.s32 $0x4E22, v25;
	v26 =	vld.idx.msk [tilespmem:v26+s18+$0x0], $0xffff  }
0x5f: {  	v43 =	vadd.s32 $0x7533, v25;
	v28 =	vld.idx.msk [tilespmem:v28+s18+$0x0], $0xffff  }
0x60: {  	v44 =	vadd.s32 $0x9C44, v25;
	v30 =	vld.idx.msk [tilespmem:v30+s18+$0x0], $0xffff  }
0x61: {  	v45 =	vadd.s32 $0xC355, v25;
	v32 =	vld.idx.msk [tilespmem:v32+s18+$0x0], $0xffff  }
0x62: {  	v50 =	vadd.s32 $0x11177, v25;
	v21 =	vmov s30;
	v48 =	vld.idx.msk [tilespmem:v41+s24+$0x0], $0xffff  }
0x63: {  	v23 =	vor.u32 $0x7, v23;
	v33 =	vshll.u32 v21, $0x3;
	v51 =	vld.idx.msk [tilespmem:v42+s24+$0x0], $0xffff  }
0x64: {  	v63 =	vld.idx.msk [tilespmem:v43+s24+$0x0], $0xffff;
	v33 =	vor.u32 v4, v33  }
0x65: {  	v53 =	vld.idx.msk [tilespmem:v44+s24+$0x0], $0xffff;
	v34 =	vor.u32 $0x1, v33;
	_, v47, vm1 =	vpop (xrf1)  }
0x66: {  	v57 =	vld.idx.msk [tilespmem:v45+s24+$0x0], $0xffff;
	v35 =	vor.u32 $0x2, v33;
	v49 =	vsel vm1, $0x3F800000, v1  }
0x67: {  	v55 =	vld.idx.msk [tilespmem:v50+s24+$0x0], $0xffff;
	v36 =	vor.u32 $0x3, v33;
	_, v52, vm1 =	vpop (xrf1);
	(xrf0) =	vmin.scan.msk.f32 $0xffff, v49  }
0x68: {  	v37 =	vor.u32 $0x4, v33;
	v23 =	vld.idx.msk [tilespmem:v23+s18+$0x0], $0xffff;
	v52 =	vsel vm1, $0x3F800000, v1  }
0x69: {  	v39 =	vor.u32 $0x5, v33;
	v38 =	vld.idx.msk [tilespmem:v33+s18+$0x0], $0xffff;
	(xrf0) =	vmin.scan.msk.f32 $0xffff, v52  }
0x6a: {  	v40 =	vor.u32 $0x6, v33;
	v34 =	vld.idx.msk [tilespmem:v34+s18+$0x0], $0xffff  }
0x6b: {  	v33 =	vor.u32 $0x7, v33;
	v35 =	vld.idx.msk [tilespmem:v35+s18+$0x0], $0xffff  }
0x6c: {  	v36 =	vld.idx.msk [tilespmem:v36+s18+$0x0], $0xffff;
	v47 =	vadd.s32 $0xEA66, v25  }
0x6d: {  	v37 =	vld.idx.msk [tilespmem:v37+s18+$0x0], $0xffff;
	v59, _, _ =	vpop (xrf0)  }
0x6e: {  	v39 =	vld.idx.msk [tilespmem:v39+s18+$0x0], $0xffff;
	(v2sf) =	vpush v59, $0xF  }
0x6f: {  	v40 =	vld.idx.msk [tilespmem:v40+s18+$0x0], $0xffff;
	v61, _, _ =	vpop (xrf0)  }
0x70: {  	v29 =	vmax.f32 v46, v29;
	v33 =	vld.idx.msk [tilespmem:v33+s18+$0x0], $0xffff;
	(v2sf) =	vpush v61, $0xF  }
0x71: {  	v58 =	vmax.f32 v48, v31;
	v54 =	vld.idx.msk [tilespmem:v47+s24+$0x0], $0xffff;
	[tilespmem:v25+s24+$0x0] =	vst.idx.msk $0xffff, v29  }
0x72: {  	v24 =	vmax.f32 v51, v24;
	[tilespmem:v41+s24+$0x0] =	vst.idx.msk $0xffff, v58  }
0x73: {  	v60 =	vmax.f32 v63, v26;
	[tilespmem:v42+s24+$0x0] =	vst.idx.msk $0xffff, v24  }
0x74: {  	v62 =	vmax.f32 v53, v28;
	[tilespmem:v43+s24+$0x0] =	vst.idx.msk $0xffff, v60  }
0x75: {  	v63 =	vadd.s32 $0x2711, v27;
	v48 =	vmax.f32 v57, v30;
	[tilespmem:v44+s24+$0x0] =	vst.idx.msk $0xffff, v62  }
0x76: {  	v49 =	vadd.s32 $0x4E22, v27;
	[tilespmem:v45+s24+$0x0] =	vst.idx.msk $0xffff, v48;
	v51 =	vmax.f32 v54, v32  }
0x77: {  	v23 =	vmax.f32 v55, v23;
	v52 =	vadd.s32 $0x7533, v27;
	[tilespmem:v47+s24+$0x0] =	vst.idx.msk $0xffff, v51  }
0x78: {  	v53 =	vadd.s32 $0x9C44, v27;
	[tilespmem:v50+s24+$0x0] =	vst.idx.msk $0xffff, v23  }
0x79: {  	v55 =	vadd.s32 $0xEA66, v27;
	v54 =	vld.idx.msk [tilespmem:v27+s24+$0x0], $0xffff  }
0x7a: {  	v23 =	vadd.s32 $0xC355, v27;
	v56 =	vld.idx.msk [tilespmem:v63+s24+$0x0], $0xffff  }
0x7b: {  	v57 =	vadd.s32 $0x11177, v27;
	v41 =	vld.idx.msk [tilespmem:v49+s24+$0x0], $0xffff  }
0x7c: {  	v42 =	vld.idx.msk [tilespmem:v52+s24+$0x0], $0xffff  }
0x7d: {  	v43 =	vld.idx.msk [tilespmem:v53+s24+$0x0], $0xffff;
	s0 =	spop (v2sf)  }
0x7e: {  	v45 =	vld.idx.msk [tilespmem:v55+s24+$0x0], $0xffff;
	p0 =	sgt.f32 s0, $0.0e+00  }
0x7f: {  	v44 =	vld.idx.msk [tilespmem:v23+s24+$0x0], $0xffff;
	v29 =	vmax.f32 v54, v38;
	s0 =	spop (v2sf)  }
0x80: {  	v58 =	vld.idx.msk [tilespmem:v57+s24+$0x0], $0xffff;
	v59 =	vmax.f32 v56, v34;
	[tilespmem:v27+s24+$0x0] =	vst.idx.msk $0xffff, v29;
	p1 =	sgt.f32 @p0 s0, $0.0e+00  }
0x81: {  	v60 =	vmax.f32 v41, v35;
	[tilespmem:v63+s24+$0x0] =	vst.idx.msk $0xffff, v59  }
0x82: {  	v61 =	vmax.f32 v42, v36;
	[tilespmem:v49+s24+$0x0] =	vst.idx.msk $0xffff, v60;
	p0 =	por !p0, !p1  }
.Ltmp7:
0x83: {  	v62 =	vmax.f32 v43, v37;
	[tilespmem:v52+s24+$0x0] =	vst.idx.msk $0xffff, v61;
	(pc) =	sbr.rel @!p0 .LBB2_11-.Ltmp7, $4  }
0x84: {  	v63 =	vmax.f32 v44, v39;
	[tilespmem:v53+s24+$0x0] =	vst.idx.msk $0xffff, v62  }
0x85: {  	[tilespmem:v23+s24+$0x0] =	vst.idx.msk $0xffff, v63;
	v23 =	vmax.f32 v45, v40  }
0x86: {  	[tilespmem:v55+s24+$0x0] =	vst.idx.msk $0xffff, v23;
	v23 =	vmax.f32 v58, v33  }
0x87: {  	[tilespmem:v57+s24+$0x0] =	vst.idx.msk $0xffff, v23  }
0x88: {  	v23 =	vor.u32 v2, v22;
	_ =	sdelay $0x4  }
0x89: {  	v24 =	vld.idx.msk [tilespmem:v23+s14+$0x0], $0xff;
	_ =	sdelay $0x2  }
0x8a: {  	v25 =	vshll.u32 v23, $0x3  }
0x8b: {  	v25 =	vor.u32 v3, v25  }
0x8c: {  	v24 =	vadd.s32 v5, v24;
	_ =	sdelay $0x3  }
0x8d: {  	v26 =	vld.idx.msk [tilespmem:v25+s18+$0x0], $0xff  }
0x8e: {  	v27 =	vld.idx.msk [tilespmem:v24+s24+$0x0], $0xff;
	_ =	sdelay $0x1  }
0x8f: {  	v28 =	vor.u32 v6, v22;
	_ =	sdelay $0x2  }
0x90: {  	v26 =	vmax.f32 v27, v26  }
0x91: {  	[tilespmem:v24+s24+$0x0] =	vst.idx.msk $0xff, v26  }
0x92: {  	v24 =	vld.idx.msk [tilespmem:v28+s14+$0x0], $0xff;
	_ =	sdelay $0x2  }
0x93: {  	v49 =	vshll.u32 v28, $0x3  }
0x94: {  	v26 =	vor.u32 v3, v49  }
0x95: {  	v24 =	vadd.s32 v5, v24;
	_ =	sdelay $0x3  }
0x96: {  	v50 =	vld.idx.msk [tilespmem:v26+s18+$0x0], $0xff  }
0x97: {  	v29 =	vld.idx.msk [tilespmem:v24+s24+$0x0], $0xff;
	_ =	sdelay $0x1  }
0x98: {  	v30 =	vor.u32 v7, v22;
	_ =	sdelay $0x2  }
0x99: {  	v27 =	vmax.f32 v29, v50  }
0x9a: {  	[tilespmem:v24+s24+$0x0] =	vst.idx.msk $0xff, v27  }
0x9b: {  	v24 =	vld.idx.msk [tilespmem:v30+s14+$0x0], $0xff;
	_ =	sdelay $0x2  }
0x9c: {  	v51 =	vshll.u32 v30, $0x3  }
0x9d: {  	v27 =	vor.u32 v3, v51  }
0x9e: {  	v24 =	vadd.s32 v5, v24;
	_ =	sdelay $0x3  }
0x9f: {  	v52 =	vld.idx.msk [tilespmem:v27+s18+$0x0], $0xff  }
0xa0: {  	v31 =	vld.idx.msk [tilespmem:v24+s24+$0x0], $0xff;
	_ =	sdelay $0x1  }
0xa1: {  	v32 =	vor.u32 v8, v22;
	_ =	sdelay $0x2  }
0xa2: {  	v29 =	vmax.f32 v31, v52  }
0xa3: {  	[tilespmem:v24+s24+$0x0] =	vst.idx.msk $0xff, v29  }
0xa4: {  	v24 =	vld.idx.msk [tilespmem:v32+s14+$0x0], $0xff;
	_ =	sdelay $0x2  }
0xa5: {  	v53 =	vshll.u32 v32, $0x3  }
0xa6: {  	v29 =	vor.u32 v3, v53  }
0xa7: {  	v24 =	vadd.s32 v5, v24;
	_ =	sdelay $0x3  }
0xa8: {  	v54 =	vld.idx.msk [tilespmem:v29+s18+$0x0], $0xff  }
0xa9: {  	v33 =	vld.idx.msk [tilespmem:v24+s24+$0x0], $0xff  }
0xaa: {  	v34 =	vor.u32 v9, v22  }
0xab: {  	v35 =	vand.u32 v10, v34;
	_ =	sdelay $0x2  }
0xac: {  	v31 =	vmax.f32 v33, v54  }
0xad: {  	[tilespmem:v24+s24+$0x0] =	vst.idx.msk $0xff, v31  }
0xae: {  	v24 =	vld.idx.msk [tilespmem:v35+s14+$0x0], $0xff;
	_ =	sdelay $0x2  }
0xaf: {  	v55 =	vshll.u32 v34, $0x3  }
0xb0: {  	v31 =	vor.u32 v3, v55  }
0xb1: {  	v24 =	vadd.s32 v5, v24;
	_ =	sdelay $0x3  }
0xb2: {  	v56 =	vld.idx.msk [tilespmem:v31+s18+$0x0], $0xff  }
0xb3: {  	v57 =	vld.idx.msk [tilespmem:v24+s24+$0x0], $0xff  }
0xb4: {  	v36 =	vor.u32 v11, v22  }
0xb5: {  	v37 =	vand.u32 v12, v36;
	_ =	sdelay $0x2  }
0xb6: {  	v33 =	vmax.f32 v57, v56  }
0xb7: {  	[tilespmem:v24+s24+$0x0] =	vst.idx.msk $0xff, v33  }
0xb8: {  	v24 =	vld.idx.msk [tilespmem:v37+s14+$0x0], $0xff;
	_ =	sdelay $0x2  }
0xb9: {  	v58 =	vshll.u32 v36, $0x3  }
0xba: {  	v33 =	vor.u32 v3, v58  }
0xbb: {  	v24 =	vadd.s32 v5, v24;
	_ =	sdelay $0x3  }
0xbc: {  	v59 =	vld.idx.msk [tilespmem:v33+s18+$0x0], $0xff  }
0xbd: {  	v60 =	vld.idx.msk [tilespmem:v24+s24+$0x0], $0xff  }
0xbe: {  	v38 =	vor.u32 v13, v22  }
0xbf: {  	v39 =	vand.u32 v14, v38;
	_ =	sdelay $0x2  }
0xc0: {  	v34 =	vmax.f32 v60, v59  }
0xc1: {  	[tilespmem:v24+s24+$0x0] =	vst.idx.msk $0xff, v34  }
0xc2: {  	v24 =	vld.idx.msk [tilespmem:v39+s14+$0x0], $0xff;
	_ =	sdelay $0x2  }
0xc3: {  	v61 =	vshll.u32 v38, $0x3  }
0xc4: {  	v34 =	vor.u32 v3, v61  }
0xc5: {  	v24 =	vadd.s32 v5, v24;
	_ =	sdelay $0x3  }
0xc6: {  	v62 =	vld.idx.msk [tilespmem:v34+s18+$0x0], $0xff  }
0xc7: {  	v63 =	vld.idx.msk [tilespmem:v24+s24+$0x0], $0xff  }
0xc8: {  	v22 =	vor.u32 v15, v22  }
0xc9: {  	v40 =	vand.u32 v16, v22;
	_ =	sdelay $0x2  }
0xca: {  	v36 =	vmax.f32 v63, v62  }
0xcb: {  	[tilespmem:v24+s24+$0x0] =	vst.idx.msk $0xff, v36  }
0xcc: {  	v24 =	vld.idx.msk [tilespmem:v40+s14+$0x0], $0xff;
	_ =	sdelay $0x2  }
0xcd: {  	v22 =	vshll.u32 v22, $0x3  }
0xce: {  	v22 =	vor.u32 v3, v22  }
0xcf: {  	v24 =	vadd.s32 v5, v24;
	_ =	sdelay $0x3  }
0xd0: {  	v36 =	vld.idx.msk [tilespmem:v22+s18+$0x0], $0xff  }
0xd1: {  	v43 =	vld.idx.msk [tilespmem:v24+s24+$0x0], $0xff;
	_ =	sdelay $0x4  }
0xd2: {  	v36 =	vmax.f32 v43, v36  }
0xd3: {  	[tilespmem:v24+s24+$0x0] =	vst.idx.msk $0xff, v36  }
0xd4: {  	v23 =	vld.idx.msk [tilespmem:v23+s14+$0x0], vm0;
	_ =	sdelay $0x4  }
0xd5: {  	v23 =	vadd.s32 v5, v23;
	_ =	sdelay $0x3  }
0xd6: {  	v24 =	vld.idx.msk [tilespmem:v25+s18+$0x0], vm0  }
0xd7: {  	v44 =	vld.idx.msk [tilespmem:v23+s24+$0x0], vm0;
	_ =	sdelay $0x4  }
0xd8: {  	v24 =	vmax.f32 v44, v24  }
0xd9: {  	[tilespmem:v23+s24+$0x0] =	vst.idx.msk vm0, v24  }
0xda: {  	v23 =	vld.idx.msk [tilespmem:v28+s14+$0x0], vm0;
	_ =	sdelay $0x4  }
0xdb: {  	v23 =	vadd.s32 v5, v23;
	_ =	sdelay $0x3  }
0xdc: {  	v24 =	vld.idx.msk [tilespmem:v26+s18+$0x0], vm0  }
0xdd: {  	v45 =	vld.idx.msk [tilespmem:v23+s24+$0x0], vm0;
	_ =	sdelay $0x4  }
0xde: {  	v24 =	vmax.f32 v45, v24  }
0xdf: {  	[tilespmem:v23+s24+$0x0] =	vst.idx.msk vm0, v24  }
0xe0: {  	v23 =	vld.idx.msk [tilespmem:v30+s14+$0x0], vm0;
	_ =	sdelay $0x4  }
0xe1: {  	v23 =	vadd.s32 v5, v23;
	_ =	sdelay $0x3  }
0xe2: {  	v24 =	vld.idx.msk [tilespmem:v27+s18+$0x0], vm0  }
0xe3: {  	v46 =	vld.idx.msk [tilespmem:v23+s24+$0x0], vm0;
	_ =	sdelay $0x4  }
0xe4: {  	v24 =	vmax.f32 v46, v24  }
0xe5: {  	[tilespmem:v23+s24+$0x0] =	vst.idx.msk vm0, v24  }
0xe6: {  	v23 =	vld.idx.msk [tilespmem:v32+s14+$0x0], vm0;
	_ =	sdelay $0x4  }
0xe7: {  	v23 =	vadd.s32 v5, v23;
	_ =	sdelay $0x3  }
0xe8: {  	v24 =	vld.idx.msk [tilespmem:v29+s18+$0x0], vm0  }
0xe9: {  	v47 =	vld.idx.msk [tilespmem:v23+s24+$0x0], vm0;
	_ =	sdelay $0x4  }
0xea: {  	v24 =	vmax.f32 v47, v24  }
0xeb: {  	[tilespmem:v23+s24+$0x0] =	vst.idx.msk vm0, v24  }
0xec: {  	v23 =	vld.idx.msk [tilespmem:v35+s14+$0x0], vm0;
	_ =	sdelay $0x4  }
0xed: {  	v23 =	vadd.s32 v5, v23;
	_ =	sdelay $0x3  }
0xee: {  	v24 =	vld.idx.msk [tilespmem:v31+s18+$0x0], vm0  }
0xef: {  	v48 =	vld.idx.msk [tilespmem:v23+s24+$0x0], vm0;
	_ =	sdelay $0x4  }
0xf0: {  	v24 =	vmax.f32 v48, v24  }
0xf1: {  	[tilespmem:v23+s24+$0x0] =	vst.idx.msk vm0, v24  }
0xf2: {  	v23 =	vld.idx.msk [tilespmem:v37+s14+$0x0], vm0;
	_ =	sdelay $0x4  }
0xf3: {  	v23 =	vadd.s32 v5, v23;
	_ =	sdelay $0x3  }
0xf4: {  	v24 =	vld.idx.msk [tilespmem:v33+s18+$0x0], vm0  }
0xf5: {  	v49 =	vld.idx.msk [tilespmem:v23+s24+$0x0], vm0;
	_ =	sdelay $0x4  }
0xf6: {  	v24 =	vmax.f32 v49, v24  }
0xf7: {  	[tilespmem:v23+s24+$0x0] =	vst.idx.msk vm0, v24  }
0xf8: {  	v23 =	vld.idx.msk [tilespmem:v39+s14+$0x0], vm0;
	_ =	sdelay $0x4  }
0xf9: {  	v23 =	vadd.s32 v5, v23;
	_ =	sdelay $0x3  }
0xfa: {  	v24 =	vld.idx.msk [tilespmem:v34+s18+$0x0], vm0  }
0xfb: {  	v50 =	vld.idx.msk [tilespmem:v23+s24+$0x0], vm0;
	_ =	sdelay $0x4  }
0xfc: {  	v24 =	vmax.f32 v50, v24  }
0xfd: {  	[tilespmem:v23+s24+$0x0] =	vst.idx.msk vm0, v24  }
0xfe: {  	v23 =	vld.idx.msk [tilespmem:v40+s14+$0x0], vm0;
	_ =	sdelay $0x4  }
0xff: {  	v23 =	vadd.s32 v5, v23;
	_ =	sdelay $0x3  }
0x100: {  	v22 =	vld.idx.msk [tilespmem:v22+s18+$0x0], vm0  }
0x101: {  	v24 =	vld.idx.msk [tilespmem:v23+s24+$0x0], vm0;
	_ =	sdelay $0x1  }
0x102: {  	v25 =	vor.u32 v2, v21;
	_ =	sdelay $0x2  }
0x103: {  	v22 =	vmax.f32 v24, v22  }
0x104: {  	[tilespmem:v23+s24+$0x0] =	vst.idx.msk vm0, v22  }
0x105: {  	v22 =	vld.idx.msk [tilespmem:v25+s14+$0x0], $0xff;
	_ =	sdelay $0x2  }
0x106: {  	v23 =	vshll.u32 v25, $0x3  }
0x107: {  	v23 =	vor.u32 v3, v23  }
0x108: {  	v22 =	vadd.s32 v5, v22;
	_ =	sdelay $0x3  }
0x109: {  	v51 =	vld.idx.msk [tilespmem:v23+s18+$0x0], $0xff  }
0x10a: {  	v52 =	vld.idx.msk [tilespmem:v22+s24+$0x0], $0xff;
	_ =	sdelay $0x1  }
0x10b: {  	v27 =	vor.u32 v6, v21;
	_ =	sdelay $0x2  }
0x10c: {  	v24 =	vmax.f32 v52, v51  }
0x10d: {  	[tilespmem:v22+s24+$0x0] =	vst.idx.msk $0xff, v24  }
0x10e: {  	v22 =	vld.idx.msk [tilespmem:v27+s14+$0x0], $0xff;
	_ =	sdelay $0x2  }
0x10f: {  	v53 =	vshll.u32 v27, $0x3  }
0x110: {  	v24 =	vor.u32 v3, v53  }
0x111: {  	v22 =	vadd.s32 v5, v22;
	_ =	sdelay $0x3  }
0x112: {  	v54 =	vld.idx.msk [tilespmem:v24+s18+$0x0], $0xff  }
0x113: {  	v55 =	vld.idx.msk [tilespmem:v22+s24+$0x0], $0xff;
	_ =	sdelay $0x1  }
0x114: {  	v29 =	vor.u32 v7, v21;
	_ =	sdelay $0x2  }
0x115: {  	v26 =	vmax.f32 v55, v54  }
0x116: {  	[tilespmem:v22+s24+$0x0] =	vst.idx.msk $0xff, v26  }
0x117: {  	v22 =	vld.idx.msk [tilespmem:v29+s14+$0x0], $0xff;
	_ =	sdelay $0x2  }
0x118: {  	v56 =	vshll.u32 v29, $0x3  }
0x119: {  	v26 =	vor.u32 v3, v56  }
0x11a: {  	v22 =	vadd.s32 v5, v22;
	_ =	sdelay $0x3  }
0x11b: {  	v57 =	vld.idx.msk [tilespmem:v26+s18+$0x0], $0xff  }
0x11c: {  	v58 =	vld.idx.msk [tilespmem:v22+s24+$0x0], $0xff;
	_ =	sdelay $0x1  }
0x11d: {  	v31 =	vor.u32 v8, v21;
	_ =	sdelay $0x2  }
0x11e: {  	v28 =	vmax.f32 v58, v57  }
0x11f: {  	[tilespmem:v22+s24+$0x0] =	vst.idx.msk $0xff, v28  }
0x120: {  	v22 =	vld.idx.msk [tilespmem:v31+s14+$0x0], $0xff;
	_ =	sdelay $0x2  }
0x121: {  	v59 =	vshll.u32 v31, $0x3  }
0x122: {  	v28 =	vor.u32 v3, v59  }
0x123: {  	v22 =	vadd.s32 v5, v22;
	_ =	sdelay $0x3  }
0x124: {  	v60 =	vld.idx.msk [tilespmem:v28+s18+$0x0], $0xff  }
0x125: {  	v61 =	vld.idx.msk [tilespmem:v22+s24+$0x0], $0xff  }
0x126: {  	v62 =	vor.u32 v9, v21  }
0x127: {  	v63 =	vand.u32 v17, v62;
	_ =	sdelay $0x2  }
0x128: {  	v30 =	vmax.f32 v61, v60  }
0x129: {  	[tilespmem:v22+s24+$0x0] =	vst.idx.msk $0xff, v30  }
0x12a: {  	v22 =	vld.idx.msk [tilespmem:v63+s14+$0x0], $0xff;
	_ =	sdelay $0x2  }
0x12b: {  	v42 =	vshll.u32 v62, $0x3  }
0x12c: {  	v30 =	vor.u32 v3, v42  }
0x12d: {  	v22 =	vadd.s32 v5, v22;
	_ =	sdelay $0x3  }
0x12e: {  	v43 =	vld.idx.msk [tilespmem:v30+s18+$0x0], $0xff  }
0x12f: {  	v44 =	vld.idx.msk [tilespmem:v22+s24+$0x0], $0xff  }
0x130: {  	v45 =	vor.u32 v11, v21  }
0x131: {  	v46 =	vand.u32 v18, v45;
	_ =	sdelay $0x2  }
0x132: {  	v32 =	vmax.f32 v44, v43  }
0x133: {  	[tilespmem:v22+s24+$0x0] =	vst.idx.msk $0xff, v32  }
0x134: {  	v22 =	vld.idx.msk [tilespmem:v46+s14+$0x0], $0xff;
	_ =	sdelay $0x2  }
0x135: {  	v47 =	vshll.u32 v45, $0x3  }
0x136: {  	v32 =	vor.u32 v3, v47  }
0x137: {  	v22 =	vadd.s32 v5, v22;
	_ =	sdelay $0x3  }
0x138: {  	v48 =	vld.idx.msk [tilespmem:v32+s18+$0x0], $0xff  }
0x139: {  	v49 =	vld.idx.msk [tilespmem:v22+s24+$0x0], $0xff  }
0x13a: {  	v50 =	vor.u32 v13, v21  }
0x13b: {  	v51 =	vand.u32 v19, v50;
	_ =	sdelay $0x2  }
0x13c: {  	v33 =	vmax.f32 v49, v48  }
0x13d: {  	[tilespmem:v22+s24+$0x0] =	vst.idx.msk $0xff, v33  }
0x13e: {  	v22 =	vld.idx.msk [tilespmem:v51+s14+$0x0], $0xff;
	_ =	sdelay $0x2  }
0x13f: {  	v52 =	vshll.u32 v50, $0x3  }
0x140: {  	v33 =	vor.u32 v3, v52  }
0x141: {  	v22 =	vadd.s32 v5, v22;
	_ =	sdelay $0x3  }
0x142: {  	v53 =	vld.idx.msk [tilespmem:v33+s18+$0x0], $0xff  }
0x143: {  	v54 =	vld.idx.msk [tilespmem:v22+s24+$0x0], $0xff  }
0x144: {  	v21 =	vor.u32 v15, v21  }
0x145: {  	v55 =	vand.u32 v20, v21;
	_ =	sdelay $0x2  }
0x146: {  	v35 =	vmax.f32 v54, v53  }
0x147: {  	[tilespmem:v22+s24+$0x0] =	vst.idx.msk $0xff, v35  }
0x148: {  	v22 =	vld.idx.msk [tilespmem:v55+s14+$0x0], $0xff;
	_ =	sdelay $0x2  }
0x149: {  	v21 =	vshll.u32 v21, $0x3  }
0x14a: {  	v21 =	vor.u32 v3, v21  }
0x14b: {  	v22 =	vadd.s32 v5, v22;
	_ =	sdelay $0x3  }
0x14c: {  	v35 =	vld.idx.msk [tilespmem:v21+s18+$0x0], $0xff  }
0x14d: {  	v56 =	vld.idx.msk [tilespmem:v22+s24+$0x0], $0xff;
	_ =	sdelay $0x4  }
0x14e: {  	v35 =	vmax.f32 v56, v35  }
0x14f: {  	[tilespmem:v22+s24+$0x0] =	vst.idx.msk $0xff, v35  }
0x150: {  	v22 =	vld.idx.msk [tilespmem:v25+s14+$0x0], vm0;
	_ =	sdelay $0x4  }
0x151: {  	v22 =	vadd.s32 v5, v22;
	_ =	sdelay $0x3  }
0x152: {  	v23 =	vld.idx.msk [tilespmem:v23+s18+$0x0], vm0  }
0x153: {  	v57 =	vld.idx.msk [tilespmem:v22+s24+$0x0], vm0;
	_ =	sdelay $0x4  }
0x154: {  	v23 =	vmax.f32 v57, v23  }
0x155: {  	[tilespmem:v22+s24+$0x0] =	vst.idx.msk vm0, v23  }
0x156: {  	v22 =	vld.idx.msk [tilespmem:v27+s14+$0x0], vm0;
	_ =	sdelay $0x4  }
0x157: {  	v22 =	vadd.s32 v5, v22;
	_ =	sdelay $0x3  }
0x158: {  	v23 =	vld.idx.msk [tilespmem:v24+s18+$0x0], vm0  }
0x159: {  	v58 =	vld.idx.msk [tilespmem:v22+s24+$0x0], vm0;
	_ =	sdelay $0x4  }
0x15a: {  	v23 =	vmax.f32 v58, v23  }
0x15b: {  	[tilespmem:v22+s24+$0x0] =	vst.idx.msk vm0, v23  }
0x15c: {  	v22 =	vld.idx.msk [tilespmem:v29+s14+$0x0], vm0;
	_ =	sdelay $0x4  }
0x15d: {  	v22 =	vadd.s32 v5, v22;
	_ =	sdelay $0x3  }
0x15e: {  	v23 =	vld.idx.msk [tilespmem:v26+s18+$0x0], vm0  }
0x15f: {  	v59 =	vld.idx.msk [tilespmem:v22+s24+$0x0], vm0;
	_ =	sdelay $0x4  }
0x160: {  	v23 =	vmax.f32 v59, v23  }
0x161: {  	[tilespmem:v22+s24+$0x0] =	vst.idx.msk vm0, v23  }
0x162: {  	v22 =	vld.idx.msk [tilespmem:v31+s14+$0x0], vm0;
	_ =	sdelay $0x4  }
0x163: {  	v22 =	vadd.s32 v5, v22;
	_ =	sdelay $0x3  }
0x164: {  	v23 =	vld.idx.msk [tilespmem:v28+s18+$0x0], vm0  }
0x165: {  	v60 =	vld.idx.msk [tilespmem:v22+s24+$0x0], vm0;
	_ =	sdelay $0x4  }
0x166: {  	v23 =	vmax.f32 v60, v23  }
0x167: {  	[tilespmem:v22+s24+$0x0] =	vst.idx.msk vm0, v23  }
0x168: {  	v22 =	vld.idx.msk [tilespmem:v63+s14+$0x0], vm0;
	_ =	sdelay $0x4  }
0x169: {  	v22 =	vadd.s32 v5, v22;
	_ =	sdelay $0x3  }
0x16a: {  	v23 =	vld.idx.msk [tilespmem:v30+s18+$0x0], vm0  }
0x16b: {  	v61 =	vld.idx.msk [tilespmem:v22+s24+$0x0], vm0;
	_ =	sdelay $0x4  }
0x16c: {  	v23 =	vmax.f32 v61, v23  }
0x16d: {  	[tilespmem:v22+s24+$0x0] =	vst.idx.msk vm0, v23  }
0x16e: {  	v22 =	vld.idx.msk [tilespmem:v46+s14+$0x0], vm0;
	_ =	sdelay $0x4  }
0x16f: {  	v22 =	vadd.s32 v5, v22;
	_ =	sdelay $0x3  }
0x170: {  	v23 =	vld.idx.msk [tilespmem:v32+s18+$0x0], vm0  }
0x171: {  	v62 =	vld.idx.msk [tilespmem:v22+s24+$0x0], vm0;
	_ =	sdelay $0x4  }
0x172: {  	v23 =	vmax.f32 v62, v23  }
0x173: {  	[tilespmem:v22+s24+$0x0] =	vst.idx.msk vm0, v23  }
0x174: {  	v22 =	vld.idx.msk [tilespmem:v51+s14+$0x0], vm0;
	_ =	sdelay $0x4  }
0x175: {  	v22 =	vadd.s32 v5, v22;
	_ =	sdelay $0x3  }
0x176: {  	v23 =	vld.idx.msk [tilespmem:v33+s18+$0x0], vm0  }
0x177: {  	v63 =	vld.idx.msk [tilespmem:v22+s24+$0x0], vm0;
	_ =	sdelay $0x4  }
0x178: {  	v23 =	vmax.f32 v63, v23  }
0x179: {  	[tilespmem:v22+s24+$0x0] =	vst.idx.msk vm0, v23  }
0x17a: {  	v22 =	vld.idx.msk [tilespmem:v55+s14+$0x0], vm0;
	_ =	sdelay $0x4  }
0x17b: {  	v22 =	vadd.s32 v5, v22;
	_ =	sdelay $0x3  }
0x17c: {  	v21 =	vld.idx.msk [tilespmem:v21+s18+$0x0], vm0  }
0x17d: {  	v23 =	vld.idx.msk [tilespmem:v22+s24+$0x0], vm0;
	_ =	sdelay $0x1  }
.Ltmp8:
0x17e: {  	_ = 	snop;
	(pc) =	sbr.rel .LBB2_11-.Ltmp8, $3  }
0x17f: {  	_ =	sdelay $0x1  }
0x180: {  	v21 =	vmax.f32 v23, v21  }
0x181: {  	[tilespmem:v22+s24+$0x0] =	vst.idx.msk vm0, v21  }
.LBB2_12:
0x182: {  	p0 =	seq.s32 s29, $0x31  }
.Ltmp9:
0x183: {  	_ = 	snop;
	(pc) =	sbr.rel @p0 .LBB2_16-.Ltmp9, $1  }
0x184: {  	_ =	sdelay $0x3  }
0x185: {  	s0 =	smul.u32 $0xC80, s29;
	_ =	sdelay $0x1  }
0x186: {  	s0 =	sadd.s32 s0, s10  }
0x187: {  	s0 =	sshrl.u32 s0, $0x3  }
0x188: {  	s31 =	simm.s32 $0x0;
	s30 =	sadd.s32 s4, s0  }
0x189: {  	[tilespmem:s14], [sflag:$0x3] =	stream.linear.gather [hbm4b:s30+s31], $0x640, $0x38;
	[tilespmem:$0x1C238] =	vst v63  }
0x18a: {  	s0 =	sadd.s32 s5, s0  }
0x18b: {  	[tilespmem:s31], [sflag:$0x3] =	stream.linear.gather [hbm4b:s0+s31], $0x640, $0x38;
	[tilespmem:$0x1C238] =	vst v63  }
0x18c: {  	_ =	swait.ge [sflag:s15], $0x640  }
0x18d: {  	[sflag:s15] =	ssyncset.done $0x0  }
0x18e: {  	[sflag:s15] =	ssyncadd.s32 $0xFFFFF9C0  }
0x18f: {  	_ =	swait.ge [sflag:s15], $0x640  }
0x190: {  	[sflag:s15] =	ssyncset.done $0x0  }
0x191: {  	s30 =	simm.s32 $0x0;
	[sflag:s15] =	ssyncadd.s32 $0xFFFFF9C0  }
0x192: {  	v21 =	vld [tilespmem:s30+$0x0]  }
0x193: {  	s31 =	simm.s32 $0x40  }
.LBB2_14:
0x194: {  	p1 =	sne.s32 s31, $0x18C0  }
.Ltmp10:
0x195: {  	_ = 	snop;
	(pc) =	sbr.rel @p1 .LBB2_14-.Ltmp10, $4  }
0x196: {  	_ = 	snop  }
0x197: {  	s0 =	sshra.s32 s31, $0x2;
	s31 =	sadd.s32 $0x40, s31;
	v22 =	vshll.u32 v21, $0x4  }
0x198: {  	v21 =	vld [tilespmem:s0+$0x0];
	v22 =	vor.u32 v0, v22  }
0x199: {  	[tilespmem:s30+$0x1920] =	vst v22;
	s30 =	smov.u32 s0  }
0x19a: {  	_ =	sdelay $0x2  }
0x19b: {  	v21 =	vshll.u32 v21, $0x4  }
0x19c: {  	v21 =	vor.u32 v0, v21  }
0x19d: {  	[tilespmem:s30+$0x1920] =	vst v21  }
0x19e: {  	[tilespmem:s18], [sflag:$0x1] =	stream.indirect.gather [hbm4b:s1+s16], $0x8, s17, s16, $0xb8;
	[tilespmem:$0x1C238] =	vst v63  }
.LBB2_16:
.Ltmp11:
0x19f: {  	(pc) =	sbr.rel .LBB2_17-.Ltmp11, $4  }
0x1a0: {  	_ = 	snop  }
0x1a1: {  	_ =	swait.ge [sflag:s25], $0x3200  }
0x1a2: {  	[sflag:s25] =	ssyncset.done $0x0  }
0x1a3: {  	s30 =	simm.s32 $0x10;
	s31 =	simm.s32 $0x12E0;
	[sflag:s25] =	ssyncadd.s32 $0xFFFFCE00  }
.LBB2_19:
0x1a4: {  	s30 =	sadd.s32 $0x20, s30  }
0x1a5: {  	p1 =	sne.s32 s30, $0x650  }
.Ltmp12:
0x1a6: {  	_ = 	snop;
	(pc) =	sbr.rel @!p1 .LBB2_20-.Ltmp12, $2  }
0x1a7: {  	_ =	sdelay $0x2  }
0x1a8: {  	s31 =	sadd.s32 $0x20, s31  }
.LBB2_17:
0x1a9: {  	s0 =	sadd.s32 $0xFFFFFFF0, s30;
	v25 =	vld [tilespmem:s31+$0xFFFFFFF0]  }
0x1aa: {  	v22 =	vmov s0  }
0x1ab: {  	v27 =	vld [tilespmem:s31+$0x0];
	v21 =	vshll.u32 v22, $0x3  }
0x1ac: {  	v23 =	vor.u32 v4, v21;
	_ =	sdelay $0x1  }
0x1ad: {  	v21 =	vor.u32 $0x1, v23;
	(xrf1) =	vunique.msk.u32 $0xffff, v25  }
0x1ae: {  	v24 =	vor.u32 $0x2, v23  }
0x1af: {  	v26 =	vor.u32 $0x3, v23;
	(xrf1) =	vunique.msk.u32 $0xffff, v27  }
0x1b0: {  	v28 =	vor.u32 $0x4, v23;
	v29 =	vld.idx.msk [tilespmem:v23+s22+$0x0], $0xffff  }
0x1b1: {  	v30 =	vor.u32 $0x5, v23;
	v46 =	vld.idx.msk [tilespmem:v25+s24+$0x0], $0xffff  }
0x1b2: {  	v32 =	vor.u32 $0x6, v23;
	v31 =	vld.idx.msk [tilespmem:v21+s22+$0x0], $0xffff  }
0x1b3: {  	v41 =	vadd.s32 $0x2711, v25;
	v24 =	vld.idx.msk [tilespmem:v24+s22+$0x0], $0xffff  }
0x1b4: {  	v42 =	vadd.s32 $0x4E22, v25;
	v26 =	vld.idx.msk [tilespmem:v26+s22+$0x0], $0xffff  }
0x1b5: {  	v43 =	vadd.s32 $0x7533, v25;
	v28 =	vld.idx.msk [tilespmem:v28+s22+$0x0], $0xffff  }
0x1b6: {  	v44 =	vadd.s32 $0x9C44, v25;
	v30 =	vld.idx.msk [tilespmem:v30+s22+$0x0], $0xffff  }
0x1b7: {  	v45 =	vadd.s32 $0xC355, v25;
	v32 =	vld.idx.msk [tilespmem:v32+s22+$0x0], $0xffff  }
0x1b8: {  	v50 =	vadd.s32 $0x11177, v25;
	v21 =	vmov s30;
	v48 =	vld.idx.msk [tilespmem:v41+s24+$0x0], $0xffff  }
0x1b9: {  	v23 =	vor.u32 $0x7, v23;
	v33 =	vshll.u32 v21, $0x3;
	v51 =	vld.idx.msk [tilespmem:v42+s24+$0x0], $0xffff  }
0x1ba: {  	v63 =	vld.idx.msk [tilespmem:v43+s24+$0x0], $0xffff;
	v33 =	vor.u32 v4, v33  }
0x1bb: {  	v53 =	vld.idx.msk [tilespmem:v44+s24+$0x0], $0xffff;
	v34 =	vor.u32 $0x1, v33;
	_, v47, vm1 =	vpop (xrf1)  }
0x1bc: {  	v57 =	vld.idx.msk [tilespmem:v45+s24+$0x0], $0xffff;
	v35 =	vor.u32 $0x2, v33;
	v49 =	vsel vm1, $0x3F800000, v1  }
0x1bd: {  	v55 =	vld.idx.msk [tilespmem:v50+s24+$0x0], $0xffff;
	v36 =	vor.u32 $0x3, v33;
	_, v52, vm1 =	vpop (xrf1);
	(xrf0) =	vmin.scan.msk.f32 $0xffff, v49  }
0x1be: {  	v37 =	vor.u32 $0x4, v33;
	v23 =	vld.idx.msk [tilespmem:v23+s22+$0x0], $0xffff;
	v52 =	vsel vm1, $0x3F800000, v1  }
0x1bf: {  	v39 =	vor.u32 $0x5, v33;
	v38 =	vld.idx.msk [tilespmem:v33+s22+$0x0], $0xffff;
	(xrf0) =	vmin.scan.msk.f32 $0xffff, v52  }
0x1c0: {  	v40 =	vor.u32 $0x6, v33;
	v34 =	vld.idx.msk [tilespmem:v34+s22+$0x0], $0xffff  }
0x1c1: {  	v33 =	vor.u32 $0x7, v33;
	v35 =	vld.idx.msk [tilespmem:v35+s22+$0x0], $0xffff  }
0x1c2: {  	v36 =	vld.idx.msk [tilespmem:v36+s22+$0x0], $0xffff;
	v47 =	vadd.s32 $0xEA66, v25  }
0x1c3: {  	v37 =	vld.idx.msk [tilespmem:v37+s22+$0x0], $0xffff;
	v59, _, _ =	vpop (xrf0)  }
0x1c4: {  	v39 =	vld.idx.msk [tilespmem:v39+s22+$0x0], $0xffff;
	(v2sf) =	vpush v59, $0xF  }
0x1c5: {  	v40 =	vld.idx.msk [tilespmem:v40+s22+$0x0], $0xffff;
	v61, _, _ =	vpop (xrf0)  }
0x1c6: {  	v29 =	vmax.f32 v46, v29;
	v33 =	vld.idx.msk [tilespmem:v33+s22+$0x0], $0xffff;
	(v2sf) =	vpush v61, $0xF  }
0x1c7: {  	v58 =	vmax.f32 v48, v31;
	v54 =	vld.idx.msk [tilespmem:v47+s24+$0x0], $0xffff;
	[tilespmem:v25+s24+$0x0] =	vst.idx.msk $0xffff, v29  }
0x1c8: {  	v24 =	vmax.f32 v51, v24;
	[tilespmem:v41+s24+$0x0] =	vst.idx.msk $0xffff, v58  }
0x1c9: {  	v60 =	vmax.f32 v63, v26;
	[tilespmem:v42+s24+$0x0] =	vst.idx.msk $0xffff, v24  }
0x1ca: {  	v62 =	vmax.f32 v53, v28;
	[tilespmem:v43+s24+$0x0] =	vst.idx.msk $0xffff, v60  }
0x1cb: {  	v63 =	vadd.s32 $0x2711, v27;
	v48 =	vmax.f32 v57, v30;
	[tilespmem:v44+s24+$0x0] =	vst.idx.msk $0xffff, v62  }
0x1cc: {  	v49 =	vadd.s32 $0x4E22, v27;
	[tilespmem:v45+s24+$0x0] =	vst.idx.msk $0xffff, v48;
	v51 =	vmax.f32 v54, v32  }
0x1cd: {  	v23 =	vmax.f32 v55, v23;
	v52 =	vadd.s32 $0x7533, v27;
	[tilespmem:v47+s24+$0x0] =	vst.idx.msk $0xffff, v51  }
0x1ce: {  	v53 =	vadd.s32 $0x9C44, v27;
	[tilespmem:v50+s24+$0x0] =	vst.idx.msk $0xffff, v23  }
0x1cf: {  	v55 =	vadd.s32 $0xEA66, v27;
	v54 =	vld.idx.msk [tilespmem:v27+s24+$0x0], $0xffff  }
0x1d0: {  	v23 =	vadd.s32 $0xC355, v27;
	v56 =	vld.idx.msk [tilespmem:v63+s24+$0x0], $0xffff  }
0x1d1: {  	v57 =	vadd.s32 $0x11177, v27;
	v41 =	vld.idx.msk [tilespmem:v49+s24+$0x0], $0xffff  }
0x1d2: {  	v42 =	vld.idx.msk [tilespmem:v52+s24+$0x0], $0xffff  }
0x1d3: {  	v43 =	vld.idx.msk [tilespmem:v53+s24+$0x0], $0xffff;
	s0 =	spop (v2sf)  }
0x1d4: {  	v45 =	vld.idx.msk [tilespmem:v55+s24+$0x0], $0xffff;
	p1 =	sgt.f32 s0, $0.0e+00  }
0x1d5: {  	v44 =	vld.idx.msk [tilespmem:v23+s24+$0x0], $0xffff;
	v29 =	vmax.f32 v54, v38;
	s0 =	spop (v2sf)  }
0x1d6: {  	v58 =	vld.idx.msk [tilespmem:v57+s24+$0x0], $0xffff;
	v59 =	vmax.f32 v56, v34;
	[tilespmem:v27+s24+$0x0] =	vst.idx.msk $0xffff, v29;
	p2 =	sgt.f32 @p1 s0, $0.0e+00  }
0x1d7: {  	v60 =	vmax.f32 v41, v35;
	[tilespmem:v63+s24+$0x0] =	vst.idx.msk $0xffff, v59  }
0x1d8: {  	v61 =	vmax.f32 v42, v36;
	[tilespmem:v49+s24+$0x0] =	vst.idx.msk $0xffff, v60;
	p1 =	por !p1, !p2  }
.Ltmp13:
0x1d9: {  	v62 =	vmax.f32 v43, v37;
	[tilespmem:v52+s24+$0x0] =	vst.idx.msk $0xffff, v61;
	(pc) =	sbr.rel @!p1 .LBB2_19-.Ltmp13, $4  }
0x1da: {  	v63 =	vmax.f32 v44, v39;
	[tilespmem:v53+s24+$0x0] =	vst.idx.msk $0xffff, v62  }
0x1db: {  	[tilespmem:v23+s24+$0x0] =	vst.idx.msk $0xffff, v63;
	v23 =	vmax.f32 v45, v40  }
0x1dc: {  	[tilespmem:v55+s24+$0x0] =	vst.idx.msk $0xffff, v23;
	v23 =	vmax.f32 v58, v33  }
0x1dd: {  	[tilespmem:v57+s24+$0x0] =	vst.idx.msk $0xffff, v23  }
0x1de: {  	v23 =	vor.u32 v2, v22;
	_ =	sdelay $0x4  }
0x1df: {  	v24 =	vld.idx.msk [tilespmem:v23+s19+$0x0], $0xff;
	_ =	sdelay $0x2  }
0x1e0: {  	v25 =	vshll.u32 v23, $0x3  }
0x1e1: {  	v25 =	vor.u32 v3, v25  }
0x1e2: {  	v24 =	vadd.s32 v5, v24;
	_ =	sdelay $0x3  }
0x1e3: {  	v26 =	vld.idx.msk [tilespmem:v25+s22+$0x0], $0xff  }
0x1e4: {  	v27 =	vld.idx.msk [tilespmem:v24+s24+$0x0], $0xff;
	_ =	sdelay $0x1  }
0x1e5: {  	v28 =	vor.u32 v6, v22;
	_ =	sdelay $0x2  }
0x1e6: {  	v26 =	vmax.f32 v27, v26  }
0x1e7: {  	[tilespmem:v24+s24+$0x0] =	vst.idx.msk $0xff, v26  }
0x1e8: {  	v24 =	vld.idx.msk [tilespmem:v28+s19+$0x0], $0xff;
	_ =	sdelay $0x2  }
0x1e9: {  	v49 =	vshll.u32 v28, $0x3  }
0x1ea: {  	v26 =	vor.u32 v3, v49  }
0x1eb: {  	v24 =	vadd.s32 v5, v24;
	_ =	sdelay $0x3  }
0x1ec: {  	v50 =	vld.idx.msk [tilespmem:v26+s22+$0x0], $0xff  }
0x1ed: {  	v29 =	vld.idx.msk [tilespmem:v24+s24+$0x0], $0xff;
	_ =	sdelay $0x1  }
0x1ee: {  	v30 =	vor.u32 v7, v22;
	_ =	sdelay $0x2  }
0x1ef: {  	v27 =	vmax.f32 v29, v50  }
0x1f0: {  	[tilespmem:v24+s24+$0x0] =	vst.idx.msk $0xff, v27  }
0x1f1: {  	v24 =	vld.idx.msk [tilespmem:v30+s19+$0x0], $0xff;
	_ =	sdelay $0x2  }
0x1f2: {  	v51 =	vshll.u32 v30, $0x3  }
0x1f3: {  	v27 =	vor.u32 v3, v51  }
0x1f4: {  	v24 =	vadd.s32 v5, v24;
	_ =	sdelay $0x3  }
0x1f5: {  	v52 =	vld.idx.msk [tilespmem:v27+s22+$0x0], $0xff  }
0x1f6: {  	v31 =	vld.idx.msk [tilespmem:v24+s24+$0x0], $0xff;
	_ =	sdelay $0x1  }
0x1f7: {  	v32 =	vor.u32 v8, v22;
	_ =	sdelay $0x2  }
0x1f8: {  	v29 =	vmax.f32 v31, v52  }
0x1f9: {  	[tilespmem:v24+s24+$0x0] =	vst.idx.msk $0xff, v29  }
0x1fa: {  	v24 =	vld.idx.msk [tilespmem:v32+s19+$0x0], $0xff;
	_ =	sdelay $0x2  }
0x1fb: {  	v53 =	vshll.u32 v32, $0x3  }
0x1fc: {  	v29 =	vor.u32 v3, v53  }
0x1fd: {  	v24 =	vadd.s32 v5, v24;
	_ =	sdelay $0x3  }
0x1fe: {  	v54 =	vld.idx.msk [tilespmem:v29+s22+$0x0], $0xff  }
0x1ff: {  	v33 =	vld.idx.msk [tilespmem:v24+s24+$0x0], $0xff  }
0x200: {  	v34 =	vor.u32 v9, v22  }
0x201: {  	v35 =	vand.u32 v10, v34;
	_ =	sdelay $0x2  }
0x202: {  	v31 =	vmax.f32 v33, v54  }
0x203: {  	[tilespmem:v24+s24+$0x0] =	vst.idx.msk $0xff, v31  }
0x204: {  	v24 =	vld.idx.msk [tilespmem:v35+s19+$0x0], $0xff;
	_ =	sdelay $0x2  }
0x205: {  	v55 =	vshll.u32 v34, $0x3  }
0x206: {  	v31 =	vor.u32 v3, v55  }
0x207: {  	v24 =	vadd.s32 v5, v24;
	_ =	sdelay $0x3  }
0x208: {  	v56 =	vld.idx.msk [tilespmem:v31+s22+$0x0], $0xff  }
0x209: {  	v57 =	vld.idx.msk [tilespmem:v24+s24+$0x0], $0xff  }
0x20a: {  	v36 =	vor.u32 v11, v22  }
0x20b: {  	v37 =	vand.u32 v12, v36;
	_ =	sdelay $0x2  }
0x20c: {  	v33 =	vmax.f32 v57, v56  }
0x20d: {  	[tilespmem:v24+s24+$0x0] =	vst.idx.msk $0xff, v33  }
0x20e: {  	v24 =	vld.idx.msk [tilespmem:v37+s19+$0x0], $0xff;
	_ =	sdelay $0x2  }
0x20f: {  	v58 =	vshll.u32 v36, $0x3  }
0x210: {  	v33 =	vor.u32 v3, v58  }
0x211: {  	v24 =	vadd.s32 v5, v24;
	_ =	sdelay $0x3  }
0x212: {  	v59 =	vld.idx.msk [tilespmem:v33+s22+$0x0], $0xff  }
0x213: {  	v60 =	vld.idx.msk [tilespmem:v24+s24+$0x0], $0xff  }
0x214: {  	v38 =	vor.u32 v13, v22  }
0x215: {  	v39 =	vand.u32 v14, v38;
	_ =	sdelay $0x2  }
0x216: {  	v34 =	vmax.f32 v60, v59  }
0x217: {  	[tilespmem:v24+s24+$0x0] =	vst.idx.msk $0xff, v34  }
0x218: {  	v24 =	vld.idx.msk [tilespmem:v39+s19+$0x0], $0xff;
	_ =	sdelay $0x2  }
0x219: {  	v61 =	vshll.u32 v38, $0x3  }
0x21a: {  	v34 =	vor.u32 v3, v61  }
0x21b: {  	v24 =	vadd.s32 v5, v24;
	_ =	sdelay $0x3  }
0x21c: {  	v62 =	vld.idx.msk [tilespmem:v34+s22+$0x0], $0xff  }
0x21d: {  	v63 =	vld.idx.msk [tilespmem:v24+s24+$0x0], $0xff  }
0x21e: {  	v22 =	vor.u32 v15, v22  }
0x21f: {  	v40 =	vand.u32 v16, v22;
	_ =	sdelay $0x2  }
0x220: {  	v36 =	vmax.f32 v63, v62  }
0x221: {  	[tilespmem:v24+s24+$0x0] =	vst.idx.msk $0xff, v36  }
0x222: {  	v24 =	vld.idx.msk [tilespmem:v40+s19+$0x0], $0xff;
	_ =	sdelay $0x2  }
0x223: {  	v22 =	vshll.u32 v22, $0x3  }
0x224: {  	v22 =	vor.u32 v3, v22  }
0x225: {  	v24 =	vadd.s32 v5, v24;
	_ =	sdelay $0x3  }
0x226: {  	v36 =	vld.idx.msk [tilespmem:v22+s22+$0x0], $0xff  }
0x227: {  	v43 =	vld.idx.msk [tilespmem:v24+s24+$0x0], $0xff;
	_ =	sdelay $0x4  }
0x228: {  	v36 =	vmax.f32 v43, v36  }
0x229: {  	[tilespmem:v24+s24+$0x0] =	vst.idx.msk $0xff, v36  }
0x22a: {  	v23 =	vld.idx.msk [tilespmem:v23+s19+$0x0], vm0;
	_ =	sdelay $0x4  }
0x22b: {  	v23 =	vadd.s32 v5, v23;
	_ =	sdelay $0x3  }
0x22c: {  	v24 =	vld.idx.msk [tilespmem:v25+s22+$0x0], vm0  }
0x22d: {  	v44 =	vld.idx.msk [tilespmem:v23+s24+$0x0], vm0;
	_ =	sdelay $0x4  }
0x22e: {  	v24 =	vmax.f32 v44, v24  }
0x22f: {  	[tilespmem:v23+s24+$0x0] =	vst.idx.msk vm0, v24  }
0x230: {  	v23 =	vld.idx.msk [tilespmem:v28+s19+$0x0], vm0;
	_ =	sdelay $0x4  }
0x231: {  	v23 =	vadd.s32 v5, v23;
	_ =	sdelay $0x3  }
0x232: {  	v24 =	vld.idx.msk [tilespmem:v26+s22+$0x0], vm0  }
0x233: {  	v45 =	vld.idx.msk [tilespmem:v23+s24+$0x0], vm0;
	_ =	sdelay $0x4  }
0x234: {  	v24 =	vmax.f32 v45, v24  }
0x235: {  	[tilespmem:v23+s24+$0x0] =	vst.idx.msk vm0, v24  }
0x236: {  	v23 =	vld.idx.msk [tilespmem:v30+s19+$0x0], vm0;
	_ =	sdelay $0x4  }
0x237: {  	v23 =	vadd.s32 v5, v23;
	_ =	sdelay $0x3  }
0x238: {  	v24 =	vld.idx.msk [tilespmem:v27+s22+$0x0], vm0  }
0x239: {  	v46 =	vld.idx.msk [tilespmem:v23+s24+$0x0], vm0;
	_ =	sdelay $0x4  }
0x23a: {  	v24 =	vmax.f32 v46, v24  }
0x23b: {  	[tilespmem:v23+s24+$0x0] =	vst.idx.msk vm0, v24  }
0x23c: {  	v23 =	vld.idx.msk [tilespmem:v32+s19+$0x0], vm0;
	_ =	sdelay $0x4  }
0x23d: {  	v23 =	vadd.s32 v5, v23;
	_ =	sdelay $0x3  }
0x23e: {  	v24 =	vld.idx.msk [tilespmem:v29+s22+$0x0], vm0  }
0x23f: {  	v47 =	vld.idx.msk [tilespmem:v23+s24+$0x0], vm0;
	_ =	sdelay $0x4  }
0x240: {  	v24 =	vmax.f32 v47, v24  }
0x241: {  	[tilespmem:v23+s24+$0x0] =	vst.idx.msk vm0, v24  }
0x242: {  	v23 =	vld.idx.msk [tilespmem:v35+s19+$0x0], vm0;
	_ =	sdelay $0x4  }
0x243: {  	v23 =	vadd.s32 v5, v23;
	_ =	sdelay $0x3  }
0x244: {  	v24 =	vld.idx.msk [tilespmem:v31+s22+$0x0], vm0  }
0x245: {  	v48 =	vld.idx.msk [tilespmem:v23+s24+$0x0], vm0;
	_ =	sdelay $0x4  }
0x246: {  	v24 =	vmax.f32 v48, v24  }
0x247: {  	[tilespmem:v23+s24+$0x0] =	vst.idx.msk vm0, v24  }
0x248: {  	v23 =	vld.idx.msk [tilespmem:v37+s19+$0x0], vm0;
	_ =	sdelay $0x4  }
0x249: {  	v23 =	vadd.s32 v5, v23;
	_ =	sdelay $0x3  }
0x24a: {  	v24 =	vld.idx.msk [tilespmem:v33+s22+$0x0], vm0  }
0x24b: {  	v49 =	vld.idx.msk [tilespmem:v23+s24+$0x0], vm0;
	_ =	sdelay $0x4  }
0x24c: {  	v24 =	vmax.f32 v49, v24  }
0x24d: {  	[tilespmem:v23+s24+$0x0] =	vst.idx.msk vm0, v24  }
0x24e: {  	v23 =	vld.idx.msk [tilespmem:v39+s19+$0x0], vm0;
	_ =	sdelay $0x4  }
0x24f: {  	v23 =	vadd.s32 v5, v23;
	_ =	sdelay $0x3  }
0x250: {  	v24 =	vld.idx.msk [tilespmem:v34+s22+$0x0], vm0  }
0x251: {  	v50 =	vld.idx.msk [tilespmem:v23+s24+$0x0], vm0;
	_ =	sdelay $0x4  }
0x252: {  	v24 =	vmax.f32 v50, v24  }
0x253: {  	[tilespmem:v23+s24+$0x0] =	vst.idx.msk vm0, v24  }
0x254: {  	v23 =	vld.idx.msk [tilespmem:v40+s19+$0x0], vm0;
	_ =	sdelay $0x4  }
0x255: {  	v23 =	vadd.s32 v5, v23;
	_ =	sdelay $0x3  }
0x256: {  	v22 =	vld.idx.msk [tilespmem:v22+s22+$0x0], vm0  }
0x257: {  	v24 =	vld.idx.msk [tilespmem:v23+s24+$0x0], vm0;
	_ =	sdelay $0x1  }
0x258: {  	v25 =	vor.u32 v2, v21;
	_ =	sdelay $0x2  }
0x259: {  	v22 =	vmax.f32 v24, v22  }
0x25a: {  	[tilespmem:v23+s24+$0x0] =	vst.idx.msk vm0, v22  }
0x25b: {  	v22 =	vld.idx.msk [tilespmem:v25+s19+$0x0], $0xff;
	_ =	sdelay $0x2  }
0x25c: {  	v23 =	vshll.u32 v25, $0x3  }
0x25d: {  	v23 =	vor.u32 v3, v23  }
0x25e: {  	v22 =	vadd.s32 v5, v22;
	_ =	sdelay $0x3  }
0x25f: {  	v51 =	vld.idx.msk [tilespmem:v23+s22+$0x0], $0xff  }
0x260: {  	v52 =	vld.idx.msk [tilespmem:v22+s24+$0x0], $0xff;
	_ =	sdelay $0x1  }
0x261: {  	v27 =	vor.u32 v6, v21;
	_ =	sdelay $0x2  }
0x262: {  	v24 =	vmax.f32 v52, v51  }
0x263: {  	[tilespmem:v22+s24+$0x0] =	vst.idx.msk $0xff, v24  }
0x264: {  	v22 =	vld.idx.msk [tilespmem:v27+s19+$0x0], $0xff;
	_ =	sdelay $0x2  }
0x265: {  	v53 =	vshll.u32 v27, $0x3  }
0x266: {  	v24 =	vor.u32 v3, v53  }
0x267: {  	v22 =	vadd.s32 v5, v22;
	_ =	sdelay $0x3  }
0x268: {  	v54 =	vld.idx.msk [tilespmem:v24+s22+$0x0], $0xff  }
0x269: {  	v55 =	vld.idx.msk [tilespmem:v22+s24+$0x0], $0xff;
	_ =	sdelay $0x1  }
0x26a: {  	v29 =	vor.u32 v7, v21;
	_ =	sdelay $0x2  }
0x26b: {  	v26 =	vmax.f32 v55, v54  }
0x26c: {  	[tilespmem:v22+s24+$0x0] =	vst.idx.msk $0xff, v26  }
0x26d: {  	v22 =	vld.idx.msk [tilespmem:v29+s19+$0x0], $0xff;
	_ =	sdelay $0x2  }
0x26e: {  	v56 =	vshll.u32 v29, $0x3  }
0x26f: {  	v26 =	vor.u32 v3, v56  }
0x270: {  	v22 =	vadd.s32 v5, v22;
	_ =	sdelay $0x3  }
0x271: {  	v57 =	vld.idx.msk [tilespmem:v26+s22+$0x0], $0xff  }
0x272: {  	v58 =	vld.idx.msk [tilespmem:v22+s24+$0x0], $0xff;
	_ =	sdelay $0x1  }
0x273: {  	v31 =	vor.u32 v8, v21;
	_ =	sdelay $0x2  }
0x274: {  	v28 =	vmax.f32 v58, v57  }
0x275: {  	[tilespmem:v22+s24+$0x0] =	vst.idx.msk $0xff, v28  }
0x276: {  	v22 =	vld.idx.msk [tilespmem:v31+s19+$0x0], $0xff;
	_ =	sdelay $0x2  }
0x277: {  	v59 =	vshll.u32 v31, $0x3  }
0x278: {  	v28 =	vor.u32 v3, v59  }
0x279: {  	v22 =	vadd.s32 v5, v22;
	_ =	sdelay $0x3  }
0x27a: {  	v60 =	vld.idx.msk [tilespmem:v28+s22+$0x0], $0xff  }
0x27b: {  	v61 =	vld.idx.msk [tilespmem:v22+s24+$0x0], $0xff  }
0x27c: {  	v62 =	vor.u32 v9, v21  }
0x27d: {  	v63 =	vand.u32 v17, v62;
	_ =	sdelay $0x2  }
0x27e: {  	v30 =	vmax.f32 v61, v60  }
0x27f: {  	[tilespmem:v22+s24+$0x0] =	vst.idx.msk $0xff, v30  }
0x280: {  	v22 =	vld.idx.msk [tilespmem:v63+s19+$0x0], $0xff;
	_ =	sdelay $0x2  }
0x281: {  	v42 =	vshll.u32 v62, $0x3  }
0x282: {  	v30 =	vor.u32 v3, v42  }
0x283: {  	v22 =	vadd.s32 v5, v22;
	_ =	sdelay $0x3  }
0x284: {  	v43 =	vld.idx.msk [tilespmem:v30+s22+$0x0], $0xff  }
0x285: {  	v44 =	vld.idx.msk [tilespmem:v22+s24+$0x0], $0xff  }
0x286: {  	v45 =	vor.u32 v11, v21  }
0x287: {  	v46 =	vand.u32 v18, v45;
	_ =	sdelay $0x2  }
0x288: {  	v32 =	vmax.f32 v44, v43  }
0x289: {  	[tilespmem:v22+s24+$0x0] =	vst.idx.msk $0xff, v32  }
0x28a: {  	v22 =	vld.idx.msk [tilespmem:v46+s19+$0x0], $0xff;
	_ =	sdelay $0x2  }
0x28b: {  	v47 =	vshll.u32 v45, $0x3  }
0x28c: {  	v32 =	vor.u32 v3, v47  }
0x28d: {  	v22 =	vadd.s32 v5, v22;
	_ =	sdelay $0x3  }
0x28e: {  	v48 =	vld.idx.msk [tilespmem:v32+s22+$0x0], $0xff  }
0x28f: {  	v49 =	vld.idx.msk [tilespmem:v22+s24+$0x0], $0xff  }
0x290: {  	v50 =	vor.u32 v13, v21  }
0x291: {  	v51 =	vand.u32 v19, v50;
	_ =	sdelay $0x2  }
0x292: {  	v33 =	vmax.f32 v49, v48  }
0x293: {  	[tilespmem:v22+s24+$0x0] =	vst.idx.msk $0xff, v33  }
0x294: {  	v22 =	vld.idx.msk [tilespmem:v51+s19+$0x0], $0xff;
	_ =	sdelay $0x2  }
0x295: {  	v52 =	vshll.u32 v50, $0x3  }
0x296: {  	v33 =	vor.u32 v3, v52  }
0x297: {  	v22 =	vadd.s32 v5, v22;
	_ =	sdelay $0x3  }
0x298: {  	v53 =	vld.idx.msk [tilespmem:v33+s22+$0x0], $0xff  }
0x299: {  	v54 =	vld.idx.msk [tilespmem:v22+s24+$0x0], $0xff  }
0x29a: {  	v21 =	vor.u32 v15, v21  }
0x29b: {  	v55 =	vand.u32 v20, v21;
	_ =	sdelay $0x2  }
0x29c: {  	v35 =	vmax.f32 v54, v53  }
0x29d: {  	[tilespmem:v22+s24+$0x0] =	vst.idx.msk $0xff, v35  }
0x29e: {  	v22 =	vld.idx.msk [tilespmem:v55+s19+$0x0], $0xff;
	_ =	sdelay $0x2  }
0x29f: {  	v21 =	vshll.u32 v21, $0x3  }
0x2a0: {  	v21 =	vor.u32 v3, v21  }
0x2a1: {  	v22 =	vadd.s32 v5, v22;
	_ =	sdelay $0x3  }
0x2a2: {  	v35 =	vld.idx.msk [tilespmem:v21+s22+$0x0], $0xff  }
0x2a3: {  	v56 =	vld.idx.msk [tilespmem:v22+s24+$0x0], $0xff;
	_ =	sdelay $0x4  }
0x2a4: {  	v35 =	vmax.f32 v56, v35  }
0x2a5: {  	[tilespmem:v22+s24+$0x0] =	vst.idx.msk $0xff, v35  }
0x2a6: {  	v22 =	vld.idx.msk [tilespmem:v25+s19+$0x0], vm0;
	_ =	sdelay $0x4  }
0x2a7: {  	v22 =	vadd.s32 v5, v22;
	_ =	sdelay $0x3  }
0x2a8: {  	v23 =	vld.idx.msk [tilespmem:v23+s22+$0x0], vm0  }
0x2a9: {  	v57 =	vld.idx.msk [tilespmem:v22+s24+$0x0], vm0;
	_ =	sdelay $0x4  }
0x2aa: {  	v23 =	vmax.f32 v57, v23  }
0x2ab: {  	[tilespmem:v22+s24+$0x0] =	vst.idx.msk vm0, v23  }
0x2ac: {  	v22 =	vld.idx.msk [tilespmem:v27+s19+$0x0], vm0;
	_ =	sdelay $0x4  }
0x2ad: {  	v22 =	vadd.s32 v5, v22;
	_ =	sdelay $0x3  }
0x2ae: {  	v23 =	vld.idx.msk [tilespmem:v24+s22+$0x0], vm0  }
0x2af: {  	v58 =	vld.idx.msk [tilespmem:v22+s24+$0x0], vm0;
	_ =	sdelay $0x4  }
0x2b0: {  	v23 =	vmax.f32 v58, v23  }
0x2b1: {  	[tilespmem:v22+s24+$0x0] =	vst.idx.msk vm0, v23  }
0x2b2: {  	v22 =	vld.idx.msk [tilespmem:v29+s19+$0x0], vm0;
	_ =	sdelay $0x4  }
0x2b3: {  	v22 =	vadd.s32 v5, v22;
	_ =	sdelay $0x3  }
0x2b4: {  	v23 =	vld.idx.msk [tilespmem:v26+s22+$0x0], vm0  }
0x2b5: {  	v59 =	vld.idx.msk [tilespmem:v22+s24+$0x0], vm0;
	_ =	sdelay $0x4  }
0x2b6: {  	v23 =	vmax.f32 v59, v23  }
0x2b7: {  	[tilespmem:v22+s24+$0x0] =	vst.idx.msk vm0, v23  }
0x2b8: {  	v22 =	vld.idx.msk [tilespmem:v31+s19+$0x0], vm0;
	_ =	sdelay $0x4  }
0x2b9: {  	v22 =	vadd.s32 v5, v22;
	_ =	sdelay $0x3  }
0x2ba: {  	v23 =	vld.idx.msk [tilespmem:v28+s22+$0x0], vm0  }
0x2bb: {  	v60 =	vld.idx.msk [tilespmem:v22+s24+$0x0], vm0;
	_ =	sdelay $0x4  }
0x2bc: {  	v23 =	vmax.f32 v60, v23  }
0x2bd: {  	[tilespmem:v22+s24+$0x0] =	vst.idx.msk vm0, v23  }
0x2be: {  	v22 =	vld.idx.msk [tilespmem:v63+s19+$0x0], vm0;
	_ =	sdelay $0x4  }
0x2bf: {  	v22 =	vadd.s32 v5, v22;
	_ =	sdelay $0x3  }
0x2c0: {  	v23 =	vld.idx.msk [tilespmem:v30+s22+$0x0], vm0  }
0x2c1: {  	v61 =	vld.idx.msk [tilespmem:v22+s24+$0x0], vm0;
	_ =	sdelay $0x4  }
0x2c2: {  	v23 =	vmax.f32 v61, v23  }
0x2c3: {  	[tilespmem:v22+s24+$0x0] =	vst.idx.msk vm0, v23  }
0x2c4: {  	v22 =	vld.idx.msk [tilespmem:v46+s19+$0x0], vm0;
	_ =	sdelay $0x4  }
0x2c5: {  	v22 =	vadd.s32 v5, v22;
	_ =	sdelay $0x3  }
0x2c6: {  	v23 =	vld.idx.msk [tilespmem:v32+s22+$0x0], vm0  }
0x2c7: {  	v62 =	vld.idx.msk [tilespmem:v22+s24+$0x0], vm0;
	_ =	sdelay $0x4  }
0x2c8: {  	v23 =	vmax.f32 v62, v23  }
0x2c9: {  	[tilespmem:v22+s24+$0x0] =	vst.idx.msk vm0, v23  }
0x2ca: {  	v22 =	vld.idx.msk [tilespmem:v51+s19+$0x0], vm0;
	_ =	sdelay $0x4  }
0x2cb: {  	v22 =	vadd.s32 v5, v22;
	_ =	sdelay $0x3  }
0x2cc: {  	v23 =	vld.idx.msk [tilespmem:v33+s22+$0x0], vm0  }
0x2cd: {  	v63 =	vld.idx.msk [tilespmem:v22+s24+$0x0], vm0;
	_ =	sdelay $0x4  }
0x2ce: {  	v23 =	vmax.f32 v63, v23  }
0x2cf: {  	[tilespmem:v22+s24+$0x0] =	vst.idx.msk vm0, v23  }
0x2d0: {  	v22 =	vld.idx.msk [tilespmem:v55+s19+$0x0], vm0;
	_ =	sdelay $0x4  }
0x2d1: {  	v22 =	vadd.s32 v5, v22;
	_ =	sdelay $0x3  }
0x2d2: {  	v21 =	vld.idx.msk [tilespmem:v21+s22+$0x0], vm0  }
0x2d3: {  	v23 =	vld.idx.msk [tilespmem:v22+s24+$0x0], vm0;
	_ =	sdelay $0x1  }
.Ltmp14:
0x2d4: {  	_ = 	snop;
	(pc) =	sbr.rel .LBB2_19-.Ltmp14, $3  }
0x2d5: {  	_ =	sdelay $0x1  }
0x2d6: {  	v21 =	vmax.f32 v23, v21  }
0x2d7: {  	[tilespmem:v22+s24+$0x0] =	vst.idx.msk vm0, v21  }
.LBB2_20:
.Ltmp15:
0x2d8: {  	(pc) =	sbr.rel @p0 .LBB2_22-.Ltmp15, $1  }
0x2d9: {  	_ =	sdelay $0x3  }
0x2da: {  	s0 =	smul.u32 $0xC80, s29;
	_ =	sdelay $0x1  }
0x2db: {  	s0 =	sadd.s32 s0, s11  }
.Ltmp16:
0x2dc: {  	s0 =	sshrl.u32 s0, $0x3;
	(pc) =	sbr.rel .LBB2_6-.Ltmp16, $4  }
0x2dd: {  	s30 =	sadd.s32 s4, s0  }
0x2de: {  	[tilespmem:s19], [sflag:$0x4] =	stream.linear.gather [hbm4b:s30+s3], $0x640, $0x38;
	[tilespmem:$0x1C238] =	vst v63  }
0x2df: {  	s29 =	sadd.s32 $0x1, s29;
	s0 =	sadd.s32 s5, s0  }
0x2e0: {  	[tilespmem:s16], [sflag:$0x4] =	stream.linear.gather [hbm4b:s0+s3], $0x640, $0x38;
	[tilespmem:$0x1C238] =	vst v63  }
.LBB2_23:
0x2e1: {  	_ =	sfence.sel $0x180000  }
0x2e2: {  	[bflag:$0x0] =	sbarrier.arrive $0xFFFF  }
0x2e3: {  	_ =	strace $0x90000047  }
0x2e4: {  	[bflag:$0x2] =	sbarrier.arrive $0xFFFF  }
0x2e5: {  	p0 =	sne.s32 s2, $0x0;
	s0 =	rddreg [dreg:$0x2]  }
0x2e6: {  	s0 =	sadd.s32 @!p0 $0x100000, s0  }
0x2e7: {  	[sflag:s0] =	ssyncadd.tile.s32 @!p0 $0x1;
	_ =	shalt  }
.Lfunc_end2:
_tile_overlayer_lowered:
.L_overlay_start_2:
0x2e8: {  	(tag) =	ssettag $0x2  }
0x2e9: {  	s0 =	rddreg [dreg:$0x0];
	s2 =	stileid.u32  }
0x2ea: {  	s1 =	rddreg [dreg:$0x1];
	p0 =	sne.s32 s2, $0x0  }
0x2eb: {  	s3 =	rddreg [dreg:$0x2];
	[bflag:$0x3] =	sbarrier.arrive $0xFFFF;
	s2 =	simm.s32 @!p0 $0x1C05  }
0x2ec: {  	[timem:s3], [sflag:s2] =	dma.local @!p0 [hbm:s0], s1  }
0x2ed: {  	s0 =	simm.s32 @!p0 $0x5  }
0x2ee: {  	_ =	swait.ge @!p0 [sflag:s0], s1  }
0x2ef: {  	s1 =	ssub.s32 @!p0 $0x0, s1;
	[sflag:s0] =	ssyncset.done @!p0 $0x0  }
0x2f0: {  	[sflag:s0] =	ssyncadd.s32 @!p0 s1  }
0x2f1: {  	[bflag:$0x3] =	sbarrier.arrive $0xFFFF  }
0x2f2: {  	_ =	shalt  }

</sc_bundles>
